<compile_context>
chip_gen: v7x
topology: tpu7x:2x2x1
jax: 0.10.2.dev20260603
libtpu: 0.0.44.dev20260713+nightly
codegen_flags: <defaults>
</compile_context>

<pallas_src>
import functools

import jax
import jax.numpy as jnp
from jax import lax
from jax.experimental import pallas as pl
from jax.experimental.pallas import tpu as pltpu
from jax.experimental.pallas import tpu_sc as plsc

_BATCH = 4096
_L = 200
_D = 32
_NB = 4
_BB = 128


@functools.cache
def _build_sc_call():
    info = plsc.get_sparse_core_info()
    nc, ns = info.num_cores, info.num_subcores
    nw = nc * ns
    assert _BATCH // _BB == nw
    passes = _L // _NB

    mesh = plsc.VectorSubcoreMesh(core_axis_name="c", subcore_axis_name="s")

    scratch = (
        [pltpu.VMEM((_L // 8, 8, _BB), jnp.int32),
         pltpu.VMEM((_L, _D), jnp.float32)]
        + [pltpu.VMEM((_BB, _D), jnp.float32) for _ in range(_NB)]
        + [pltpu.VMEM((_D, _BB + 1), jnp.float32) for _ in range(_NB)]
        + [pltpu.SemaphoreType.DMA for _ in range(2 * _NB)]
    )

    @functools.partial(
        pl.kernel,
        mesh=mesh,
        out_type=jax.ShapeDtypeStruct((_L, _D // 8, nw, 8, _BB), jnp.float32),
        scratch_types=scratch,
        compiler_params=pltpu.CompilerParams(
            use_tc_tiling_on_sc=False, needs_layout_passes=False
        ),
    )
    def emb_kernel(idx_hbm, tok_hbm, pos_hbm, out_hbm, *sc):
        idx_v, pos_v = sc[0], sc[1]
        gbufs = sc[2:2 + _NB]
        obufs = sc[2 + _NB:2 + 2 * _NB]
        gsems = sc[2 + 2 * _NB:2 + 3 * _NB]
        osems = sc[2 + 3 * _NB:2 + 4 * _NB]

        wid = lax.axis_index("s") * nc + lax.axis_index("c")

        pltpu.sync_copy(idx_hbm.at[:, wid, :, :], idx_v)
        pltpu.sync_copy(pos_hbm, pos_v)

        def start_gather(b, l):
            pltpu.async_copy(
                tok_hbm.at[idx_v.at[l // 8, l % 8]], gbufs[b], gsems[b]
            )

        def wait_gather(b, l):
            pltpu.make_async_copy(
                tok_hbm.at[idx_v.at[l // 8, l % 8]], gbufs[b], gsems[b]
            ).wait()

        for b in range(_NB):
            start_gather(b, b)

        lane = lax.iota(jnp.int32, 16)
        dv0 = lane
        dv1 = lane + 16

        def one_pass(g, carry):
            for b in range(_NB):
                l = g * _NB + b
                wait_gather(b, l)

                @pl.when(g > 0)
                def _wait_prev_out(b=b, l=l):
                    for tr in range(_D // 8):
                        pltpu.make_async_copy(
                            obufs[b].at[pl.ds(8 * tr, 8), pl.ds(0, _BB)],
                            out_hbm.at[l - _NB, tr, wid],
                            osems[b],
                        ).wait()

                p0 = pos_v[l, pl.ds(0, 16)]
                p1 = pos_v[l, pl.ds(16, 16)]

                @plsc.parallel_loop(0, _BB, unroll=8)
                def _scatter(c, b=b, p0=p0, p1=p1):
                    cs = jnp.full((16,), c, jnp.int32)
                    v0 = gbufs[b][c, pl.ds(0, 16)] + p0
                    v1 = gbufs[b][c, pl.ds(16, 16)] + p1
                    plsc.store_scatter(obufs[b], [dv0, cs], v0)
                    plsc.store_scatter(obufs[b], [dv1, cs], v1)

                for tr in range(_D // 8):
                    pltpu.async_copy(
                        obufs[b].at[pl.ds(8 * tr, 8), pl.ds(0, _BB)],
                        out_hbm.at[l, tr, wid],
                        osems[b],
                    )

                @pl.when(g < passes - 1)
                def _prefetch_next(b=b, l=l):
                    start_gather(b, l + _NB)
            return carry

        lax.fori_loop(0, passes, one_pass, 0)

        for b in range(_NB):
            l = (passes - 1) * _NB + b
            for tr in range(_D // 8):
                pltpu.make_async_copy(
                    obufs[b].at[pl.ds(8 * tr, 8), pl.ds(0, _BB)],
                    out_hbm.at[l, tr, wid],
                    osems[b],
                ).wait()

    return emb_kernel, nw


_TC_COLS = 512


def _transpose_table(tab_t):
    v = tab_t.shape[1]
    c = _TC_COLS
    r = c // 4

    j = jnp.arange(c)
    perm = (jnp.arange(c)[:, None] == 4 * (j % r)[None, :] + (j // r)[None, :])
    perm = perm.astype(jnp.float32)

    def body(x_ref, b_ref, o_ref):
        z = jnp.dot(x_ref[...], b_ref[...], preferred_element_type=jnp.float32)
        for q in range(4):
            o_ref[:, 32 * q:32 * (q + 1)] = z[:, r * q:r * (q + 1)].T

    return pl.pallas_call(
        body,
        grid=(pl.cdiv(v, c),),
        in_specs=[
            pl.BlockSpec((_D, c), lambda i: (0, i)),
            pl.BlockSpec((c, c), lambda i: (0, 0)),
        ],
        out_specs=pl.BlockSpec((r, 128), lambda i: (i, 0)),
        out_shape=jax.ShapeDtypeStruct((v * _D // 128, 128), jnp.float32),
    )(tab_t, perm)


def kernel(inputs, token_table, pos_table):
    emb, nw = _build_sc_call()
    idx = (
        inputs.astype(jnp.int32)
        .T.reshape(_L // 8, 8, nw, _BB)
        .transpose(0, 2, 1, 3)
    )
    outp = emb(idx, token_table, pos_table)
    return outp.transpose(2, 4, 0, 1, 3).reshape(_BATCH, _L, _D)

# --- scband reference (transcript-rebuilt; emitter-appended) ---
"""Pipeline reference for scband-positional-embedding-36756330119597 (READ-ONLY COPY).

The authoritative reference and input builder live on the scoring server;
editing this copy changes nothing except your own understanding.
"""

import jax, jax.numpy as jnp
import numpy as np

SEQUENCE_LENGTH = 200
INPUT_DIM = 1000000
OUTPUT_DIM = 32
BATCH = 4096


def setup_inputs(seed: int = 0) -> dict:
    key = jax.random.key(seed)
    k_idx, k_tok, k_pos = jax.random.split(key, 3)
    inputs = jax.random.randint(k_idx, (BATCH, SEQUENCE_LENGTH), 0, INPUT_DIM, dtype=jnp.int64 if jax.config.read('jax_enable_x64') else jnp.int32)
    # learned parameters: token embedding table and positional embedding table
    token_table = jax.random.uniform(k_tok, (INPUT_DIM, OUTPUT_DIM), dtype=jnp.float32, minval=-0.05, maxval=0.05)
    pos_table = jax.random.uniform(k_pos, (SEQUENCE_LENGTH, OUTPUT_DIM), dtype=jnp.float32, minval=-0.05, maxval=0.05)
    return {"inputs": inputs, "token_table": token_table, "pos_table": pos_table}


def reference(inputs, token_table, pos_table):
    # length = tf.shape(inputs)[-1]
    length = inputs.shape[-1]
    # positions = tf.range(0, length)
    positions = jnp.arange(0, length)
    # embedded_tokens = self.token_embeddings(inputs)  -> gather
    embedded_tokens = jnp.take(token_table, inputs, axis=0)
    # embedded_positions = self.position_embeddings(positions)
    embedded_positions = jnp.take(pos_table, positions, axis=0)
    # broadcast add: [B, L, D] + [L, D]
    return embedded_tokens + embedded_positions

if __name__ == "__main__":
    import jax
    _d = setup_inputs()
    print(jax.jit(kernel)(*tuple(_d.values())))

</pallas_src>

<mosaic_0001>
#map = affine_map<(d0, d1) -> (0, 0, 0, 0)>
#map1 = affine_map<(d0, d1) -> (0, 0)>
#map2 = affine_map<(d0, d1) -> (0, 0, 0, 0, 0)>
module attributes {stable_mosaic.version = 14 : i64} {
  func.func @emb_kernel(%arg0: i32, %arg1: i32, %arg2: memref<25x32x8x128xi32, #tpu.memory_space<hbm>>, %arg3: memref<1000000x32xf32, #tpu.memory_space<hbm>>, %arg4: memref<200x32xf32, #tpu.memory_space<hbm>>, %arg5: memref<200x4x32x8x128xf32, #tpu.memory_space<hbm>>, %arg6: memref<25x8x128xi32, #tpu.memory_space<vmem>>, %arg7: memref<200x32xf32, #tpu.memory_space<vmem>>, %arg8: memref<128x32xf32, #tpu.memory_space<vmem>>, %arg9: memref<128x32xf32, #tpu.memory_space<vmem>>, %arg10: memref<128x32xf32, #tpu.memory_space<vmem>>, %arg11: memref<128x32xf32, #tpu.memory_space<vmem>>, %arg12: memref<32x129xf32, #tpu.memory_space<vmem>>, %arg13: memref<32x129xf32, #tpu.memory_space<vmem>>, %arg14: memref<32x129xf32, #tpu.memory_space<vmem>>, %arg15: memref<32x129xf32, #tpu.memory_space<vmem>>, %arg16: memref<!tpu.dma_semaphore, #tpu.memory_space<semaphore_mem>>, %arg17: memref<!tpu.dma_semaphore, #tpu.memory_space<semaphore_mem>>, %arg18: memref<!tpu.dma_semaphore, #tpu.memory_space<semaphore_mem>>, %arg19: memref<!tpu.dma_semaphore, #tpu.memory_space<semaphore_mem>>, %arg20: memref<!tpu.dma_semaphore, #tpu.memory_space<semaphore_mem>>, %arg21: memref<!tpu.dma_semaphore, #tpu.memory_space<semaphore_mem>>, %arg22: memref<!tpu.dma_semaphore, #tpu.memory_space<semaphore_mem>>, %arg23: memref<!tpu.dma_semaphore, #tpu.memory_space<semaphore_mem>>) attributes {dimension_semantics = [#tpu.dimension_semantics<core_parallel>, #tpu.dimension_semantics<subcore_parallel>], iteration_bounds = array<i64: 2, 16>, scalar_prefetch = 0 : i64, scratch_operands = 18 : i64, tpu.core_type = #tpu.core_type<sc_vector_subcore>, window_params = [{transform_indices = #map}, {transform_indices = #map1}, {transform_indices = #map1}, {transform_indices = #map2}]} {
    %mul3A = arith.constant 2 : i32
    %mul3A_0 = arith.muli %arg1, %mul3A : i32
    %add3A = arith.addi %mul3A_0, %arg0 : i32
    "tpu.region"() ({
      %run_scoped3A = tpu.sem_alloc : memref<!tpu.dma_semaphore, #tpu.memory_space<semaphore_mem>>
      %dma_start3A_295 = arith.constant 0 : i32
      %dma_start3A_296 = arith.constant 0 : i32
      %dma_start3A_297 = arith.constant 0 : i32
      %dma_start3A_298 = tpu.memref_slice %arg2[%dma_start3A_295, %add3A, %dma_start3A_296, %dma_start3A_297] : memref<25x32x8x128xi32, #tpu.memory_space<hbm>> -> memref<25x1x8x128xi32, #tpu.memory_space<hbm>>
      %dma_start3A_299 = tpu.memref_squeeze %dma_start3A_298 : memref<25x1x8x128xi32, #tpu.memory_space<hbm>> -> memref<25x8x128xi32, #tpu.memory_space<hbm>>
      %dma_start3A_300 = arith.constant 0 : i32
      %dma_start3A_301 = arith.constant 0 : i32
      %dma_start3A_302 = arith.constant 0 : i32
      %dma_start3A_303 = tpu.memref_slice %arg2[%dma_start3A_300, %add3A, %dma_start3A_301, %dma_start3A_302] : memref<25x32x8x128xi32, #tpu.memory_space<hbm>> -> memref<25x1x8x128xi32, #tpu.memory_space<hbm>>
      %dma_start3A_304 = tpu.memref_squeeze %dma_start3A_303 : memref<25x1x8x128xi32, #tpu.memory_space<hbm>> -> memref<25x8x128xi32, #tpu.memory_space<hbm>>
      tpu.enqueue_dma source(%dma_start3A_304 : memref<25x8x128xi32, #tpu.memory_space<hbm>>) target(%arg6 : memref<25x8x128xi32, #tpu.memory_space<vmem>>) target_semaphore(%run_scoped3A : memref<!tpu.dma_semaphore, #tpu.memory_space<semaphore_mem>>)
      %dma_wait3A_305 = arith.constant 0 : i32
      %dma_wait3A_306 = arith.constant 0 : i32
      %dma_wait3A_307 = arith.constant 0 : i32
      %dma_wait3A_308 = tpu.memref_slice %arg2[%dma_wait3A_305, %add3A, %dma_wait3A_306, %dma_wait3A_307] : memref<25x32x8x128xi32, #tpu.memory_space<hbm>> -> memref<25x1x8x128xi32, #tpu.memory_space<hbm>>
      %dma_wait3A_309 = tpu.memref_squeeze %dma_wait3A_308 : memref<25x1x8x128xi32, #tpu.memory_space<hbm>> -> memref<25x8x128xi32, #tpu.memory_space<hbm>>
      %dma_wait3A_310 = arith.constant 0 : i32
      %dma_wait3A_311 = arith.constant 0 : i32
      %dma_wait3A_312 = arith.constant 0 : i32
      %dma_wait3A_313 = tpu.memref_slice %arg2[%dma_wait3A_310, %add3A, %dma_wait3A_311, %dma_wait3A_312] : memref<25x32x8x128xi32, #tpu.memory_space<hbm>> -> memref<25x1x8x128xi32, #tpu.memory_space<hbm>>
      %dma_wait3A_314 = tpu.memref_squeeze %dma_wait3A_313 : memref<25x1x8x128xi32, #tpu.memory_space<hbm>> -> memref<25x8x128xi32, #tpu.memory_space<hbm>>
      tpu.wait_dma2 semaphore(%run_scoped3A : memref<!tpu.dma_semaphore, #tpu.memory_space<semaphore_mem>>) src(%dma_wait3A_314 : memref<25x8x128xi32, #tpu.memory_space<hbm>>) dst(%arg6 : memref<25x8x128xi32, #tpu.memory_space<vmem>>)
      tpu.yield
    }) : () -> ()
    "tpu.region"() ({
      %run_scoped3A = tpu.sem_alloc : memref<!tpu.dma_semaphore, #tpu.memory_space<semaphore_mem>>
      tpu.enqueue_dma source(%arg4 : memref<200x32xf32, #tpu.memory_space<hbm>>) target(%arg7 : memref<200x32xf32, #tpu.memory_space<vmem>>) target_semaphore(%run_scoped3A : memref<!tpu.dma_semaphore, #tpu.memory_space<semaphore_mem>>)
      tpu.wait_dma2 semaphore(%run_scoped3A : memref<!tpu.dma_semaphore, #tpu.memory_space<semaphore_mem>>) src(%arg4 : memref<200x32xf32, #tpu.memory_space<hbm>>) dst(%arg7 : memref<200x32xf32, #tpu.memory_space<vmem>>)
      tpu.yield
    }) : () -> ()
    %dma_start3A = arith.constant 0 : i32
    %dma_start3A_1 = arith.constant 0 : i32
    %dma_start3A_2 = arith.constant 0 : i32
    %dma_start3A_3 = tpu.memref_slice %arg6[%dma_start3A, %dma_start3A_1, %dma_start3A_2] : memref<25x8x128xi32, #tpu.memory_space<vmem>> -> memref<1x1x128xi32, #tpu.memory_space<vmem>>
    %dma_start3A_4 = tpu.memref_squeeze %dma_start3A_3 : memref<1x1x128xi32, #tpu.memory_space<vmem>> -> memref<128xi32, #tpu.memory_space<vmem>>
    %dma_start3A_5 = arith.constant 0 : i32
    %dma_start3A_6 = arith.constant 0 : i32
    %dma_start3A_7 = tpu.memref_slice %arg3[%dma_start3A_5, %dma_start3A_6] : memref<1000000x32xf32, #tpu.memory_space<hbm>> -> memref<1000000x32xf32, #tpu.memory_space<hbm>>
    tpu.enqueue_indirect_dma source(%dma_start3A_7 : memref<1000000x32xf32, #tpu.memory_space<hbm>>) target(%arg8 : memref<128x32xf32, #tpu.memory_space<vmem>>) offsets(%dma_start3A_4 : memref<128xi32, #tpu.memory_space<vmem>>) semaphore(%arg16 : memref<!tpu.dma_semaphore, #tpu.memory_space<semaphore_mem>>)
    %dma_start3A_8 = arith.constant 0 : i32
    %dma_start3A_9 = arith.constant 1 : i32
    %dma_start3A_10 = arith.constant 0 : i32
    %dma_start3A_11 = tpu.memref_slice %arg6[%dma_start3A_8, %dma_start3A_9, %dma_start3A_10] : memref<25x8x128xi32, #tpu.memory_space<vmem>> -> memref<1x1x128xi32, #tpu.memory_space<vmem>>
    %dma_start3A_12 = tpu.memref_squeeze %dma_start3A_11 : memref<1x1x128xi32, #tpu.memory_space<vmem>> -> memref<128xi32, #tpu.memory_space<vmem>>
    %dma_start3A_13 = arith.constant 0 : i32
    %dma_start3A_14 = arith.constant 0 : i32
    %dma_start3A_15 = tpu.memref_slice %arg3[%dma_start3A_13, %dma_start3A_14] : memref<1000000x32xf32, #tpu.memory_space<hbm>> -> memref<1000000x32xf32, #tpu.memory_space<hbm>>
    tpu.enqueue_indirect_dma source(%dma_start3A_15 : memref<1000000x32xf32, #tpu.memory_space<hbm>>) target(%arg9 : memref<128x32xf32, #tpu.memory_space<vmem>>) offsets(%dma_start3A_12 : memref<128xi32, #tpu.memory_space<vmem>>) semaphore(%arg17 : memref<!tpu.dma_semaphore, #tpu.memory_space<semaphore_mem>>)
    %dma_start3A_16 = arith.constant 0 : i32
    %dma_start3A_17 = arith.constant 2 : i32
    %dma_start3A_18 = arith.constant 0 : i32
    %dma_start3A_19 = tpu.memref_slice %arg6[%dma_start3A_16, %dma_start3A_17, %dma_start3A_18] : memref<25x8x128xi32, #tpu.memory_space<vmem>> -> memref<1x1x128xi32, #tpu.memory_space<vmem>>
    %dma_start3A_20 = tpu.memref_squeeze %dma_start3A_19 : memref<1x1x128xi32, #tpu.memory_space<vmem>> -> memref<128xi32, #tpu.memory_space<vmem>>
    %dma_start3A_21 = arith.constant 0 : i32
    %dma_start3A_22 = arith.constant 0 : i32
    %dma_start3A_23 = tpu.memref_slice %arg3[%dma_start3A_21, %dma_start3A_22] : memref<1000000x32xf32, #tpu.memory_space<hbm>> -> memref<1000000x32xf32, #tpu.memory_space<hbm>>
    tpu.enqueue_indirect_dma source(%dma_start3A_23 : memref<1000000x32xf32, #tpu.memory_space<hbm>>) target(%arg10 : memref<128x32xf32, #tpu.memory_space<vmem>>) offsets(%dma_start3A_20 : memref<128xi32, #tpu.memory_space<vmem>>) semaphore(%arg18 : memref<!tpu.dma_semaphore, #tpu.memory_space<semaphore_mem>>)
    %dma_start3A_24 = arith.constant 0 : i32
    %dma_start3A_25 = arith.constant 3 : i32
    %dma_start3A_26 = arith.constant 0 : i32
    %dma_start3A_27 = tpu.memref_slice %arg6[%dma_start3A_24, %dma_start3A_25, %dma_start3A_26] : memref<25x8x128xi32, #tpu.memory_space<vmem>> -> memref<1x1x128xi32, #tpu.memory_space<vmem>>
    %dma_start3A_28 = tpu.memref_squeeze %dma_start3A_27 : memref<1x1x128xi32, #tpu.memory_space<vmem>> -> memref<128xi32, #tpu.memory_space<vmem>>
    %dma_start3A_29 = arith.constant 0 : i32
    %dma_start3A_30 = arith.constant 0 : i32
    %dma_start3A_31 = tpu.memref_slice %arg3[%dma_start3A_29, %dma_start3A_30] : memref<1000000x32xf32, #tpu.memory_space<hbm>> -> memref<1000000x32xf32, #tpu.memory_space<hbm>>
    tpu.enqueue_indirect_dma source(%dma_start3A_31 : memref<1000000x32xf32, #tpu.memory_space<hbm>>) target(%arg11 : memref<128x32xf32, #tpu.memory_space<vmem>>) offsets(%dma_start3A_28 : memref<128xi32, #tpu.memory_space<vmem>>) semaphore(%arg19 : memref<!tpu.dma_semaphore, #tpu.memory_space<semaphore_mem>>)
    %iota3A = tpu.iota {dimensions = array<i32: 0>} : vector<16xi32>
    %add3A_32 = arith.constant 16 : i32
    %add3A_33 = vector.broadcast %add3A_32 : i32 to vector<16xi32>
    %add3A_34 = arith.addi %iota3A, %add3A_33 : vector<16xi32>
    %scan3A = arith.constant 0 : i32
    %scan3A_35 = arith.constant 0 : i32
    %scan3A_36 = arith.constant 50 : i32
    %scan3A_37 = arith.addi %scan3A_35, %scan3A_36 : i32
    %scan3A_38 = arith.constant 1 : i32
    scf.for %scan3A_295 = %scan3A_35 to %scan3A_37 step %scan3A_38  : i32 {
      %mul3A_296 = arith.constant 4 : i32
      %mul3A_297 = arith.muli %scan3A_295, %mul3A_296 : i32
      %add3A_298 = arith.constant 0 : i32
      %add3A_299 = arith.addi %mul3A_297, %add3A_298 : i32
      %jit3A = arith.constant 8 : i32
      %div3A = arith.divsi %add3A_299, %jit3A : i32
      %sign3A = arith.constant 0 : i32
      %sign3A_300 = arith.cmpi sgt, %add3A_299, %sign3A : i32
      %sign3A_301 = arith.extui %sign3A_300 : i1 to i32
      %sign3A_302 = arith.constant 0 : i32
      %sign3A_303 = arith.cmpi slt, %add3A_299, %sign3A_302 : i32
      %sign3A_304 = arith.extui %sign3A_303 : i1 to i32
      %sign3A_305 = arith.subi %sign3A_301, %sign3A_304 : i32
      %sign3A_306 = arith.constant 0 : i32
      %sign3A_307 = arith.cmpi sgt, %jit3A, %sign3A_306 : i32
      %sign3A_308 = arith.extui %sign3A_307 : i1 to i32
      %sign3A_309 = arith.constant 0 : i32
      %sign3A_310 = arith.cmpi slt, %jit3A, %sign3A_309 : i32
      %sign3A_311 = arith.extui %sign3A_310 : i1 to i32
      %sign3A_312 = arith.subi %sign3A_308, %sign3A_311 : i32
      %ne3A = arith.cmpi ne, %sign3A_305, %sign3A_312 : i32
      %rem3A = arith.remsi %add3A_299, %jit3A : i32
      %ne3A_313 = arith.constant 0 : i32
      %ne3A_314 = arith.cmpi ne, %rem3A, %ne3A_313 : i32
      %and3A = arith.andi %ne3A, %ne3A_314 : i1
      %sub3A = arith.constant 1 : i32
      %sub3A_315 = arith.subi %div3A, %sub3A : i32
      %select_n3A = arith.select %and3A, %sub3A_315, %div3A : i32
      %jit3A_316 = arith.constant 8 : i32
      %eq3A = arith.constant 0 : i32
      %eq3A_317 = arith.cmpi eq, %jit3A_316, %eq3A : i32
      %jit3A_318 = arith.constant 1 : i32
      %select_n3A_319 = arith.select %eq3A_317, %jit3A_318, %jit3A_316 : i32
      %rem3A_320 = arith.remsi %add3A_299, %select_n3A_319 : i32
      %ne3A_321 = arith.constant 0 : i32
      %ne3A_322 = arith.cmpi ne, %rem3A_320, %ne3A_321 : i32
      %lt3A = arith.constant 0 : i32
      %lt3A_323 = arith.cmpi slt, %rem3A_320, %lt3A : i32
      %lt3A_324 = arith.constant 0 : i32
      %lt3A_325 = arith.cmpi slt, %select_n3A_319, %lt3A_324 : i32
      %ne3A_326 = arith.xori %lt3A_323, %lt3A_325 : i1
      %and3A_327 = arith.andi %ne3A_326, %ne3A_322 : i1
      %add3A_328 = arith.addi %rem3A_320, %select_n3A_319 : i32
      %select_n3A_329 = arith.select %and3A_327, %add3A_328, %rem3A_320 : i32
      %dma_wait3A_330 = arith.constant 0 : i32
      %dma_wait3A_331 = tpu.memref_slice %arg6[%select_n3A, %select_n3A_329, %dma_wait3A_330] : memref<25x8x128xi32, #tpu.memory_space<vmem>> -> memref<1x1x128xi32, #tpu.memory_space<vmem>>
      %dma_wait3A_332 = tpu.memref_squeeze %dma_wait3A_331 : memref<1x1x128xi32, #tpu.memory_space<vmem>> -> memref<128xi32, #tpu.memory_space<vmem>>
      %dma_wait3A_333 = arith.constant 0 : i32
      %dma_wait3A_334 = arith.constant 0 : i32
      %dma_wait3A_335 = tpu.memref_slice %arg3[%dma_wait3A_333, %dma_wait3A_334] : memref<1000000x32xf32, #tpu.memory_space<hbm>> -> memref<1000000x32xf32, #tpu.memory_space<hbm>>
      tpu.wait_indirect_dma semaphore(%arg16 : memref<!tpu.dma_semaphore, #tpu.memory_space<semaphore_mem>>) src(%dma_wait3A_335 : memref<1000000x32xf32, #tpu.memory_space<hbm>>) dst(%arg8 : memref<128x32xf32, #tpu.memory_space<vmem>>)
      %gt3A = arith.constant 0 : i32
      %gt3A_336 = arith.cmpi sgt, %scan3A_295, %gt3A : i32
      %convert_element_type3A = arith.extui %gt3A_336 : i1 to i32
      %cond3A = arith.constant 0 : i32
      %cond3A_337 = arith.cmpi ne, %convert_element_type3A, %cond3A : i32
      scf.if %cond3A_337 {
        %sub3A_797 = arith.constant 4 : i32
        %sub3A_798 = arith.subi %add3A_299, %sub3A_797 : i32
        %dma_wait3A_799 = arith.constant 0 : i32
        %dma_wait3A_800 = arith.constant 0 : i32
        %dma_wait3A_801 = arith.constant 0 : i32
        %dma_wait3A_802 = tpu.memref_slice %arg12[%dma_wait3A_800, %dma_wait3A_801] : memref<32x129xf32, #tpu.memory_space<vmem>> -> memref<8x128xf32, #tpu.memory_space<vmem>>
        %dma_wait3A_803 = arith.constant 0 : i32
        %dma_wait3A_804 = arith.constant 0 : i32
        %dma_wait3A_805 = tpu.memref_slice %arg5[%sub3A_798, %dma_wait3A_799, %add3A, %dma_wait3A_803, %dma_wait3A_804] : memref<200x4x32x8x128xf32, #tpu.memory_space<hbm>> -> memref<1x1x1x8x128xf32, #tpu.memory_space<hbm>>
        %dma_wait3A_806 = tpu.memref_squeeze %dma_wait3A_805 : memref<1x1x1x8x128xf32, #tpu.memory_space<hbm>> -> memref<8x128xf32, #tpu.memory_space<hbm>>
        %dma_wait3A_807 = arith.constant 0 : i32
        %dma_wait3A_808 = arith.constant 0 : i32
        %dma_wait3A_809 = tpu.memref_slice %arg5[%sub3A_798, %dma_wait3A_799, %add3A, %dma_wait3A_807, %dma_wait3A_808] : memref<200x4x32x8x128xf32, #tpu.memory_space<hbm>> -> memref<1x1x1x8x128xf32, #tpu.memory_space<hbm>>
        %dma_wait3A_810 = tpu.memref_squeeze %dma_wait3A_809 : memref<1x1x1x8x128xf32, #tpu.memory_space<hbm>> -> memref<8x128xf32, #tpu.memory_space<hbm>>
        %dma_wait3A_811 = arith.constant 0 : i32
        %dma_wait3A_812 = arith.constant 0 : i32
        %dma_wait3A_813 = tpu.memref_slice %arg12[%dma_wait3A_811, %dma_wait3A_812] : memref<32x129xf32, #tpu.memory_space<vmem>> -> memref<8x128xf32, #tpu.memory_space<vmem>>
        tpu.wait_dma2 semaphore(%arg20 : memref<!tpu.dma_semaphore, #tpu.memory_space<semaphore_mem>>) src(%dma_wait3A_813 : memref<8x128xf32, #tpu.memory_space<vmem>>) dst(%dma_wait3A_810 : memref<8x128xf32, #tpu.memory_space<hbm>>)
        %sub3A_814 = arith.constant 4 : i32
        %sub3A_815 = arith.subi %add3A_299, %sub3A_814 : i32
        %dma_wait3A_816 = arith.constant 1 : i32
        %dma_wait3A_817 = arith.constant 8 : i32
        %dma_wait3A_818 = arith.constant 0 : i32
        %dma_wait3A_819 = tpu.memref_slice %arg12[%dma_wait3A_817, %dma_wait3A_818] : memref<32x129xf32, #tpu.memory_space<vmem>> -> memref<8x128xf32, #tpu.memory_space<vmem>>
        %dma_wait3A_820 = arith.constant 0 : i32
        %dma_wait3A_821 = arith.constant 0 : i32
        %dma_wait3A_822 = tpu.memref_slice %arg5[%sub3A_815, %dma_wait3A_816, %add3A, %dma_wait3A_820, %dma_wait3A_821] : memref<200x4x32x8x128xf32, #tpu.memory_space<hbm>> -> memref<1x1x1x8x128xf32, #tpu.memory_space<hbm>>
        %dma_wait3A_823 = tpu.memref_squeeze %dma_wait3A_822 : memref<1x1x1x8x128xf32, #tpu.memory_space<hbm>> -> memref<8x128xf32, #tpu.memory_space<hbm>>
        %dma_wait3A_824 = arith.constant 0 : i32
        %dma_wait3A_825 = arith.constant 0 : i32
        %dma_wait3A_826 = tpu.memref_slice %arg5[%sub3A_815, %dma_wait3A_816, %add3A, %dma_wait3A_824, %dma_wait3A_825] : memref<200x4x32x8x128xf32, #tpu.memory_space<hbm>> -> memref<1x1x1x8x128xf32, #tpu.memory_space<hbm>>
        %dma_wait3A_827 = tpu.memref_squeeze %dma_wait3A_826 : memref<1x1x1x8x128xf32, #tpu.memory_space<hbm>> -> memref<8x128xf32, #tpu.memory_space<hbm>>
        %dma_wait3A_828 = arith.constant 8 : i32
        %dma_wait3A_829 = arith.constant 0 : i32
        %dma_wait3A_830 = tpu.memref_slice %arg12[%dma_wait3A_828, %dma_wait3A_829] : memref<32x129xf32, #tpu.memory_space<vmem>> -> memref<8x128xf32, #tpu.memory_space<vmem>>
        tpu.wait_dma2 semaphore(%arg20 : memref<!tpu.dma_semaphore, #tpu.memory_space<semaphore_mem>>) src(%dma_wait3A_830 : memref<8x128xf32, #tpu.memory_space<vmem>>) dst(%dma_wait3A_827 : memref<8x128xf32, #tpu.memory_space<hbm>>)
        %sub3A_831 = arith.constant 4 : i32
        %sub3A_832 = arith.subi %add3A_299, %sub3A_831 : i32
        %dma_wait3A_833 = arith.constant 2 : i32
        %dma_wait3A_834 = arith.constant 16 : i32
        %dma_wait3A_835 = arith.constant 0 : i32
        %dma_wait3A_836 = tpu.memref_slice %arg12[%dma_wait3A_834, %dma_wait3A_835] : memref<32x129xf32, #tpu.memory_space<vmem>> -> memref<8x128xf32, #tpu.memory_space<vmem>>
        %dma_wait3A_837 = arith.constant 0 : i32
        %dma_wait3A_838 = arith.constant 0 : i32
        %dma_wait3A_839 = tpu.memref_slice %arg5[%sub3A_832, %dma_wait3A_833, %add3A, %dma_wait3A_837, %dma_wait3A_838] : memref<200x4x32x8x128xf32, #tpu.memory_space<hbm>> -> memref<1x1x1x8x128xf32, #tpu.memory_space<hbm>>
        %dma_wait3A_840 = tpu.memref_squeeze %dma_wait3A_839 : memref<1x1x1x8x128xf32, #tpu.memory_space<hbm>> -> memref<8x128xf32, #tpu.memory_space<hbm>>
        %dma_wait3A_841 = arith.constant 0 : i32
        %dma_wait3A_842 = arith.constant 0 : i32
        %dma_wait3A_843 = tpu.memref_slice %arg5[%sub3A_832, %dma_wait3A_833, %add3A, %dma_wait3A_841, %dma_wait3A_842] : memref<200x4x32x8x128xf32, #tpu.memory_space<hbm>> -> memref<1x1x1x8x128xf32, #tpu.memory_space<hbm>>
        %dma_wait3A_844 = tpu.memref_squeeze %dma_wait3A_843 : memref<1x1x1x8x128xf32, #tpu.memory_space<hbm>> -> memref<8x128xf32, #tpu.memory_space<hbm>>
        %dma_wait3A_845 = arith.constant 16 : i32
        %dma_wait3A_846 = arith.constant 0 : i32
        %dma_wait3A_847 = tpu.memref_slice %arg12[%dma_wait3A_845, %dma_wait3A_846] : memref<32x129xf32, #tpu.memory_space<vmem>> -> memref<8x128xf32, #tpu.memory_space<vmem>>
        tpu.wait_dma2 semaphore(%arg20 : memref<!tpu.dma_semaphore, #tpu.memory_space<semaphore_mem>>) src(%dma_wait3A_847 : memref<8x128xf32, #tpu.memory_space<vmem>>) dst(%dma_wait3A_844 : memref<8x128xf32, #tpu.memory_space<hbm>>)
        %sub3A_848 = arith.constant 4 : i32
        %sub3A_849 = arith.subi %add3A_299, %sub3A_848 : i32
        %dma_wait3A_850 = arith.constant 3 : i32
        %dma_wait3A_851 = arith.constant 24 : i32
        %dma_wait3A_852 = arith.constant 0 : i32
        %dma_wait3A_853 = tpu.memref_slice %arg12[%dma_wait3A_851, %dma_wait3A_852] : memref<32x129xf32, #tpu.memory_space<vmem>> -> memref<8x128xf32, #tpu.memory_space<vmem>>
        %dma_wait3A_854 = arith.constant 0 : i32
        %dma_wait3A_855 = arith.constant 0 : i32
        %dma_wait3A_856 = tpu.memref_slice %arg5[%sub3A_849, %dma_wait3A_850, %add3A, %dma_wait3A_854, %dma_wait3A_855] : memref<200x4x32x8x128xf32, #tpu.memory_space<hbm>> -> memref<1x1x1x8x128xf32, #tpu.memory_space<hbm>>
        %dma_wait3A_857 = tpu.memref_squeeze %dma_wait3A_856 : memref<1x1x1x8x128xf32, #tpu.memory_space<hbm>> -> memref<8x128xf32, #tpu.memory_space<hbm>>
        %dma_wait3A_858 = arith.constant 0 : i32
        %dma_wait3A_859 = arith.constant 0 : i32
        %dma_wait3A_860 = tpu.memref_slice %arg5[%sub3A_849, %dma_wait3A_850, %add3A, %dma_wait3A_858, %dma_wait3A_859] : memref<200x4x32x8x128xf32, #tpu.memory_space<hbm>> -> memref<1x1x1x8x128xf32, #tpu.memory_space<hbm>>
        %dma_wait3A_861 = tpu.memref_squeeze %dma_wait3A_860 : memref<1x1x1x8x128xf32, #tpu.memory_space<hbm>> -> memref<8x128xf32, #tpu.memory_space<hbm>>
        %dma_wait3A_862 = arith.constant 24 : i32
        %dma_wait3A_863 = arith.constant 0 : i32
        %dma_wait3A_864 = tpu.memref_slice %arg12[%dma_wait3A_862, %dma_wait3A_863] : memref<32x129xf32, #tpu.memory_space<vmem>> -> memref<8x128xf32, #tpu.memory_space<vmem>>
        tpu.wait_dma2 semaphore(%arg20 : memref<!tpu.dma_semaphore, #tpu.memory_space<semaphore_mem>>) src(%dma_wait3A_864 : memref<8x128xf32, #tpu.memory_space<vmem>>) dst(%dma_wait3A_861 : memref<8x128xf32, #tpu.memory_space<hbm>>)
      } else {
      }
      %get3A = arith.index_cast %add3A_299 : i32 to index
      %get3A_338 = arith.constant 0 : index
      %get3A_339 = tpu.vector_load %arg7[%get3A, %get3A_338] {strides = array<i32>} : memref<200x32xf32, #tpu.memory_space<vmem>>, vector<16xf32>,
      %get3A_340 = arith.index_cast %add3A_299 : i32 to index
      %get3A_341 = arith.constant 16 : index
      %get3A_342 = tpu.vector_load %arg7[%get3A_340, %get3A_341] {strides = array<i32>} : memref<200x32xf32, #tpu.memory_space<vmem>>, vector<16xf32>,
      %parallel_loop3A = arith.constant 0 : i32
      %parallel_loop3A_343 = arith.constant 128 : i32
      %parallel_loop3A_344 = arith.constant 1 : i32
      scf.for %parallel_loop3A_797 = %parallel_loop3A to %parallel_loop3A_343 step %parallel_loop3A_344  : i32 {
        %parallel_loop3A_798 = vector.broadcast %parallel_loop3A_797 : i32 to vector<16xi32>
        %parallel_loop3A_799 = arith.index_cast %parallel_loop3A_797 : i32 to index
        %parallel_loop3A_800 = arith.constant 0 : index
        %parallel_loop3A_801 = tpu.vector_load %arg8[%parallel_loop3A_799, %parallel_loop3A_800] {strides = array<i32>} : memref<128x32xf32, #tpu.memory_space<vmem>>, vector<16xf32>,
        %parallel_loop3A_802 = arith.addf %parallel_loop3A_801, %get3A_339 : vector<16xf32>
        %parallel_loop3A_803 = arith.index_cast %parallel_loop3A_797 : i32 to index
        %parallel_loop3A_804 = arith.constant 16 : index
        %parallel_loop3A_805 = tpu.vector_load %arg8[%parallel_loop3A_803, %parallel_loop3A_804] {strides = array<i32>} : memref<128x32xf32, #tpu.memory_space<vmem>>, vector<16xf32>,
        %parallel_loop3A_806 = arith.addf %parallel_loop3A_805, %get3A_342 : vector<16xf32>
        tpu.vector_store_idx %arg12[%iota3A, %parallel_loop3A_798], %parallel_loop3A_802 : memref<32x129xf32, #tpu.memory_space<vmem>>[vector<16xi32>, vector<16xi32>], vector<16xf32>,
        tpu.vector_store_idx %arg12[%add3A_34, %parallel_loop3A_798], %parallel_loop3A_806 : memref<32x129xf32, #tpu.memory_space<vmem>>[vector<16xi32>, vector<16xi32>], vector<16xf32>,
      } {sc.loop_unroll_factor = 8 : i64, sc.parallel_access}
      %dma_start3A_345 = arith.constant 0 : i32
      %dma_start3A_346 = arith.constant 0 : i32
      %dma_start3A_347 = arith.constant 0 : i32
      %dma_start3A_348 = tpu.memref_slice %arg12[%dma_start3A_346, %dma_start3A_347] : memref<32x129xf32, #tpu.memory_space<vmem>> -> memref<8x128xf32, #tpu.memory_space<vmem>>
      %dma_start3A_349 = arith.constant 0 : i32
      %dma_start3A_350 = arith.constant 0 : i32
      %dma_start3A_351 = tpu.memref_slice %arg5[%add3A_299, %dma_start3A_345, %add3A, %dma_start3A_349, %dma_start3A_350] : memref<200x4x32x8x128xf32, #tpu.memory_space<hbm>> -> memref<1x1x1x8x128xf32, #tpu.memory_space<hbm>>
      %dma_start3A_352 = tpu.memref_squeeze %dma_start3A_351 : memref<1x1x1x8x128xf32, #tpu.memory_space<hbm>> -> memref<8x128xf32, #tpu.memory_space<hbm>>
      %dma_start3A_353 = arith.constant 0 : i32
      %dma_start3A_354 = arith.constant 0 : i32
      %dma_start3A_355 = tpu.memref_slice %arg5[%add3A_299, %dma_start3A_345, %add3A, %dma_start3A_353, %dma_start3A_354] : memref<200x4x32x8x128xf32, #tpu.memory_space<hbm>> -> memref<1x1x1x8x128xf32, #tpu.memory_space<hbm>>
      %dma_start3A_356 = tpu.memref_squeeze %dma_start3A_355 : memref<1x1x1x8x128xf32, #tpu.memory_space<hbm>> -> memref<8x128xf32, #tpu.memory_space<hbm>>
      %dma_start3A_357 = arith.constant 0 : i32
      %dma_start3A_358 = arith.constant 0 : i32
      %dma_start3A_359 = tpu.memref_slice %arg12[%dma_start3A_357, %dma_start3A_358] : memref<32x129xf32, #tpu.memory_space<vmem>> -> memref<8x128xf32, #tpu.memory_space<vmem>>
      tpu.enqueue_dma source(%dma_start3A_359 : memref<8x128xf32, #tpu.memory_space<vmem>>) target(%dma_start3A_356 : memref<8x128xf32, #tpu.memory_space<hbm>>) target_semaphore(%arg20 : memref<!tpu.dma_semaphore, #tpu.memory_space<semaphore_mem>>)
      %dma_start3A_360 = arith.constant 1 : i32
      %dma_start3A_361 = arith.constant 8 : i32
      %dma_start3A_362 = arith.constant 0 : i32
      %dma_start3A_363 = tpu.memref_slice %arg12[%dma_start3A_361, %dma_start3A_362] : memref<32x129xf32, #tpu.memory_space<vmem>> -> memref<8x128xf32, #tpu.memory_space<vmem>>
      %dma_start3A_364 = arith.constant 0 : i32
      %dma_start3A_365 = arith.constant 0 : i32
      %dma_start3A_366 = tpu.memref_slice %arg5[%add3A_299, %dma_start3A_360, %add3A, %dma_start3A_364, %dma_start3A_365] : memref<200x4x32x8x128xf32, #tpu.memory_space<hbm>> -> memref<1x1x1x8x128xf32, #tpu.memory_space<hbm>>
      %dma_start3A_367 = tpu.memref_squeeze %dma_start3A_366 : memref<1x1x1x8x128xf32, #tpu.memory_space<hbm>> -> memref<8x128xf32, #tpu.memory_space<hbm>>
      %dma_start3A_368 = arith.constant 0 : i32
      %dma_start3A_369 = arith.constant 0 : i32
      %dma_start3A_370 = tpu.memref_slice %arg5[%add3A_299, %dma_start3A_360, %add3A, %dma_start3A_368, %dma_start3A_369] : memref<200x4x32x8x128xf32, #tpu.memory_space<hbm>> -> memref<1x1x1x8x128xf32, #tpu.memory_space<hbm>>
      %dma_start3A_371 = tpu.memref_squeeze %dma_start3A_370 : memref<1x1x1x8x128xf32, #tpu.memory_space<hbm>> -> memref<8x128xf32, #tpu.memory_space<hbm>>
      %dma_start3A_372 = arith.constant 8 : i32
      %dma_start3A_373 = arith.constant 0 : i32
      %dma_start3A_374 = tpu.memref_slice %arg12[%dma_start3A_372, %dma_start3A_373] : memref<32x129xf32, #tpu.memory_space<vmem>> -> memref<8x128xf32, #tpu.memory_space<vmem>>
      tpu.enqueue_dma source(%dma_start3A_374 : memref<8x128xf32, #tpu.memory_space<vmem>>) target(%dma_start3A_371 : memref<8x128xf32, #tpu.memory_space<hbm>>) target_semaphore(%arg20 : memref<!tpu.dma_semaphore, #tpu.memory_space<semaphore_mem>>)
      %dma_start3A_375 = arith.constant 2 : i32
      %dma_start3A_376 = arith.constant 16 : i32
      %dma_start3A_377 = arith.constant 0 : i32
      %dma_start3A_378 = tpu.memref_slice %arg12[%dma_start3A_376, %dma_start3A_377] : memref<32x129xf32, #tpu.memory_space<vmem>> -> memref<8x128xf32, #tpu.memory_space<vmem>>
      %dma_start3A_379 = arith.constant 0 : i32
      %dma_start3A_380 = arith.constant 0 : i32
      %dma_start3A_381 = tpu.memref_slice %arg5[%add3A_299, %dma_start3A_375, %add3A, %dma_start3A_379, %dma_start3A_380] : memref<200x4x32x8x128xf32, #tpu.memory_space<hbm>> -> memref<1x1x1x8x128xf32, #tpu.memory_space<hbm>>
      %dma_start3A_382 = tpu.memref_squeeze %dma_start3A_381 : memref<1x1x1x8x128xf32, #tpu.memory_space<hbm>> -> memref<8x128xf32, #tpu.memory_space<hbm>>
      %dma_start3A_383 = arith.constant 0 : i32
      %dma_start3A_384 = arith.constant 0 : i32
      %dma_start3A_385 = tpu.memref_slice %arg5[%add3A_299, %dma_start3A_375, %add3A, %dma_start3A_383, %dma_start3A_384] : memref<200x4x32x8x128xf32, #tpu.memory_space<hbm>> -> memref<1x1x1x8x128xf32, #tpu.memory_space<hbm>>
      %dma_start3A_386 = tpu.memref_squeeze %dma_start3A_385 : memref<1x1x1x8x128xf32, #tpu.memory_space<hbm>> -> memref<8x128xf32, #tpu.memory_space<hbm>>
      %dma_start3A_387 = arith.constant 16 : i32
      %dma_start3A_388 = arith.constant 0 : i32
      %dma_start3A_389 = tpu.memref_slice %arg12[%dma_start3A_387, %dma_start3A_388] : memref<32x129xf32, #tpu.memory_space<vmem>> -> memref<8x128xf32, #tpu.memory_space<vmem>>
      tpu.enqueue_dma source(%dma_start3A_389 : memref<8x128xf32, #tpu.memory_space<vmem>>) target(%dma_start3A_386 : memref<8x128xf32, #tpu.memory_space<hbm>>) target_semaphore(%arg20 : memref<!tpu.dma_semaphore, #tpu.memory_space<semaphore_mem>>)
      %dma_start3A_390 = arith.constant 3 : i32
      %dma_start3A_391 = arith.constant 24 : i32
      %dma_start3A_392 = arith.constant 0 : i32
      %dma_start3A_393 = tpu.memref_slice %arg12[%dma_start3A_391, %dma_start3A_392] : memref<32x129xf32, #tpu.memory_space<vmem>> -> memref<8x128xf32, #tpu.memory_space<vmem>>
      %dma_start3A_394 = arith.constant 0 : i32
      %dma_start3A_395 = arith.constant 0 : i32
      %dma_start3A_396 = tpu.memref_slice %arg5[%add3A_299, %dma_start3A_390, %add3A, %dma_start3A_394, %dma_start3A_395] : memref<200x4x32x8x128xf32, #tpu.memory_space<hbm>> -> memref<1x1x1x8x128xf32, #tpu.memory_space<hbm>>
      %dma_start3A_397 = tpu.memref_squeeze %dma_start3A_396 : memref<1x1x1x8x128xf32, #tpu.memory_space<hbm>> -> memref<8x128xf32, #tpu.memory_space<hbm>>
      %dma_start3A_398 = arith.constant 0 : i32
      %dma_start3A_399 = arith.constant 0 : i32
      %dma_start3A_400 = tpu.memref_slice %arg5[%add3A_299, %dma_start3A_390, %add3A, %dma_start3A_398, %dma_start3A_399] : memref<200x4x32x8x128xf32, #tpu.memory_space<hbm>> -> memref<1x1x1x8x128xf32, #tpu.memory_space<hbm>>
      %dma_start3A_401 = tpu.memref_squeeze %dma_start3A_400 : memref<1x1x1x8x128xf32, #tpu.memory_space<hbm>> -> memref<8x128xf32, #tpu.memory_space<hbm>>
      %dma_start3A_402 = arith.constant 24 : i32
      %dma_start3A_403 = arith.constant 0 : i32
      %dma_start3A_404 = tpu.memref_slice %arg12[%dma_start3A_402, %dma_start3A_403] : memref<32x129xf32, #tpu.memory_space<vmem>> -> memref<8x128xf32, #tpu.memory_space<vmem>>
      tpu.enqueue_dma source(%dma_start3A_404 : memref<8x128xf32, #tpu.memory_space<vmem>>) target(%dma_start3A_401 : memref<8x128xf32, #tpu.memory_space<hbm>>) target_semaphore(%arg20 : memref<!tpu.dma_semaphore, #tpu.memory_space<semaphore_mem>>)
      %lt3A_405 = arith.constant 49 : i32
      %lt3A_406 = arith.cmpi slt, %scan3A_295, %lt3A_405 : i32
      %convert_element_type3A_407 = arith.extui %lt3A_406 : i1 to i32
      %cond3A_408 = arith.constant 0 : i32
      %cond3A_409 = arith.cmpi ne, %convert_element_type3A_407, %cond3A_408 : i32
      scf.if %cond3A_409 {
        %add3A_797 = arith.constant 4 : i32
        %add3A_798 = arith.addi %add3A_299, %add3A_797 : i32
        %jit3A_799 = arith.constant 8 : i32
        %div3A_800 = arith.divsi %add3A_798, %jit3A_799 : i32
        %sign3A_801 = arith.constant 0 : i32
        %sign3A_802 = arith.cmpi sgt, %add3A_798, %sign3A_801 : i32
        %sign3A_803 = arith.extui %sign3A_802 : i1 to i32
        %sign3A_804 = arith.constant 0 : i32
        %sign3A_805 = arith.cmpi slt, %add3A_798, %sign3A_804 : i32
        %sign3A_806 = arith.extui %sign3A_805 : i1 to i32
        %sign3A_807 = arith.subi %sign3A_803, %sign3A_806 : i32
        %sign3A_808 = arith.constant 0 : i32
        %sign3A_809 = arith.cmpi sgt, %jit3A_799, %sign3A_808 : i32
        %sign3A_810 = arith.extui %sign3A_809 : i1 to i32
        %sign3A_811 = arith.constant 0 : i32
        %sign3A_812 = arith.cmpi slt, %jit3A_799, %sign3A_811 : i32
        %sign3A_813 = arith.extui %sign3A_812 : i1 to i32
        %sign3A_814 = arith.subi %sign3A_810, %sign3A_813 : i32
        %ne3A_815 = arith.cmpi ne, %sign3A_807, %sign3A_814 : i32
        %rem3A_816 = arith.remsi %add3A_798, %jit3A_799 : i32
        %ne3A_817 = arith.constant 0 : i32
        %ne3A_818 = arith.cmpi ne, %rem3A_816, %ne3A_817 : i32
        %and3A_819 = arith.andi %ne3A_815, %ne3A_818 : i1
        %sub3A_820 = arith.constant 1 : i32
        %sub3A_821 = arith.subi %div3A_800, %sub3A_820 : i32
        %select_n3A_822 = arith.select %and3A_819, %sub3A_821, %div3A_800 : i32
        %jit3A_823 = arith.constant 8 : i32
        %eq3A_824 = arith.constant 0 : i32
        %eq3A_825 = arith.cmpi eq, %jit3A_823, %eq3A_824 : i32
        %jit3A_826 = arith.constant 1 : i32
        %select_n3A_827 = arith.select %eq3A_825, %jit3A_826, %jit3A_823 : i32
        %rem3A_828 = arith.remsi %add3A_798, %select_n3A_827 : i32
        %ne3A_829 = arith.constant 0 : i32
        %ne3A_830 = arith.cmpi ne, %rem3A_828, %ne3A_829 : i32
        %lt3A_831 = arith.constant 0 : i32
        %lt3A_832 = arith.cmpi slt, %rem3A_828, %lt3A_831 : i32
        %lt3A_833 = arith.constant 0 : i32
        %lt3A_834 = arith.cmpi slt, %select_n3A_827, %lt3A_833 : i32
        %ne3A_835 = arith.xori %lt3A_832, %lt3A_834 : i1
        %and3A_836 = arith.andi %ne3A_835, %ne3A_830 : i1
        %add3A_837 = arith.addi %rem3A_828, %select_n3A_827 : i32
        %select_n3A_838 = arith.select %and3A_836, %add3A_837, %rem3A_828 : i32
        %dma_start3A_839 = arith.constant 0 : i32
        %dma_start3A_840 = tpu.memref_slice %arg6[%select_n3A_822, %select_n3A_838, %dma_start3A_839] : memref<25x8x128xi32, #tpu.memory_space<vmem>> -> memref<1x1x128xi32, #tpu.memory_space<vmem>>
        %dma_start3A_841 = tpu.memref_squeeze %dma_start3A_840 : memref<1x1x128xi32, #tpu.memory_space<vmem>> -> memref<128xi32, #tpu.memory_space<vmem>>
        %dma_start3A_842 = arith.constant 0 : i32
        %dma_start3A_843 = arith.constant 0 : i32
        %dma_start3A_844 = tpu.memref_slice %arg3[%dma_start3A_842, %dma_start3A_843] : memref<1000000x32xf32, #tpu.memory_space<hbm>> -> memref<1000000x32xf32, #tpu.memory_space<hbm>>
        tpu.enqueue_indirect_dma source(%dma_start3A_844 : memref<1000000x32xf32, #tpu.memory_space<hbm>>) target(%arg8 : memref<128x32xf32, #tpu.memory_space<vmem>>) offsets(%dma_start3A_841 : memref<128xi32, #tpu.memory_space<vmem>>) semaphore(%arg16 : memref<!tpu.dma_semaphore, #tpu.memory_space<semaphore_mem>>)
      } else {
      }
      %mul3A_410 = arith.constant 4 : i32
      %mul3A_411 = arith.muli %scan3A_295, %mul3A_410 : i32
      %add3A_412 = arith.constant 1 : i32
      %add3A_413 = arith.addi %mul3A_411, %add3A_412 : i32
      %jit3A_414 = arith.constant 8 : i32
      %div3A_415 = arith.divsi %add3A_413, %jit3A_414 : i32
      %sign3A_416 = arith.constant 0 : i32
      %sign3A_417 = arith.cmpi sgt, %add3A_413, %sign3A_416 : i32
      %sign3A_418 = arith.extui %sign3A_417 : i1 to i32
      %sign3A_419 = arith.constant 0 : i32
      %sign3A_420 = arith.cmpi slt, %add3A_413, %sign3A_419 : i32
      %sign3A_421 = arith.extui %sign3A_420 : i1 to i32
      %sign3A_422 = arith.subi %sign3A_418, %sign3A_421 : i32
      %sign3A_423 = arith.constant 0 : i32
      %sign3A_424 = arith.cmpi sgt, %jit3A_414, %sign3A_423 : i32
      %sign3A_425 = arith.extui %sign3A_424 : i1 to i32
      %sign3A_426 = arith.constant 0 : i32
      %sign3A_427 = arith.cmpi slt, %jit3A_414, %sign3A_426 : i32
      %sign3A_428 = arith.extui %sign3A_427 : i1 to i32
      %sign3A_429 = arith.subi %sign3A_425, %sign3A_428 : i32
      %ne3A_430 = arith.cmpi ne, %sign3A_422, %sign3A_429 : i32
      %rem3A_431 = arith.remsi %add3A_413, %jit3A_414 : i32
      %ne3A_432 = arith.constant 0 : i32
      %ne3A_433 = arith.cmpi ne, %rem3A_431, %ne3A_432 : i32
      %and3A_434 = arith.andi %ne3A_430, %ne3A_433 : i1
      %sub3A_435 = arith.constant 1 : i32
      %sub3A_436 = arith.subi %div3A_415, %sub3A_435 : i32
      %select_n3A_437 = arith.select %and3A_434, %sub3A_436, %div3A_415 : i32
      %jit3A_438 = arith.constant 8 : i32
      %eq3A_439 = arith.constant 0 : i32
      %eq3A_440 = arith.cmpi eq, %jit3A_438, %eq3A_439 : i32
      %jit3A_441 = arith.constant 1 : i32
      %select_n3A_442 = arith.select %eq3A_440, %jit3A_441, %jit3A_438 : i32
      %rem3A_443 = arith.remsi %add3A_413, %select_n3A_442 : i32
      %ne3A_444 = arith.constant 0 : i32
      %ne3A_445 = arith.cmpi ne, %rem3A_443, %ne3A_444 : i32
      %lt3A_446 = arith.constant 0 : i32
      %lt3A_447 = arith.cmpi slt, %rem3A_443, %lt3A_446 : i32
      %lt3A_448 = arith.constant 0 : i32
      %lt3A_449 = arith.cmpi slt, %select_n3A_442, %lt3A_448 : i32
      %ne3A_450 = arith.xori %lt3A_447, %lt3A_449 : i1
      %and3A_451 = arith.andi %ne3A_450, %ne3A_445 : i1
      %add3A_452 = arith.addi %rem3A_443, %select_n3A_442 : i32
      %select_n3A_453 = arith.select %and3A_451, %add3A_452, %rem3A_443 : i32
      %dma_wait3A_454 = arith.constant 0 : i32
      %dma_wait3A_455 = tpu.memref_slice %arg6[%select_n3A_437, %select_n3A_453, %dma_wait3A_454] : memref<25x8x128xi32, #tpu.memory_space<vmem>> -> memref<1x1x128xi32, #tpu.memory_space<vmem>>
      %dma_wait3A_456 = tpu.memref_squeeze %dma_wait3A_455 : memref<1x1x128xi32, #tpu.memory_space<vmem>> -> memref<128xi32, #tpu.memory_space<vmem>>
      %dma_wait3A_457 = arith.constant 0 : i32
      %dma_wait3A_458 = arith.constant 0 : i32
      %dma_wait3A_459 = tpu.memref_slice %arg3[%dma_wait3A_457, %dma_wait3A_458] : memref<1000000x32xf32, #tpu.memory_space<hbm>> -> memref<1000000x32xf32, #tpu.memory_space<hbm>>
      tpu.wait_indirect_dma semaphore(%arg17 : memref<!tpu.dma_semaphore, #tpu.memory_space<semaphore_mem>>) src(%dma_wait3A_459 : memref<1000000x32xf32, #tpu.memory_space<hbm>>) dst(%arg9 : memref<128x32xf32, #tpu.memory_space<vmem>>)
      %gt3A_460 = arith.constant 0 : i32
      %gt3A_461 = arith.cmpi sgt, %scan3A_295, %gt3A_460 : i32
      %convert_element_type3A_462 = arith.extui %gt3A_461 : i1 to i32
      %cond3A_463 = arith.constant 0 : i32
      %cond3A_464 = arith.cmpi ne, %convert_element_type3A_462, %cond3A_463 : i32
      scf.if %cond3A_464 {
        %sub3A_797 = arith.constant 4 : i32
        %sub3A_798 = arith.subi %add3A_413, %sub3A_797 : i32
        %dma_wait3A_799 = arith.constant 0 : i32
        %dma_wait3A_800 = arith.constant 0 : i32
        %dma_wait3A_801 = arith.constant 0 : i32
        %dma_wait3A_802 = tpu.memref_slice %arg13[%dma_wait3A_800, %dma_wait3A_801] : memref<32x129xf32, #tpu.memory_space<vmem>> -> memref<8x128xf32, #tpu.memory_space<vmem>>
        %dma_wait3A_803 = arith.constant 0 : i32
        %dma_wait3A_804 = arith.constant 0 : i32
        %dma_wait3A_805 = tpu.memref_slice %arg5[%sub3A_798, %dma_wait3A_799, %add3A, %dma_wait3A_803, %dma_wait3A_804] : memref<200x4x32x8x128xf32, #tpu.memory_space<hbm>> -> memref<1x1x1x8x128xf32, #tpu.memory_space<hbm>>
        %dma_wait3A_806 = tpu.memref_squeeze %dma_wait3A_805 : memref<1x1x1x8x128xf32, #tpu.memory_space<hbm>> -> memref<8x128xf32, #tpu.memory_space<hbm>>
        %dma_wait3A_807 = arith.constant 0 : i32
        %dma_wait3A_808 = arith.constant 0 : i32
        %dma_wait3A_809 = tpu.memref_slice %arg5[%sub3A_798, %dma_wait3A_799, %add3A, %dma_wait3A_807, %dma_wait3A_808] : memref<200x4x32x8x128xf32, #tpu.memory_space<hbm>> -> memref<1x1x1x8x128xf32, #tpu.memory_space<hbm>>
        %dma_wait3A_810 = tpu.memref_squeeze %dma_wait3A_809 : memref<1x1x1x8x128xf32, #tpu.memory_space<hbm>> -> memref<8x128xf32, #tpu.memory_space<hbm>>
        %dma_wait3A_811 = arith.constant 0 : i32
        %dma_wait3A_812 = arith.constant 0 : i32
        %dma_wait3A_813 = tpu.memref_slice %arg13[%dma_wait3A_811, %dma_wait3A_812] : memref<32x129xf32, #tpu.memory_space<vmem>> -> memref<8x128xf32, #tpu.memory_space<vmem>>
        tpu.wait_dma2 semaphore(%arg21 : memref<!tpu.dma_semaphore, #tpu.memory_space<semaphore_mem>>) src(%dma_wait3A_813 : memref<8x128xf32, #tpu.memory_space<vmem>>) dst(%dma_wait3A_810 : memref<8x128xf32, #tpu.memory_space<hbm>>)
        %sub3A_814 = arith.constant 4 : i32
        %sub3A_815 = arith.subi %add3A_413, %sub3A_814 : i32
        %dma_wait3A_816 = arith.constant 1 : i32
        %dma_wait3A_817 = arith.constant 8 : i32
        %dma_wait3A_818 = arith.constant 0 : i32
        %dma_wait3A_819 = tpu.memref_slice %arg13[%dma_wait3A_817, %dma_wait3A_818] : memref<32x129xf32, #tpu.memory_space<vmem>> -> memref<8x128xf32, #tpu.memory_space<vmem>>
        %dma_wait3A_820 = arith.constant 0 : i32
        %dma_wait3A_821 = arith.constant 0 : i32
        %dma_wait3A_822 = tpu.memref_slice %arg5[%sub3A_815, %dma_wait3A_816, %add3A, %dma_wait3A_820, %dma_wait3A_821] : memref<200x4x32x8x128xf32, #tpu.memory_space<hbm>> -> memref<1x1x1x8x128xf32, #tpu.memory_space<hbm>>
        %dma_wait3A_823 = tpu.memref_squeeze %dma_wait3A_822 : memref<1x1x1x8x128xf32, #tpu.memory_space<hbm>> -> memref<8x128xf32, #tpu.memory_space<hbm>>
        %dma_wait3A_824 = arith.constant 0 : i32
        %dma_wait3A_825 = arith.constant 0 : i32
        %dma_wait3A_826 = tpu.memref_slice %arg5[%sub3A_815, %dma_wait3A_816, %add3A, %dma_wait3A_824, %dma_wait3A_825] : memref<200x4x32x8x128xf32, #tpu.memory_space<hbm>> -> memref<1x1x1x8x128xf32, #tpu.memory_space<hbm>>
        %dma_wait3A_827 = tpu.memref_squeeze %dma_wait3A_826 : memref<1x1x1x8x128xf32, #tpu.memory_space<hbm>> -> memref<8x128xf32, #tpu.memory_space<hbm>>
        %dma_wait3A_828 = arith.constant 8 : i32
        %dma_wait3A_829 = arith.constant 0 : i32
        %dma_wait3A_830 = tpu.memref_slice %arg13[%dma_wait3A_828, %dma_wait3A_829] : memref<32x129xf32, #tpu.memory_space<vmem>> -> memref<8x128xf32, #tpu.memory_space<vmem>>
        tpu.wait_dma2 semaphore(%arg21 : memref<!tpu.dma_semaphore, #tpu.memory_space<semaphore_mem>>) src(%dma_wait3A_830 : memref<8x128xf32, #tpu.memory_space<vmem>>) dst(%dma_wait3A_827 : memref<8x128xf32, #tpu.memory_space<hbm>>)
        %sub3A_831 = arith.constant 4 : i32
        %sub3A_832 = arith.subi %add3A_413, %sub3A_831 : i32
        %dma_wait3A_833 = arith.constant 2 : i32
        %dma_wait3A_834 = arith.constant 16 : i32
        %dma_wait3A_835 = arith.constant 0 : i32
        %dma_wait3A_836 = tpu.memref_slice %arg13[%dma_wait3A_834, %dma_wait3A_835] : memref<32x129xf32, #tpu.memory_space<vmem>> -> memref<8x128xf32, #tpu.memory_space<vmem>>
        %dma_wait3A_837 = arith.constant 0 : i32
        %dma_wait3A_838 = arith.constant 0 : i32
        %dma_wait3A_839 = tpu.memref_slice %arg5[%sub3A_832, %dma_wait3A_833, %add3A, %dma_wait3A_837, %dma_wait3A_838] : memref<200x4x32x8x128xf32, #tpu.memory_space<hbm>> -> memref<1x1x1x8x128xf32, #tpu.memory_space<hbm>>
        %dma_wait3A_840 = tpu.memref_squeeze %dma_wait3A_839 : memref<1x1x1x8x128xf32, #tpu.memory_space<hbm>> -> memref<8x128xf32, #tpu.memory_space<hbm>>
        %dma_wait3A_841 = arith.constant 0 : i32
        %dma_wait3A_842 = arith.constant 0 : i32
        %dma_wait3A_843 = tpu.memref_slice %arg5[%sub3A_832, %dma_wait3A_833, %add3A, %dma_wait3A_841, %dma_wait3A_842] : memref<200x4x32x8x128xf32, #tpu.memory_space<hbm>> -> memref<1x1x1x8x128xf32, #tpu.memory_space<hbm>>
        %dma_wait3A_844 = tpu.memref_squeeze %dma_wait3A_843 : memref<1x1x1x8x128xf32, #tpu.memory_space<hbm>> -> memref<8x128xf32, #tpu.memory_space<hbm>>
        %dma_wait3A_845 = arith.constant 16 : i32
        %dma_wait3A_846 = arith.constant 0 : i32
        %dma_wait3A_847 = tpu.memref_slice %arg13[%dma_wait3A_845, %dma_wait3A_846] : memref<32x129xf32, #tpu.memory_space<vmem>> -> memref<8x128xf32, #tpu.memory_space<vmem>>
        tpu.wait_dma2 semaphore(%arg21 : memref<!tpu.dma_semaphore, #tpu.memory_space<semaphore_mem>>) src(%dma_wait3A_847 : memref<8x128xf32, #tpu.memory_space<vmem>>) dst(%dma_wait3A_844 : memref<8x128xf32, #tpu.memory_space<hbm>>)
        %sub3A_848 = arith.constant 4 : i32
        %sub3A_849 = arith.subi %add3A_413, %sub3A_848 : i32
        %dma_wait3A_850 = arith.constant 3 : i32
        %dma_wait3A_851 = arith.constant 24 : i32
        %dma_wait3A_852 = arith.constant 0 : i32
        %dma_wait3A_853 = tpu.memref_slice %arg13[%dma_wait3A_851, %dma_wait3A_852] : memref<32x129xf32, #tpu.memory_space<vmem>> -> memref<8x128xf32, #tpu.memory_space<vmem>>
        %dma_wait3A_854 = arith.constant 0 : i32
        %dma_wait3A_855 = arith.constant 0 : i32
        %dma_wait3A_856 = tpu.memref_slice %arg5[%sub3A_849, %dma_wait3A_850, %add3A, %dma_wait3A_854, %dma_wait3A_855] : memref<200x4x32x8x128xf32, #tpu.memory_space<hbm>> -> memref<1x1x1x8x128xf32, #tpu.memory_space<hbm>>
        %dma_wait3A_857 = tpu.memref_squeeze %dma_wait3A_856 : memref<1x1x1x8x128xf32, #tpu.memory_space<hbm>> -> memref<8x128xf32, #tpu.memory_space<hbm>>
        %dma_wait3A_858 = arith.constant 0 : i32
        %dma_wait3A_859 = arith.constant 0 : i32
        %dma_wait3A_860 = tpu.memref_slice %arg5[%sub3A_849, %dma_wait3A_850, %add3A, %dma_wait3A_858, %dma_wait3A_859] : memref<200x4x32x8x128xf32, #tpu.memory_space<hbm>> -> memref<1x1x1x8x128xf32, #tpu.memory_space<hbm>>
        %dma_wait3A_861 = tpu.memref_squeeze %dma_wait3A_860 : memref<1x1x1x8x128xf32, #tpu.memory_space<hbm>> -> memref<8x128xf32, #tpu.memory_space<hbm>>
        %dma_wait3A_862 = arith.constant 24 : i32
        %dma_wait3A_863 = arith.constant 0 : i32
        %dma_wait3A_864 = tpu.memref_slice %arg13[%dma_wait3A_862, %dma_wait3A_863] : memref<32x129xf32, #tpu.memory_space<vmem>> -> memref<8x128xf32, #tpu.memory_space<vmem>>
        tpu.wait_dma2 semaphore(%arg21 : memref<!tpu.dma_semaphore, #tpu.memory_space<semaphore_mem>>) src(%dma_wait3A_864 : memref<8x128xf32, #tpu.memory_space<vmem>>) dst(%dma_wait3A_861 : memref<8x128xf32, #tpu.memory_space<hbm>>)
      } else {
      }
      %get3A_465 = arith.index_cast %add3A_413 : i32 to index
      %get3A_466 = arith.constant 0 : index
      %get3A_467 = tpu.vector_load %arg7[%get3A_465, %get3A_466] {strides = array<i32>} : memref<200x32xf32, #tpu.memory_space<vmem>>, vector<16xf32>,
      %get3A_468 = arith.index_cast %add3A_413 : i32 to index
      %get3A_469 = arith.constant 16 : index
      %get3A_470 = tpu.vector_load %arg7[%get3A_468, %get3A_469] {strides = array<i32>} : memref<200x32xf32, #tpu.memory_space<vmem>>, vector<16xf32>,
      %parallel_loop3A_471 = arith.constant 0 : i32
      %parallel_loop3A_472 = arith.constant 128 : i32
      %parallel_loop3A_473 = arith.constant 1 : i32
      scf.for %parallel_loop3A_797 = %parallel_loop3A_471 to %parallel_loop3A_472 step %parallel_loop3A_473  : i32 {
        %parallel_loop3A_798 = vector.broadcast %parallel_loop3A_797 : i32 to vector<16xi32>
        %parallel_loop3A_799 = arith.index_cast %parallel_loop3A_797 : i32 to index
        %parallel_loop3A_800 = arith.constant 0 : index
        %parallel_loop3A_801 = tpu.vector_load %arg9[%parallel_loop3A_799, %parallel_loop3A_800] {strides = array<i32>} : memref<128x32xf32, #tpu.memory_space<vmem>>, vector<16xf32>,
        %parallel_loop3A_802 = arith.addf %parallel_loop3A_801, %get3A_467 : vector<16xf32>
        %parallel_loop3A_803 = arith.index_cast %parallel_loop3A_797 : i32 to index
        %parallel_loop3A_804 = arith.constant 16 : index
        %parallel_loop3A_805 = tpu.vector_load %arg9[%parallel_loop3A_803, %parallel_loop3A_804] {strides = array<i32>} : memref<128x32xf32, #tpu.memory_space<vmem>>, vector<16xf32>,
        %parallel_loop3A_806 = arith.addf %parallel_loop3A_805, %get3A_470 : vector<16xf32>
        tpu.vector_store_idx %arg13[%iota3A, %parallel_loop3A_798], %parallel_loop3A_802 : memref<32x129xf32, #tpu.memory_space<vmem>>[vector<16xi32>, vector<16xi32>], vector<16xf32>,
        tpu.vector_store_idx %arg13[%add3A_34, %parallel_loop3A_798], %parallel_loop3A_806 : memref<32x129xf32, #tpu.memory_space<vmem>>[vector<16xi32>, vector<16xi32>], vector<16xf32>,
      } {sc.loop_unroll_factor = 8 : i64, sc.parallel_access}
      %dma_start3A_474 = arith.constant 0 : i32
      %dma_start3A_475 = arith.constant 0 : i32
      %dma_start3A_476 = arith.constant 0 : i32
      %dma_start3A_477 = tpu.memref_slice %arg13[%dma_start3A_475, %dma_start3A_476] : memref<32x129xf32, #tpu.memory_space<vmem>> -> memref<8x128xf32, #tpu.memory_space<vmem>>
      %dma_start3A_478 = arith.constant 0 : i32
      %dma_start3A_479 = arith.constant 0 : i32
      %dma_start3A_480 = tpu.memref_slice %arg5[%add3A_413, %dma_start3A_474, %add3A, %dma_start3A_478, %dma_start3A_479] : memref<200x4x32x8x128xf32, #tpu.memory_space<hbm>> -> memref<1x1x1x8x128xf32, #tpu.memory_space<hbm>>
      %dma_start3A_481 = tpu.memref_squeeze %dma_start3A_480 : memref<1x1x1x8x128xf32, #tpu.memory_space<hbm>> -> memref<8x128xf32, #tpu.memory_space<hbm>>
      %dma_start3A_482 = arith.constant 0 : i32
      %dma_start3A_483 = arith.constant 0 : i32
      %dma_start3A_484 = tpu.memref_slice %arg5[%add3A_413, %dma_start3A_474, %add3A, %dma_start3A_482, %dma_start3A_483] : memref<200x4x32x8x128xf32, #tpu.memory_space<hbm>> -> memref<1x1x1x8x128xf32, #tpu.memory_space<hbm>>
      %dma_start3A_485 = tpu.memref_squeeze %dma_start3A_484 : memref<1x1x1x8x128xf32, #tpu.memory_space<hbm>> -> memref<8x128xf32, #tpu.memory_space<hbm>>
      %dma_start3A_486 = arith.constant 0 : i32
      %dma_start3A_487 = arith.constant 0 : i32
      %dma_start3A_488 = tpu.memref_slice %arg13[%dma_start3A_486, %dma_start3A_487] : memref<32x129xf32, #tpu.memory_space<vmem>> -> memref<8x128xf32, #tpu.memory_space<vmem>>
      tpu.enqueue_dma source(%dma_start3A_488 : memref<8x128xf32, #tpu.memory_space<vmem>>) target(%dma_start3A_485 : memref<8x128xf32, #tpu.memory_space<hbm>>) target_semaphore(%arg21 : memref<!tpu.dma_semaphore, #tpu.memory_space<semaphore_mem>>)
      %dma_start3A_489 = arith.constant 1 : i32
      %dma_start3A_490 = arith.constant 8 : i32
      %dma_start3A_491 = arith.constant 0 : i32
      %dma_start3A_492 = tpu.memref_slice %arg13[%dma_start3A_490, %dma_start3A_491] : memref<32x129xf32, #tpu.memory_space<vmem>> -> memref<8x128xf32, #tpu.memory_space<vmem>>
      %dma_start3A_493 = arith.constant 0 : i32
      %dma_start3A_494 = arith.constant 0 : i32
      %dma_start3A_495 = tpu.memref_slice %arg5[%add3A_413, %dma_start3A_489, %add3A, %dma_start3A_493, %dma_start3A_494] : memref<200x4x32x8x128xf32, #tpu.memory_space<hbm>> -> memref<1x1x1x8x128xf32, #tpu.memory_space<hbm>>
      %dma_start3A_496 = tpu.memref_squeeze %dma_start3A_495 : memref<1x1x1x8x128xf32, #tpu.memory_space<hbm>> -> memref<8x128xf32, #tpu.memory_space<hbm>>
      %dma_start3A_497 = arith.constant 0 : i32
      %dma_start3A_498 = arith.constant 0 : i32
      %dma_start3A_499 = tpu.memref_slice %arg5[%add3A_413, %dma_start3A_489, %add3A, %dma_start3A_497, %dma_start3A_498] : memref<200x4x32x8x128xf32, #tpu.memory_space<hbm>> -> memref<1x1x1x8x128xf32, #tpu.memory_space<hbm>>
      %dma_start3A_500 = tpu.memref_squeeze %dma_start3A_499 : memref<1x1x1x8x128xf32, #tpu.memory_space<hbm>> -> memref<8x128xf32, #tpu.memory_space<hbm>>
      %dma_start3A_501 = arith.constant 8 : i32
      %dma_start3A_502 = arith.constant 0 : i32
      %dma_start3A_503 = tpu.memref_slice %arg13[%dma_start3A_501, %dma_start3A_502] : memref<32x129xf32, #tpu.memory_space<vmem>> -> memref<8x128xf32, #tpu.memory_space<vmem>>
      tpu.enqueue_dma source(%dma_start3A_503 : memref<8x128xf32, #tpu.memory_space<vmem>>) target(%dma_start3A_500 : memref<8x128xf32, #tpu.memory_space<hbm>>) target_semaphore(%arg21 : memref<!tpu.dma_semaphore, #tpu.memory_space<semaphore_mem>>)
      %dma_start3A_504 = arith.constant 2 : i32
      %dma_start3A_505 = arith.constant 16 : i32
      %dma_start3A_506 = arith.constant 0 : i32
      %dma_start3A_507 = tpu.memref_slice %arg13[%dma_start3A_505, %dma_start3A_506] : memref<32x129xf32, #tpu.memory_space<vmem>> -> memref<8x128xf32, #tpu.memory_space<vmem>>
      %dma_start3A_508 = arith.constant 0 : i32
      %dma_start3A_509 = arith.constant 0 : i32
      %dma_start3A_510 = tpu.memref_slice %arg5[%add3A_413, %dma_start3A_504, %add3A, %dma_start3A_508, %dma_start3A_509] : memref<200x4x32x8x128xf32, #tpu.memory_space<hbm>> -> memref<1x1x1x8x128xf32, #tpu.memory_space<hbm>>
      %dma_start3A_511 = tpu.memref_squeeze %dma_start3A_510 : memref<1x1x1x8x128xf32, #tpu.memory_space<hbm>> -> memref<8x128xf32, #tpu.memory_space<hbm>>
      %dma_start3A_512 = arith.constant 0 : i32
      %dma_start3A_513 = arith.constant 0 : i32
      %dma_start3A_514 = tpu.memref_slice %arg5[%add3A_413, %dma_start3A_504, %add3A, %dma_start3A_512, %dma_start3A_513] : memref<200x4x32x8x128xf32, #tpu.memory_space<hbm>> -> memref<1x1x1x8x128xf32, #tpu.memory_space<hbm>>
      %dma_start3A_515 = tpu.memref_squeeze %dma_start3A_514 : memref<1x1x1x8x128xf32, #tpu.memory_space<hbm>> -> memref<8x128xf32, #tpu.memory_space<hbm>>
      %dma_start3A_516 = arith.constant 16 : i32
      %dma_start3A_517 = arith.constant 0 : i32
      %dma_start3A_518 = tpu.memref_slice %arg13[%dma_start3A_516, %dma_start3A_517] : memref<32x129xf32, #tpu.memory_space<vmem>> -> memref<8x128xf32, #tpu.memory_space<vmem>>
      tpu.enqueue_dma source(%dma_start3A_518 : memref<8x128xf32, #tpu.memory_space<vmem>>) target(%dma_start3A_515 : memref<8x128xf32, #tpu.memory_space<hbm>>) target_semaphore(%arg21 : memref<!tpu.dma_semaphore, #tpu.memory_space<semaphore_mem>>)
      %dma_start3A_519 = arith.constant 3 : i32
      %dma_start3A_520 = arith.constant 24 : i32
      %dma_start3A_521 = arith.constant 0 : i32
      %dma_start3A_522 = tpu.memref_slice %arg13[%dma_start3A_520, %dma_start3A_521] : memref<32x129xf32, #tpu.memory_space<vmem>> -> memref<8x128xf32, #tpu.memory_space<vmem>>
      %dma_start3A_523 = arith.constant 0 : i32
      %dma_start3A_524 = arith.constant 0 : i32
      %dma_start3A_525 = tpu.memref_slice %arg5[%add3A_413, %dma_start3A_519, %add3A, %dma_start3A_523, %dma_start3A_524] : memref<200x4x32x8x128xf32, #tpu.memory_space<hbm>> -> memref<1x1x1x8x128xf32, #tpu.memory_space<hbm>>
      %dma_start3A_526 = tpu.memref_squeeze %dma_start3A_525 : memref<1x1x1x8x128xf32, #tpu.memory_space<hbm>> -> memref<8x128xf32, #tpu.memory_space<hbm>>
      %dma_start3A_527 = arith.constant 0 : i32
      %dma_start3A_528 = arith.constant 0 : i32
      %dma_start3A_529 = tpu.memref_slice %arg5[%add3A_413, %dma_start3A_519, %add3A, %dma_start3A_527, %dma_start3A_528] : memref<200x4x32x8x128xf32, #tpu.memory_space<hbm>> -> memref<1x1x1x8x128xf32, #tpu.memory_space<hbm>>
      %dma_start3A_530 = tpu.memref_squeeze %dma_start3A_529 : memref<1x1x1x8x128xf32, #tpu.memory_space<hbm>> -> memref<8x128xf32, #tpu.memory_space<hbm>>
      %dma_start3A_531 = arith.constant 24 : i32
      %dma_start3A_532 = arith.constant 0 : i32
      %dma_start3A_533 = tpu.memref_slice %arg13[%dma_start3A_531, %dma_start3A_532] : memref<32x129xf32, #tpu.memory_space<vmem>> -> memref<8x128xf32, #tpu.memory_space<vmem>>
      tpu.enqueue_dma source(%dma_start3A_533 : memref<8x128xf32, #tpu.memory_space<vmem>>) target(%dma_start3A_530 : memref<8x128xf32, #tpu.memory_space<hbm>>) target_semaphore(%arg21 : memref<!tpu.dma_semaphore, #tpu.memory_space<semaphore_mem>>)
      %lt3A_534 = arith.constant 49 : i32
      %lt3A_535 = arith.cmpi slt, %scan3A_295, %lt3A_534 : i32
      %convert_element_type3A_536 = arith.extui %lt3A_535 : i1 to i32
      %cond3A_537 = arith.constant 0 : i32
      %cond3A_538 = arith.cmpi ne, %convert_element_type3A_536, %cond3A_537 : i32
      scf.if %cond3A_538 {
        %add3A_797 = arith.constant 4 : i32
        %add3A_798 = arith.addi %add3A_413, %add3A_797 : i32
        %jit3A_799 = arith.constant 8 : i32
        %div3A_800 = arith.divsi %add3A_798, %jit3A_799 : i32
        %sign3A_801 = arith.constant 0 : i32
        %sign3A_802 = arith.cmpi sgt, %add3A_798, %sign3A_801 : i32
        %sign3A_803 = arith.extui %sign3A_802 : i1 to i32
        %sign3A_804 = arith.constant 0 : i32
        %sign3A_805 = arith.cmpi slt, %add3A_798, %sign3A_804 : i32
        %sign3A_806 = arith.extui %sign3A_805 : i1 to i32
        %sign3A_807 = arith.subi %sign3A_803, %sign3A_806 : i32
        %sign3A_808 = arith.constant 0 : i32
        %sign3A_809 = arith.cmpi sgt, %jit3A_799, %sign3A_808 : i32
        %sign3A_810 = arith.extui %sign3A_809 : i1 to i32
        %sign3A_811 = arith.constant 0 : i32
        %sign3A_812 = arith.cmpi slt, %jit3A_799, %sign3A_811 : i32
        %sign3A_813 = arith.extui %sign3A_812 : i1 to i32
        %sign3A_814 = arith.subi %sign3A_810, %sign3A_813 : i32
        %ne3A_815 = arith.cmpi ne, %sign3A_807, %sign3A_814 : i32
        %rem3A_816 = arith.remsi %add3A_798, %jit3A_799 : i32
        %ne3A_817 = arith.constant 0 : i32
        %ne3A_818 = arith.cmpi ne, %rem3A_816, %ne3A_817 : i32
        %and3A_819 = arith.andi %ne3A_815, %ne3A_818 : i1
        %sub3A_820 = arith.constant 1 : i32
        %sub3A_821 = arith.subi %div3A_800, %sub3A_820 : i32
        %select_n3A_822 = arith.select %and3A_819, %sub3A_821, %div3A_800 : i32
        %jit3A_823 = arith.constant 8 : i32
        %eq3A_824 = arith.constant 0 : i32
        %eq3A_825 = arith.cmpi eq, %jit3A_823, %eq3A_824 : i32
        %jit3A_826 = arith.constant 1 : i32
        %select_n3A_827 = arith.select %eq3A_825, %jit3A_826, %jit3A_823 : i32
        %rem3A_828 = arith.remsi %add3A_798, %select_n3A_827 : i32
        %ne3A_829 = arith.constant 0 : i32
        %ne3A_830 = arith.cmpi ne, %rem3A_828, %ne3A_829 : i32
        %lt3A_831 = arith.constant 0 : i32
        %lt3A_832 = arith.cmpi slt, %rem3A_828, %lt3A_831 : i32
        %lt3A_833 = arith.constant 0 : i32
        %lt3A_834 = arith.cmpi slt, %select_n3A_827, %lt3A_833 : i32
        %ne3A_835 = arith.xori %lt3A_832, %lt3A_834 : i1
        %and3A_836 = arith.andi %ne3A_835, %ne3A_830 : i1
        %add3A_837 = arith.addi %rem3A_828, %select_n3A_827 : i32
        %select_n3A_838 = arith.select %and3A_836, %add3A_837, %rem3A_828 : i32
        %dma_start3A_839 = arith.constant 0 : i32
        %dma_start3A_840 = tpu.memref_slice %arg6[%select_n3A_822, %select_n3A_838, %dma_start3A_839] : memref<25x8x128xi32, #tpu.memory_space<vmem>> -> memref<1x1x128xi32, #tpu.memory_space<vmem>>
        %dma_start3A_841 = tpu.memref_squeeze %dma_start3A_840 : memref<1x1x128xi32, #tpu.memory_space<vmem>> -> memref<128xi32, #tpu.memory_space<vmem>>
        %dma_start3A_842 = arith.constant 0 : i32
        %dma_start3A_843 = arith.constant 0 : i32
        %dma_start3A_844 = tpu.memref_slice %arg3[%dma_start3A_842, %dma_start3A_843] : memref<1000000x32xf32, #tpu.memory_space<hbm>> -> memref<1000000x32xf32, #tpu.memory_space<hbm>>
        tpu.enqueue_indirect_dma source(%dma_start3A_844 : memref<1000000x32xf32, #tpu.memory_space<hbm>>) target(%arg9 : memref<128x32xf32, #tpu.memory_space<vmem>>) offsets(%dma_start3A_841 : memref<128xi32, #tpu.memory_space<vmem>>) semaphore(%arg17 : memref<!tpu.dma_semaphore, #tpu.memory_space<semaphore_mem>>)
      } else {
      }
      %mul3A_539 = arith.constant 4 : i32
      %mul3A_540 = arith.muli %scan3A_295, %mul3A_539 : i32
      %add3A_541 = arith.constant 2 : i32
      %add3A_542 = arith.addi %mul3A_540, %add3A_541 : i32
      %jit3A_543 = arith.constant 8 : i32
      %div3A_544 = arith.divsi %add3A_542, %jit3A_543 : i32
      %sign3A_545 = arith.constant 0 : i32
      %sign3A_546 = arith.cmpi sgt, %add3A_542, %sign3A_545 : i32
      %sign3A_547 = arith.extui %sign3A_546 : i1 to i32
      %sign3A_548 = arith.constant 0 : i32
      %sign3A_549 = arith.cmpi slt, %add3A_542, %sign3A_548 : i32
      %sign3A_550 = arith.extui %sign3A_549 : i1 to i32
      %sign3A_551 = arith.subi %sign3A_547, %sign3A_550 : i32
      %sign3A_552 = arith.constant 0 : i32
      %sign3A_553 = arith.cmpi sgt, %jit3A_543, %sign3A_552 : i32
      %sign3A_554 = arith.extui %sign3A_553 : i1 to i32
      %sign3A_555 = arith.constant 0 : i32
      %sign3A_556 = arith.cmpi slt, %jit3A_543, %sign3A_555 : i32
      %sign3A_557 = arith.extui %sign3A_556 : i1 to i32
      %sign3A_558 = arith.subi %sign3A_554, %sign3A_557 : i32
      %ne3A_559 = arith.cmpi ne, %sign3A_551, %sign3A_558 : i32
      %rem3A_560 = arith.remsi %add3A_542, %jit3A_543 : i32
      %ne3A_561 = arith.constant 0 : i32
      %ne3A_562 = arith.cmpi ne, %rem3A_560, %ne3A_561 : i32
      %and3A_563 = arith.andi %ne3A_559, %ne3A_562 : i1
      %sub3A_564 = arith.constant 1 : i32
      %sub3A_565 = arith.subi %div3A_544, %sub3A_564 : i32
      %select_n3A_566 = arith.select %and3A_563, %sub3A_565, %div3A_544 : i32
      %jit3A_567 = arith.constant 8 : i32
      %eq3A_568 = arith.constant 0 : i32
      %eq3A_569 = arith.cmpi eq, %jit3A_567, %eq3A_568 : i32
      %jit3A_570 = arith.constant 1 : i32
      %select_n3A_571 = arith.select %eq3A_569, %jit3A_570, %jit3A_567 : i32
      %rem3A_572 = arith.remsi %add3A_542, %select_n3A_571 : i32
      %ne3A_573 = arith.constant 0 : i32
      %ne3A_574 = arith.cmpi ne, %rem3A_572, %ne3A_573 : i32
      %lt3A_575 = arith.constant 0 : i32
      %lt3A_576 = arith.cmpi slt, %rem3A_572, %lt3A_575 : i32
      %lt3A_577 = arith.constant 0 : i32
      %lt3A_578 = arith.cmpi slt, %select_n3A_571, %lt3A_577 : i32
      %ne3A_579 = arith.xori %lt3A_576, %lt3A_578 : i1
      %and3A_580 = arith.andi %ne3A_579, %ne3A_574 : i1
      %add3A_581 = arith.addi %rem3A_572, %select_n3A_571 : i32
      %select_n3A_582 = arith.select %and3A_580, %add3A_581, %rem3A_572 : i32
      %dma_wait3A_583 = arith.constant 0 : i32
      %dma_wait3A_584 = tpu.memref_slice %arg6[%select_n3A_566, %select_n3A_582, %dma_wait3A_583] : memref<25x8x128xi32, #tpu.memory_space<vmem>> -> memref<1x1x128xi32, #tpu.memory_space<vmem>>
      %dma_wait3A_585 = tpu.memref_squeeze %dma_wait3A_584 : memref<1x1x128xi32, #tpu.memory_space<vmem>> -> memref<128xi32, #tpu.memory_space<vmem>>
      %dma_wait3A_586 = arith.constant 0 : i32
      %dma_wait3A_587 = arith.constant 0 : i32
      %dma_wait3A_588 = tpu.memref_slice %arg3[%dma_wait3A_586, %dma_wait3A_587] : memref<1000000x32xf32, #tpu.memory_space<hbm>> -> memref<1000000x32xf32, #tpu.memory_space<hbm>>
      tpu.wait_indirect_dma semaphore(%arg18 : memref<!tpu.dma_semaphore, #tpu.memory_space<semaphore_mem>>) src(%dma_wait3A_588 : memref<1000000x32xf32, #tpu.memory_space<hbm>>) dst(%arg10 : memref<128x32xf32, #tpu.memory_space<vmem>>)
      %gt3A_589 = arith.constant 0 : i32
      %gt3A_590 = arith.cmpi sgt, %scan3A_295, %gt3A_589 : i32
      %convert_element_type3A_591 = arith.extui %gt3A_590 : i1 to i32
      %cond3A_592 = arith.constant 0 : i32
      %cond3A_593 = arith.cmpi ne, %convert_element_type3A_591, %cond3A_592 : i32
      scf.if %cond3A_593 {
        %sub3A_797 = arith.constant 4 : i32
        %sub3A_798 = arith.subi %add3A_542, %sub3A_797 : i32
        %dma_wait3A_799 = arith.constant 0 : i32
        %dma_wait3A_800 = arith.constant 0 : i32
        %dma_wait3A_801 = arith.constant 0 : i32
        %dma_wait3A_802 = tpu.memref_slice %arg14[%dma_wait3A_800, %dma_wait3A_801] : memref<32x129xf32, #tpu.memory_space<vmem>> -> memref<8x128xf32, #tpu.memory_space<vmem>>
        %dma_wait3A_803 = arith.constant 0 : i32
        %dma_wait3A_804 = arith.constant 0 : i32
        %dma_wait3A_805 = tpu.memref_slice %arg5[%sub3A_798, %dma_wait3A_799, %add3A, %dma_wait3A_803, %dma_wait3A_804] : memref<200x4x32x8x128xf32, #tpu.memory_space<hbm>> -> memref<1x1x1x8x128xf32, #tpu.memory_space<hbm>>
        %dma_wait3A_806 = tpu.memref_squeeze %dma_wait3A_805 : memref<1x1x1x8x128xf32, #tpu.memory_space<hbm>> -> memref<8x128xf32, #tpu.memory_space<hbm>>
        %dma_wait3A_807 = arith.constant 0 : i32
        %dma_wait3A_808 = arith.constant 0 : i32
        %dma_wait3A_809 = tpu.memref_slice %arg5[%sub3A_798, %dma_wait3A_799, %add3A, %dma_wait3A_807, %dma_wait3A_808] : memref<200x4x32x8x128xf32, #tpu.memory_space<hbm>> -> memref<1x1x1x8x128xf32, #tpu.memory_space<hbm>>
        %dma_wait3A_810 = tpu.memref_squeeze %dma_wait3A_809 : memref<1x1x1x8x128xf32, #tpu.memory_space<hbm>> -> memref<8x128xf32, #tpu.memory_space<hbm>>
        %dma_wait3A_811 = arith.constant 0 : i32
        %dma_wait3A_812 = arith.constant 0 : i32
        %dma_wait3A_813 = tpu.memref_slice %arg14[%dma_wait3A_811, %dma_wait3A_812] : memref<32x129xf32, #tpu.memory_space<vmem>> -> memref<8x128xf32, #tpu.memory_space<vmem>>
        tpu.wait_dma2 semaphore(%arg22 : memref<!tpu.dma_semaphore, #tpu.memory_space<semaphore_mem>>) src(%dma_wait3A_813 : memref<8x128xf32, #tpu.memory_space<vmem>>) dst(%dma_wait3A_810 : memref<8x128xf32, #tpu.memory_space<hbm>>)
        %sub3A_814 = arith.constant 4 : i32
        %sub3A_815 = arith.subi %add3A_542, %sub3A_814 : i32
        %dma_wait3A_816 = arith.constant 1 : i32
        %dma_wait3A_817 = arith.constant 8 : i32
        %dma_wait3A_818 = arith.constant 0 : i32
        %dma_wait3A_819 = tpu.memref_slice %arg14[%dma_wait3A_817, %dma_wait3A_818] : memref<32x129xf32, #tpu.memory_space<vmem>> -> memref<8x128xf32, #tpu.memory_space<vmem>>
        %dma_wait3A_820 = arith.constant 0 : i32
        %dma_wait3A_821 = arith.constant 0 : i32
        %dma_wait3A_822 = tpu.memref_slice %arg5[%sub3A_815, %dma_wait3A_816, %add3A, %dma_wait3A_820, %dma_wait3A_821] : memref<200x4x32x8x128xf32, #tpu.memory_space<hbm>> -> memref<1x1x1x8x128xf32, #tpu.memory_space<hbm>>
        %dma_wait3A_823 = tpu.memref_squeeze %dma_wait3A_822 : memref<1x1x1x8x128xf32, #tpu.memory_space<hbm>> -> memref<8x128xf32, #tpu.memory_space<hbm>>
        %dma_wait3A_824 = arith.constant 0 : i32
        %dma_wait3A_825 = arith.constant 0 : i32
        %dma_wait3A_826 = tpu.memref_slice %arg5[%sub3A_815, %dma_wait3A_816, %add3A, %dma_wait3A_824, %dma_wait3A_825] : memref<200x4x32x8x128xf32, #tpu.memory_space<hbm>> -> memref<1x1x1x8x128xf32, #tpu.memory_space<hbm>>
        %dma_wait3A_827 = tpu.memref_squeeze %dma_wait3A_826 : memref<1x1x1x8x128xf32, #tpu.memory_space<hbm>> -> memref<8x128xf32, #tpu.memory_space<hbm>>
        %dma_wait3A_828 = arith.constant 8 : i32
        %dma_wait3A_829 = arith.constant 0 : i32
        %dma_wait3A_830 = tpu.memref_slice %arg14[%dma_wait3A_828, %dma_wait3A_829] : memref<32x129xf32, #tpu.memory_space<vmem>> -> memref<8x128xf32, #tpu.memory_space<vmem>>
        tpu.wait_dma2 semaphore(%arg22 : memref<!tpu.dma_semaphore, #tpu.memory_space<semaphore_mem>>) src(%dma_wait3A_830 : memref<8x128xf32, #tpu.memory_space<vmem>>) dst(%dma_wait3A_827 : memref<8x128xf32, #tpu.memory_space<hbm>>)
        %sub3A_831 = arith.constant 4 : i32
        %sub3A_832 = arith.subi %add3A_542, %sub3A_831 : i32
        %dma_wait3A_833 = arith.constant 2 : i32
        %dma_wait3A_834 = arith.constant 16 : i32
        %dma_wait3A_835 = arith.constant 0 : i32
        %dma_wait3A_836 = tpu.memref_slice %arg14[%dma_wait3A_834, %dma_wait3A_835] : memref<32x129xf32, #tpu.memory_space<vmem>> -> memref<8x128xf32, #tpu.memory_space<vmem>>
        %dma_wait3A_837 = arith.constant 0 : i32
        %dma_wait3A_838 = arith.constant 0 : i32
        %dma_wait3A_839 = tpu.memref_slice %arg5[%sub3A_832, %dma_wait3A_833, %add3A, %dma_wait3A_837, %dma_wait3A_838] : memref<200x4x32x8x128xf32, #tpu.memory_space<hbm>> -> memref<1x1x1x8x128xf32, #tpu.memory_space<hbm>>
        %dma_wait3A_840 = tpu.memref_squeeze %dma_wait3A_839 : memref<1x1x1x8x128xf32, #tpu.memory_space<hbm>> -> memref<8x128xf32, #tpu.memory_space<hbm>>
        %dma_wait3A_841 = arith.constant 0 : i32
        %dma_wait3A_842 = arith.constant 0 : i32
        %dma_wait3A_843 = tpu.memref_slice %arg5[%sub3A_832, %dma_wait3A_833, %add3A, %dma_wait3A_841, %dma_wait3A_842] : memref<200x4x32x8x128xf32, #tpu.memory_space<hbm>> -> memref<1x1x1x8x128xf32, #tpu.memory_space<hbm>>
        %dma_wait3A_844 = tpu.memref_squeeze %dma_wait3A_843 : memref<1x1x1x8x128xf32, #tpu.memory_space<hbm>> -> memref<8x128xf32, #tpu.memory_space<hbm>>
        %dma_wait3A_845 = arith.constant 16 : i32
        %dma_wait3A_846 = arith.constant 0 : i32
        %dma_wait3A_847 = tpu.memref_slice %arg14[%dma_wait3A_845, %dma_wait3A_846] : memref<32x129xf32, #tpu.memory_space<vmem>> -> memref<8x128xf32, #tpu.memory_space<vmem>>
        tpu.wait_dma2 semaphore(%arg22 : memref<!tpu.dma_semaphore, #tpu.memory_space<semaphore_mem>>) src(%dma_wait3A_847 : memref<8x128xf32, #tpu.memory_space<vmem>>) dst(%dma_wait3A_844 : memref<8x128xf32, #tpu.memory_space<hbm>>)
        %sub3A_848 = arith.constant 4 : i32
        %sub3A_849 = arith.subi %add3A_542, %sub3A_848 : i32
        %dma_wait3A_850 = arith.constant 3 : i32
        %dma_wait3A_851 = arith.constant 24 : i32
        %dma_wait3A_852 = arith.constant 0 : i32
        %dma_wait3A_853 = tpu.memref_slice %arg14[%dma_wait3A_851, %dma_wait3A_852] : memref<32x129xf32, #tpu.memory_space<vmem>> -> memref<8x128xf32, #tpu.memory_space<vmem>>
        %dma_wait3A_854 = arith.constant 0 : i32
        %dma_wait3A_855 = arith.constant 0 : i32
        %dma_wait3A_856 = tpu.memref_slice %arg5[%sub3A_849, %dma_wait3A_850, %add3A, %dma_wait3A_854, %dma_wait3A_855] : memref<200x4x32x8x128xf32, #tpu.memory_space<hbm>> -> memref<1x1x1x8x128xf32, #tpu.memory_space<hbm>>
        %dma_wait3A_857 = tpu.memref_squeeze %dma_wait3A_856 : memref<1x1x1x8x128xf32, #tpu.memory_space<hbm>> -> memref<8x128xf32, #tpu.memory_space<hbm>>
        %dma_wait3A_858 = arith.constant 0 : i32
        %dma_wait3A_859 = arith.constant 0 : i32
        %dma_wait3A_860 = tpu.memref_slice %arg5[%sub3A_849, %dma_wait3A_850, %add3A, %dma_wait3A_858, %dma_wait3A_859] : memref<200x4x32x8x128xf32, #tpu.memory_space<hbm>> -> memref<1x1x1x8x128xf32, #tpu.memory_space<hbm>>
        %dma_wait3A_861 = tpu.memref_squeeze %dma_wait3A_860 : memref<1x1x1x8x128xf32, #tpu.memory_space<hbm>> -> memref<8x128xf32, #tpu.memory_space<hbm>>
        %dma_wait3A_862 = arith.constant 24 : i32
        %dma_wait3A_863 = arith.constant 0 : i32
        %dma_wait3A_864 = tpu.memref_slice %arg14[%dma_wait3A_862, %dma_wait3A_863] : memref<32x129xf32, #tpu.memory_space<vmem>> -> memref<8x128xf32, #tpu.memory_space<vmem>>
        tpu.wait_dma2 semaphore(%arg22 : memref<!tpu.dma_semaphore, #tpu.memory_space<semaphore_mem>>) src(%dma_wait3A_864 : memref<8x128xf32, #tpu.memory_space<vmem>>) dst(%dma_wait3A_861 : memref<8x128xf32, #tpu.memory_space<hbm>>)
      } else {
      }
      %get3A_594 = arith.index_cast %add3A_542 : i32 to index
      %get3A_595 = arith.constant 0 : index
      %get3A_596 = tpu.vector_load %arg7[%get3A_594, %get3A_595] {strides = array<i32>} : memref<200x32xf32, #tpu.memory_space<vmem>>, vector<16xf32>,
      %get3A_597 = arith.index_cast %add3A_542 : i32 to index
      %get3A_598 = arith.constant 16 : index
      %get3A_599 = tpu.vector_load %arg7[%get3A_597, %get3A_598] {strides = array<i32>} : memref<200x32xf32, #tpu.memory_space<vmem>>, vector<16xf32>,
      %parallel_loop3A_600 = arith.constant 0 : i32
      %parallel_loop3A_601 = arith.constant 128 : i32
      %parallel_loop3A_602 = arith.constant 1 : i32
      scf.for %parallel_loop3A_797 = %parallel_loop3A_600 to %parallel_loop3A_601 step %parallel_loop3A_602  : i32 {
        %parallel_loop3A_798 = vector.broadcast %parallel_loop3A_797 : i32 to vector<16xi32>
        %parallel_loop3A_799 = arith.index_cast %parallel_loop3A_797 : i32 to index
        %parallel_loop3A_800 = arith.constant 0 : index
        %parallel_loop3A_801 = tpu.vector_load %arg10[%parallel_loop3A_799, %parallel_loop3A_800] {strides = array<i32>} : memref<128x32xf32, #tpu.memory_space<vmem>>, vector<16xf32>,
        %parallel_loop3A_802 = arith.addf %parallel_loop3A_801, %get3A_596 : vector<16xf32>
        %parallel_loop3A_803 = arith.index_cast %parallel_loop3A_797 : i32 to index
        %parallel_loop3A_804 = arith.constant 16 : index
        %parallel_loop3A_805 = tpu.vector_load %arg10[%parallel_loop3A_803, %parallel_loop3A_804] {strides = array<i32>} : memref<128x32xf32, #tpu.memory_space<vmem>>, vector<16xf32>,
        %parallel_loop3A_806 = arith.addf %parallel_loop3A_805, %get3A_599 : vector<16xf32>
        tpu.vector_store_idx %arg14[%iota3A, %parallel_loop3A_798], %parallel_loop3A_802 : memref<32x129xf32, #tpu.memory_space<vmem>>[vector<16xi32>, vector<16xi32>], vector<16xf32>,
        tpu.vector_store_idx %arg14[%add3A_34, %parallel_loop3A_798], %parallel_loop3A_806 : memref<32x129xf32, #tpu.memory_space<vmem>>[vector<16xi32>, vector<16xi32>], vector<16xf32>,
      } {sc.loop_unroll_factor = 8 : i64, sc.parallel_access}
      %dma_start3A_603 = arith.constant 0 : i32
      %dma_start3A_604 = arith.constant 0 : i32
      %dma_start3A_605 = arith.constant 0 : i32
      %dma_start3A_606 = tpu.memref_slice %arg14[%dma_start3A_604, %dma_start3A_605] : memref<32x129xf32, #tpu.memory_space<vmem>> -> memref<8x128xf32, #tpu.memory_space<vmem>>
      %dma_start3A_607 = arith.constant 0 : i32
      %dma_start3A_608 = arith.constant 0 : i32
      %dma_start3A_609 = tpu.memref_slice %arg5[%add3A_542, %dma_start3A_603, %add3A, %dma_start3A_607, %dma_start3A_608] : memref<200x4x32x8x128xf32, #tpu.memory_space<hbm>> -> memref<1x1x1x8x128xf32, #tpu.memory_space<hbm>>
      %dma_start3A_610 = tpu.memref_squeeze %dma_start3A_609 : memref<1x1x1x8x128xf32, #tpu.memory_space<hbm>> -> memref<8x128xf32, #tpu.memory_space<hbm>>
      %dma_start3A_611 = arith.constant 0 : i32
      %dma_start3A_612 = arith.constant 0 : i32
      %dma_start3A_613 = tpu.memref_slice %arg5[%add3A_542, %dma_start3A_603, %add3A, %dma_start3A_611, %dma_start3A_612] : memref<200x4x32x8x128xf32, #tpu.memory_space<hbm>> -> memref<1x1x1x8x128xf32, #tpu.memory_space<hbm>>
      %dma_start3A_614 = tpu.memref_squeeze %dma_start3A_613 : memref<1x1x1x8x128xf32, #tpu.memory_space<hbm>> -> memref<8x128xf32, #tpu.memory_space<hbm>>
      %dma_start3A_615 = arith.constant 0 : i32
      %dma_start3A_616 = arith.constant 0 : i32
      %dma_start3A_617 = tpu.memref_slice %arg14[%dma_start3A_615, %dma_start3A_616] : memref<32x129xf32, #tpu.memory_space<vmem>> -> memref<8x128xf32, #tpu.memory_space<vmem>>
      tpu.enqueue_dma source(%dma_start3A_617 : memref<8x128xf32, #tpu.memory_space<vmem>>) target(%dma_start3A_614 : memref<8x128xf32, #tpu.memory_space<hbm>>) target_semaphore(%arg22 : memref<!tpu.dma_semaphore, #tpu.memory_space<semaphore_mem>>)
      %dma_start3A_618 = arith.constant 1 : i32
      %dma_start3A_619 = arith.constant 8 : i32
      %dma_start3A_620 = arith.constant 0 : i32
      %dma_start3A_621 = tpu.memref_slice %arg14[%dma_start3A_619, %dma_start3A_620] : memref<32x129xf32, #tpu.memory_space<vmem>> -> memref<8x128xf32, #tpu.memory_space<vmem>>
      %dma_start3A_622 = arith.constant 0 : i32
      %dma_start3A_623 = arith.constant 0 : i32
      %dma_start3A_624 = tpu.memref_slice %arg5[%add3A_542, %dma_start3A_618, %add3A, %dma_start3A_622, %dma_start3A_623] : memref<200x4x32x8x128xf32, #tpu.memory_space<hbm>> -> memref<1x1x1x8x128xf32, #tpu.memory_space<hbm>>
      %dma_start3A_625 = tpu.memref_squeeze %dma_start3A_624 : memref<1x1x1x8x128xf32, #tpu.memory_space<hbm>> -> memref<8x128xf32, #tpu.memory_space<hbm>>
      %dma_start3A_626 = arith.constant 0 : i32
      %dma_start3A_627 = arith.constant 0 : i32
      %dma_start3A_628 = tpu.memref_slice %arg5[%add3A_542, %dma_start3A_618, %add3A, %dma_start3A_626, %dma_start3A_627] : memref<200x4x32x8x128xf32, #tpu.memory_space<hbm>> -> memref<1x1x1x8x128xf32, #tpu.memory_space<hbm>>
      %dma_start3A_629 = tpu.memref_squeeze %dma_start3A_628 : memref<1x1x1x8x128xf32, #tpu.memory_space<hbm>> -> memref<8x128xf32, #tpu.memory_space<hbm>>
      %dma_start3A_630 = arith.constant 8 : i32
      %dma_start3A_631 = arith.constant 0 : i32
      %dma_start3A_632 = tpu.memref_slice %arg14[%dma_start3A_630, %dma_start3A_631] : memref<32x129xf32, #tpu.memory_space<vmem>> -> memref<8x128xf32, #tpu.memory_space<vmem>>
      tpu.enqueue_dma source(%dma_start3A_632 : memref<8x128xf32, #tpu.memory_space<vmem>>) target(%dma_start3A_629 : memref<8x128xf32, #tpu.memory_space<hbm>>) target_semaphore(%arg22 : memref<!tpu.dma_semaphore, #tpu.memory_space<semaphore_mem>>)
      %dma_start3A_633 = arith.constant 2 : i32
      %dma_start3A_634 = arith.constant 16 : i32
      %dma_start3A_635 = arith.constant 0 : i32
      %dma_start3A_636 = tpu.memref_slice %arg14[%dma_start3A_634, %dma_start3A_635] : memref<32x129xf32, #tpu.memory_space<vmem>> -> memref<8x128xf32, #tpu.memory_space<vmem>>
      %dma_start3A_637 = arith.constant 0 : i32
      %dma_start3A_638 = arith.constant 0 : i32
      %dma_start3A_639 = tpu.memref_slice %arg5[%add3A_542, %dma_start3A_633, %add3A, %dma_start3A_637, %dma_start3A_638] : memref<200x4x32x8x128xf32, #tpu.memory_space<hbm>> -> memref<1x1x1x8x128xf32, #tpu.memory_space<hbm>>
      %dma_start3A_640 = tpu.memref_squeeze %dma_start3A_639 : memref<1x1x1x8x128xf32, #tpu.memory_space<hbm>> -> memref<8x128xf32, #tpu.memory_space<hbm>>
      %dma_start3A_641 = arith.constant 0 : i32
      %dma_start3A_642 = arith.constant 0 : i32
      %dma_start3A_643 = tpu.memref_slice %arg5[%add3A_542, %dma_start3A_633, %add3A, %dma_start3A_641, %dma_start3A_642] : memref<200x4x32x8x128xf32, #tpu.memory_space<hbm>> -> memref<1x1x1x8x128xf32, #tpu.memory_space<hbm>>
      %dma_start3A_644 = tpu.memref_squeeze %dma_start3A_643 : memref<1x1x1x8x128xf32, #tpu.memory_space<hbm>> -> memref<8x128xf32, #tpu.memory_space<hbm>>
      %dma_start3A_645 = arith.constant 16 : i32
      %dma_start3A_646 = arith.constant 0 : i32
      %dma_start3A_647 = tpu.memref_slice %arg14[%dma_start3A_645, %dma_start3A_646] : memref<32x129xf32, #tpu.memory_space<vmem>> -> memref<8x128xf32, #tpu.memory_space<vmem>>
      tpu.enqueue_dma source(%dma_start3A_647 : memref<8x128xf32, #tpu.memory_space<vmem>>) target(%dma_start3A_644 : memref<8x128xf32, #tpu.memory_space<hbm>>) target_semaphore(%arg22 : memref<!tpu.dma_semaphore, #tpu.memory_space<semaphore_mem>>)
      %dma_start3A_648 = arith.constant 3 : i32
      %dma_start3A_649 = arith.constant 24 : i32
      %dma_start3A_650 = arith.constant 0 : i32
      %dma_start3A_651 = tpu.memref_slice %arg14[%dma_start3A_649, %dma_start3A_650] : memref<32x129xf32, #tpu.memory_space<vmem>> -> memref<8x128xf32, #tpu.memory_space<vmem>>
      %dma_start3A_652 = arith.constant 0 : i32
      %dma_start3A_653 = arith.constant 0 : i32
      %dma_start3A_654 = tpu.memref_slice %arg5[%add3A_542, %dma_start3A_648, %add3A, %dma_start3A_652, %dma_start3A_653] : memref<200x4x32x8x128xf32, #tpu.memory_space<hbm>> -> memref<1x1x1x8x128xf32, #tpu.memory_space<hbm>>
      %dma_start3A_655 = tpu.memref_squeeze %dma_start3A_654 : memref<1x1x1x8x128xf32, #tpu.memory_space<hbm>> -> memref<8x128xf32, #tpu.memory_space<hbm>>
      %dma_start3A_656 = arith.constant 0 : i32
      %dma_start3A_657 = arith.constant 0 : i32
      %dma_start3A_658 = tpu.memref_slice %arg5[%add3A_542, %dma_start3A_648, %add3A, %dma_start3A_656, %dma_start3A_657] : memref<200x4x32x8x128xf32, #tpu.memory_space<hbm>> -> memref<1x1x1x8x128xf32, #tpu.memory_space<hbm>>
      %dma_start3A_659 = tpu.memref_squeeze %dma_start3A_658 : memref<1x1x1x8x128xf32, #tpu.memory_space<hbm>> -> memref<8x128xf32, #tpu.memory_space<hbm>>
      %dma_start3A_660 = arith.constant 24 : i32
      %dma_start3A_661 = arith.constant 0 : i32
      %dma_start3A_662 = tpu.memref_slice %arg14[%dma_start3A_660, %dma_start3A_661] : memref<32x129xf32, #tpu.memory_space<vmem>> -> memref<8x128xf32, #tpu.memory_space<vmem>>
      tpu.enqueue_dma source(%dma_start3A_662 : memref<8x128xf32, #tpu.memory_space<vmem>>) target(%dma_start3A_659 : memref<8x128xf32, #tpu.memory_space<hbm>>) target_semaphore(%arg22 : memref<!tpu.dma_semaphore, #tpu.memory_space<semaphore_mem>>)
      %lt3A_663 = arith.constant 49 : i32
      %lt3A_664 = arith.cmpi slt, %scan3A_295, %lt3A_663 : i32
      %convert_element_type3A_665 = arith.extui %lt3A_664 : i1 to i32
      %cond3A_666 = arith.constant 0 : i32
      %cond3A_667 = arith.cmpi ne, %convert_element_type3A_665, %cond3A_666 : i32
      scf.if %cond3A_667 {
        %add3A_797 = arith.constant 4 : i32
        %add3A_798 = arith.addi %add3A_542, %add3A_797 : i32
        %jit3A_799 = arith.constant 8 : i32
        %div3A_800 = arith.divsi %add3A_798, %jit3A_799 : i32
        %sign3A_801 = arith.constant 0 : i32
        %sign3A_802 = arith.cmpi sgt, %add3A_798, %sign3A_801 : i32
        %sign3A_803 = arith.extui %sign3A_802 : i1 to i32
        %sign3A_804 = arith.constant 0 : i32
        %sign3A_805 = arith.cmpi slt, %add3A_798, %sign3A_804 : i32
        %sign3A_806 = arith.extui %sign3A_805 : i1 to i32
        %sign3A_807 = arith.subi %sign3A_803, %sign3A_806 : i32
        %sign3A_808 = arith.constant 0 : i32
        %sign3A_809 = arith.cmpi sgt, %jit3A_799, %sign3A_808 : i32
        %sign3A_810 = arith.extui %sign3A_809 : i1 to i32
        %sign3A_811 = arith.constant 0 : i32
        %sign3A_812 = arith.cmpi slt, %jit3A_799, %sign3A_811 : i32
        %sign3A_813 = arith.extui %sign3A_812 : i1 to i32
        %sign3A_814 = arith.subi %sign3A_810, %sign3A_813 : i32
        %ne3A_815 = arith.cmpi ne, %sign3A_807, %sign3A_814 : i32
        %rem3A_816 = arith.remsi %add3A_798, %jit3A_799 : i32
        %ne3A_817 = arith.constant 0 : i32
        %ne3A_818 = arith.cmpi ne, %rem3A_816, %ne3A_817 : i32
        %and3A_819 = arith.andi %ne3A_815, %ne3A_818 : i1
        %sub3A_820 = arith.constant 1 : i32
        %sub3A_821 = arith.subi %div3A_800, %sub3A_820 : i32
        %select_n3A_822 = arith.select %and3A_819, %sub3A_821, %div3A_800 : i32
        %jit3A_823 = arith.constant 8 : i32
        %eq3A_824 = arith.constant 0 : i32
        %eq3A_825 = arith.cmpi eq, %jit3A_823, %eq3A_824 : i32
        %jit3A_826 = arith.constant 1 : i32
        %select_n3A_827 = arith.select %eq3A_825, %jit3A_826, %jit3A_823 : i32
        %rem3A_828 = arith.remsi %add3A_798, %select_n3A_827 : i32
        %ne3A_829 = arith.constant 0 : i32
        %ne3A_830 = arith.cmpi ne, %rem3A_828, %ne3A_829 : i32
        %lt3A_831 = arith.constant 0 : i32
        %lt3A_832 = arith.cmpi slt, %rem3A_828, %lt3A_831 : i32
        %lt3A_833 = arith.constant 0 : i32
        %lt3A_834 = arith.cmpi slt, %select_n3A_827, %lt3A_833 : i32
        %ne3A_835 = arith.xori %lt3A_832, %lt3A_834 : i1
        %and3A_836 = arith.andi %ne3A_835, %ne3A_830 : i1
        %add3A_837 = arith.addi %rem3A_828, %select_n3A_827 : i32
        %select_n3A_838 = arith.select %and3A_836, %add3A_837, %rem3A_828 : i32
        %dma_start3A_839 = arith.constant 0 : i32
        %dma_start3A_840 = tpu.memref_slice %arg6[%select_n3A_822, %select_n3A_838, %dma_start3A_839] : memref<25x8x128xi32, #tpu.memory_space<vmem>> -> memref<1x1x128xi32, #tpu.memory_space<vmem>>
        %dma_start3A_841 = tpu.memref_squeeze %dma_start3A_840 : memref<1x1x128xi32, #tpu.memory_space<vmem>> -> memref<128xi32, #tpu.memory_space<vmem>>
        %dma_start3A_842 = arith.constant 0 : i32
        %dma_start3A_843 = arith.constant 0 : i32
        %dma_start3A_844 = tpu.memref_slice %arg3[%dma_start3A_842, %dma_start3A_843] : memref<1000000x32xf32, #tpu.memory_space<hbm>> -> memref<1000000x32xf32, #tpu.memory_space<hbm>>
        tpu.enqueue_indirect_dma source(%dma_start3A_844 : memref<1000000x32xf32, #tpu.memory_space<hbm>>) target(%arg10 : memref<128x32xf32, #tpu.memory_space<vmem>>) offsets(%dma_start3A_841 : memref<128xi32, #tpu.memory_space<vmem>>) semaphore(%arg18 : memref<!tpu.dma_semaphore, #tpu.memory_space<semaphore_mem>>)
      } else {
      }
      %mul3A_668 = arith.constant 4 : i32
      %mul3A_669 = arith.muli %scan3A_295, %mul3A_668 : i32
      %add3A_670 = arith.constant 3 : i32
      %add3A_671 = arith.addi %mul3A_669, %add3A_670 : i32
      %jit3A_672 = arith.constant 8 : i32
      %div3A_673 = arith.divsi %add3A_671, %jit3A_672 : i32
      %sign3A_674 = arith.constant 0 : i32
      %sign3A_675 = arith.cmpi sgt, %add3A_671, %sign3A_674 : i32
      %sign3A_676 = arith.extui %sign3A_675 : i1 to i32
      %sign3A_677 = arith.constant 0 : i32
      %sign3A_678 = arith.cmpi slt, %add3A_671, %sign3A_677 : i32
      %sign3A_679 = arith.extui %sign3A_678 : i1 to i32
      %sign3A_680 = arith.subi %sign3A_676, %sign3A_679 : i32
      %sign3A_681 = arith.constant 0 : i32
      %sign3A_682 = arith.cmpi sgt, %jit3A_672, %sign3A_681 : i32
      %sign3A_683 = arith.extui %sign3A_682 : i1 to i32
      %sign3A_684 = arith.constant 0 : i32
      %sign3A_685 = arith.cmpi slt, %jit3A_672, %sign3A_684 : i32
      %sign3A_686 = arith.extui %sign3A_685 : i1 to i32
      %sign3A_687 = arith.subi %sign3A_683, %sign3A_686 : i32
      %ne3A_688 = arith.cmpi ne, %sign3A_680, %sign3A_687 : i32
      %rem3A_689 = arith.remsi %add3A_671, %jit3A_672 : i32
      %ne3A_690 = arith.constant 0 : i32
      %ne3A_691 = arith.cmpi ne, %rem3A_689, %ne3A_690 : i32
      %and3A_692 = arith.andi %ne3A_688, %ne3A_691 : i1
      %sub3A_693 = arith.constant 1 : i32
      %sub3A_694 = arith.subi %div3A_673, %sub3A_693 : i32
      %select_n3A_695 = arith.select %and3A_692, %sub3A_694, %div3A_673 : i32
      %jit3A_696 = arith.constant 8 : i32
      %eq3A_697 = arith.constant 0 : i32
      %eq3A_698 = arith.cmpi eq, %jit3A_696, %eq3A_697 : i32
      %jit3A_699 = arith.constant 1 : i32
      %select_n3A_700 = arith.select %eq3A_698, %jit3A_699, %jit3A_696 : i32
      %rem3A_701 = arith.remsi %add3A_671, %select_n3A_700 : i32
      %ne3A_702 = arith.constant 0 : i32
      %ne3A_703 = arith.cmpi ne, %rem3A_701, %ne3A_702 : i32
      %lt3A_704 = arith.constant 0 : i32
      %lt3A_705 = arith.cmpi slt, %rem3A_701, %lt3A_704 : i32
      %lt3A_706 = arith.constant 0 : i32
      %lt3A_707 = arith.cmpi slt, %select_n3A_700, %lt3A_706 : i32
      %ne3A_708 = arith.xori %lt3A_705, %lt3A_707 : i1
      %and3A_709 = arith.andi %ne3A_708, %ne3A_703 : i1
      %add3A_710 = arith.addi %rem3A_701, %select_n3A_700 : i32
      %select_n3A_711 = arith.select %and3A_709, %add3A_710, %rem3A_701 : i32
      %dma_wait3A_712 = arith.constant 0 : i32
      %dma_wait3A_713 = tpu.memref_slice %arg6[%select_n3A_695, %select_n3A_711, %dma_wait3A_712] : memref<25x8x128xi32, #tpu.memory_space<vmem>> -> memref<1x1x128xi32, #tpu.memory_space<vmem>>
      %dma_wait3A_714 = tpu.memref_squeeze %dma_wait3A_713 : memref<1x1x128xi32, #tpu.memory_space<vmem>> -> memref<128xi32, #tpu.memory_space<vmem>>
      %dma_wait3A_715 = arith.constant 0 : i32
      %dma_wait3A_716 = arith.constant 0 : i32
      %dma_wait3A_717 = tpu.memref_slice %arg3[%dma_wait3A_715, %dma_wait3A_716] : memref<1000000x32xf32, #tpu.memory_space<hbm>> -> memref<1000000x32xf32, #tpu.memory_space<hbm>>
      tpu.wait_indirect_dma semaphore(%arg19 : memref<!tpu.dma_semaphore, #tpu.memory_space<semaphore_mem>>) src(%dma_wait3A_717 : memref<1000000x32xf32, #tpu.memory_space<hbm>>) dst(%arg11 : memref<128x32xf32, #tpu.memory_space<vmem>>)
      %gt3A_718 = arith.constant 0 : i32
      %gt3A_719 = arith.cmpi sgt, %scan3A_295, %gt3A_718 : i32
      %convert_element_type3A_720 = arith.extui %gt3A_719 : i1 to i32
      %cond3A_721 = arith.constant 0 : i32
      %cond3A_722 = arith.cmpi ne, %convert_element_type3A_720, %cond3A_721 : i32
      scf.if %cond3A_722 {
        %sub3A_797 = arith.constant 4 : i32
        %sub3A_798 = arith.subi %add3A_671, %sub3A_797 : i32
        %dma_wait3A_799 = arith.constant 0 : i32
        %dma_wait3A_800 = arith.constant 0 : i32
        %dma_wait3A_801 = arith.constant 0 : i32
        %dma_wait3A_802 = tpu.memref_slice %arg15[%dma_wait3A_800, %dma_wait3A_801] : memref<32x129xf32, #tpu.memory_space<vmem>> -> memref<8x128xf32, #tpu.memory_space<vmem>>
        %dma_wait3A_803 = arith.constant 0 : i32
        %dma_wait3A_804 = arith.constant 0 : i32
        %dma_wait3A_805 = tpu.memref_slice %arg5[%sub3A_798, %dma_wait3A_799, %add3A, %dma_wait3A_803, %dma_wait3A_804] : memref<200x4x32x8x128xf32, #tpu.memory_space<hbm>> -> memref<1x1x1x8x128xf32, #tpu.memory_space<hbm>>
        %dma_wait3A_806 = tpu.memref_squeeze %dma_wait3A_805 : memref<1x1x1x8x128xf32, #tpu.memory_space<hbm>> -> memref<8x128xf32, #tpu.memory_space<hbm>>
        %dma_wait3A_807 = arith.constant 0 : i32
        %dma_wait3A_808 = arith.constant 0 : i32
        %dma_wait3A_809 = tpu.memref_slice %arg5[%sub3A_798, %dma_wait3A_799, %add3A, %dma_wait3A_807, %dma_wait3A_808] : memref<200x4x32x8x128xf32, #tpu.memory_space<hbm>> -> memref<1x1x1x8x128xf32, #tpu.memory_space<hbm>>
        %dma_wait3A_810 = tpu.memref_squeeze %dma_wait3A_809 : memref<1x1x1x8x128xf32, #tpu.memory_space<hbm>> -> memref<8x128xf32, #tpu.memory_space<hbm>>
        %dma_wait3A_811 = arith.constant 0 : i32
        %dma_wait3A_812 = arith.constant 0 : i32
        %dma_wait3A_813 = tpu.memref_slice %arg15[%dma_wait3A_811, %dma_wait3A_812] : memref<32x129xf32, #tpu.memory_space<vmem>> -> memref<8x128xf32, #tpu.memory_space<vmem>>
        tpu.wait_dma2 semaphore(%arg23 : memref<!tpu.dma_semaphore, #tpu.memory_space<semaphore_mem>>) src(%dma_wait3A_813 : memref<8x128xf32, #tpu.memory_space<vmem>>) dst(%dma_wait3A_810 : memref<8x128xf32, #tpu.memory_space<hbm>>)
        %sub3A_814 = arith.constant 4 : i32
        %sub3A_815 = arith.subi %add3A_671, %sub3A_814 : i32
        %dma_wait3A_816 = arith.constant 1 : i32
        %dma_wait3A_817 = arith.constant 8 : i32
        %dma_wait3A_818 = arith.constant 0 : i32
        %dma_wait3A_819 = tpu.memref_slice %arg15[%dma_wait3A_817, %dma_wait3A_818] : memref<32x129xf32, #tpu.memory_space<vmem>> -> memref<8x128xf32, #tpu.memory_space<vmem>>
        %dma_wait3A_820 = arith.constant 0 : i32
        %dma_wait3A_821 = arith.constant 0 : i32
        %dma_wait3A_822 = tpu.memref_slice %arg5[%sub3A_815, %dma_wait3A_816, %add3A, %dma_wait3A_820, %dma_wait3A_821] : memref<200x4x32x8x128xf32, #tpu.memory_space<hbm>> -> memref<1x1x1x8x128xf32, #tpu.memory_space<hbm>>
        %dma_wait3A_823 = tpu.memref_squeeze %dma_wait3A_822 : memref<1x1x1x8x128xf32, #tpu.memory_space<hbm>> -> memref<8x128xf32, #tpu.memory_space<hbm>>
        %dma_wait3A_824 = arith.constant 0 : i32
        %dma_wait3A_825 = arith.constant 0 : i32
        %dma_wait3A_826 = tpu.memref_slice %arg5[%sub3A_815, %dma_wait3A_816, %add3A, %dma_wait3A_824, %dma_wait3A_825] : memref<200x4x32x8x128xf32, #tpu.memory_space<hbm>> -> memref<1x1x1x8x128xf32, #tpu.memory_space<hbm>>
        %dma_wait3A_827 = tpu.memref_squeeze %dma_wait3A_826 : memref<1x1x1x8x128xf32, #tpu.memory_space<hbm>> -> memref<8x128xf32, #tpu.memory_space<hbm>>
        %dma_wait3A_828 = arith.constant 8 : i32
        %dma_wait3A_829 = arith.constant 0 : i32
        %dma_wait3A_830 = tpu.memref_slice %arg15[%dma_wait3A_828, %dma_wait3A_829] : memref<32x129xf32, #tpu.memory_space<vmem>> -> memref<8x128xf32, #tpu.memory_space<vmem>>
        tpu.wait_dma2 semaphore(%arg23 : memref<!tpu.dma_semaphore, #tpu.memory_space<semaphore_mem>>) src(%dma_wait3A_830 : memref<8x128xf32, #tpu.memory_space<vmem>>) dst(%dma_wait3A_827 : memref<8x128xf32, #tpu.memory_space<hbm>>)
        %sub3A_831 = arith.constant 4 : i32
        %sub3A_832 = arith.subi %add3A_671, %sub3A_831 : i32
        %dma_wait3A_833 = arith.constant 2 : i32
        %dma_wait3A_834 = arith.constant 16 : i32
        %dma_wait3A_835 = arith.constant 0 : i32
        %dma_wait3A_836 = tpu.memref_slice %arg15[%dma_wait3A_834, %dma_wait3A_835] : memref<32x129xf32, #tpu.memory_space<vmem>> -> memref<8x128xf32, #tpu.memory_space<vmem>>
        %dma_wait3A_837 = arith.constant 0 : i32
        %dma_wait3A_838 = arith.constant 0 : i32
        %dma_wait3A_839 = tpu.memref_slice %arg5[%sub3A_832, %dma_wait3A_833, %add3A, %dma_wait3A_837, %dma_wait3A_838] : memref<200x4x32x8x128xf32, #tpu.memory_space<hbm>> -> memref<1x1x1x8x128xf32, #tpu.memory_space<hbm>>
        %dma_wait3A_840 = tpu.memref_squeeze %dma_wait3A_839 : memref<1x1x1x8x128xf32, #tpu.memory_space<hbm>> -> memref<8x128xf32, #tpu.memory_space<hbm>>
        %dma_wait3A_841 = arith.constant 0 : i32
        %dma_wait3A_842 = arith.constant 0 : i32
        %dma_wait3A_843 = tpu.memref_slice %arg5[%sub3A_832, %dma_wait3A_833, %add3A, %dma_wait3A_841, %dma_wait3A_842] : memref<200x4x32x8x128xf32, #tpu.memory_space<hbm>> -> memref<1x1x1x8x128xf32, #tpu.memory_space<hbm>>
        %dma_wait3A_844 = tpu.memref_squeeze %dma_wait3A_843 : memref<1x1x1x8x128xf32, #tpu.memory_space<hbm>> -> memref<8x128xf32, #tpu.memory_space<hbm>>
        %dma_wait3A_845 = arith.constant 16 : i32
        %dma_wait3A_846 = arith.constant 0 : i32
        %dma_wait3A_847 = tpu.memref_slice %arg15[%dma_wait3A_845, %dma_wait3A_846] : memref<32x129xf32, #tpu.memory_space<vmem>> -> memref<8x128xf32, #tpu.memory_space<vmem>>
        tpu.wait_dma2 semaphore(%arg23 : memref<!tpu.dma_semaphore, #tpu.memory_space<semaphore_mem>>) src(%dma_wait3A_847 : memref<8x128xf32, #tpu.memory_space<vmem>>) dst(%dma_wait3A_844 : memref<8x128xf32, #tpu.memory_space<hbm>>)
        %sub3A_848 = arith.constant 4 : i32
        %sub3A_849 = arith.subi %add3A_671, %sub3A_848 : i32
        %dma_wait3A_850 = arith.constant 3 : i32
        %dma_wait3A_851 = arith.constant 24 : i32
        %dma_wait3A_852 = arith.constant 0 : i32
        %dma_wait3A_853 = tpu.memref_slice %arg15[%dma_wait3A_851, %dma_wait3A_852] : memref<32x129xf32, #tpu.memory_space<vmem>> -> memref<8x128xf32, #tpu.memory_space<vmem>>
        %dma_wait3A_854 = arith.constant 0 : i32
        %dma_wait3A_855 = arith.constant 0 : i32
        %dma_wait3A_856 = tpu.memref_slice %arg5[%sub3A_849, %dma_wait3A_850, %add3A, %dma_wait3A_854, %dma_wait3A_855] : memref<200x4x32x8x128xf32, #tpu.memory_space<hbm>> -> memref<1x1x1x8x128xf32, #tpu.memory_space<hbm>>
        %dma_wait3A_857 = tpu.memref_squeeze %dma_wait3A_856 : memref<1x1x1x8x128xf32, #tpu.memory_space<hbm>> -> memref<8x128xf32, #tpu.memory_space<hbm>>
        %dma_wait3A_858 = arith.constant 0 : i32
        %dma_wait3A_859 = arith.constant 0 : i32
        %dma_wait3A_860 = tpu.memref_slice %arg5[%sub3A_849, %dma_wait3A_850, %add3A, %dma_wait3A_858, %dma_wait3A_859] : memref<200x4x32x8x128xf32, #tpu.memory_space<hbm>> -> memref<1x1x1x8x128xf32, #tpu.memory_space<hbm>>
        %dma_wait3A_861 = tpu.memref_squeeze %dma_wait3A_860 : memref<1x1x1x8x128xf32, #tpu.memory_space<hbm>> -> memref<8x128xf32, #tpu.memory_space<hbm>>
        %dma_wait3A_862 = arith.constant 24 : i32
        %dma_wait3A_863 = arith.constant 0 : i32
        %dma_wait3A_864 = tpu.memref_slice %arg15[%dma_wait3A_862, %dma_wait3A_863] : memref<32x129xf32, #tpu.memory_space<vmem>> -> memref<8x128xf32, #tpu.memory_space<vmem>>
        tpu.wait_dma2 semaphore(%arg23 : memref<!tpu.dma_semaphore, #tpu.memory_space<semaphore_mem>>) src(%dma_wait3A_864 : memref<8x128xf32, #tpu.memory_space<vmem>>) dst(%dma_wait3A_861 : memref<8x128xf32, #tpu.memory_space<hbm>>)
      } else {
      }
      %get3A_723 = arith.index_cast %add3A_671 : i32 to index
      %get3A_724 = arith.constant 0 : index
      %get3A_725 = tpu.vector_load %arg7[%get3A_723, %get3A_724] {strides = array<i32>} : memref<200x32xf32, #tpu.memory_space<vmem>>, vector<16xf32>,
      %get3A_726 = arith.index_cast %add3A_671 : i32 to index
      %get3A_727 = arith.constant 16 : index
      %get3A_728 = tpu.vector_load %arg7[%get3A_726, %get3A_727] {strides = array<i32>} : memref<200x32xf32, #tpu.memory_space<vmem>>, vector<16xf32>,
      %parallel_loop3A_729 = arith.constant 0 : i32
      %parallel_loop3A_730 = arith.constant 128 : i32
      %parallel_loop3A_731 = arith.constant 1 : i32
      scf.for %parallel_loop3A_797 = %parallel_loop3A_729 to %parallel_loop3A_730 step %parallel_loop3A_731  : i32 {
        %parallel_loop3A_798 = vector.broadcast %parallel_loop3A_797 : i32 to vector<16xi32>
        %parallel_loop3A_799 = arith.index_cast %parallel_loop3A_797 : i32 to index
        %parallel_loop3A_800 = arith.constant 0 : index
        %parallel_loop3A_801 = tpu.vector_load %arg11[%parallel_loop3A_799, %parallel_loop3A_800] {strides = array<i32>} : memref<128x32xf32, #tpu.memory_space<vmem>>, vector<16xf32>,
        %parallel_loop3A_802 = arith.addf %parallel_loop3A_801, %get3A_725 : vector<16xf32>
        %parallel_loop3A_803 = arith.index_cast %parallel_loop3A_797 : i32 to index
        %parallel_loop3A_804 = arith.constant 16 : index
        %parallel_loop3A_805 = tpu.vector_load %arg11[%parallel_loop3A_803, %parallel_loop3A_804] {strides = array<i32>} : memref<128x32xf32, #tpu.memory_space<vmem>>, vector<16xf32>,
        %parallel_loop3A_806 = arith.addf %parallel_loop3A_805, %get3A_728 : vector<16xf32>
        tpu.vector_store_idx %arg15[%iota3A, %parallel_loop3A_798], %parallel_loop3A_802 : memref<32x129xf32, #tpu.memory_space<vmem>>[vector<16xi32>, vector<16xi32>], vector<16xf32>,
        tpu.vector_store_idx %arg15[%add3A_34, %parallel_loop3A_798], %parallel_loop3A_806 : memref<32x129xf32, #tpu.memory_space<vmem>>[vector<16xi32>, vector<16xi32>], vector<16xf32>,
      } {sc.loop_unroll_factor = 8 : i64, sc.parallel_access}
      %dma_start3A_732 = arith.constant 0 : i32
      %dma_start3A_733 = arith.constant 0 : i32
      %dma_start3A_734 = arith.constant 0 : i32
      %dma_start3A_735 = tpu.memref_slice %arg15[%dma_start3A_733, %dma_start3A_734] : memref<32x129xf32, #tpu.memory_space<vmem>> -> memref<8x128xf32, #tpu.memory_space<vmem>>
      %dma_start3A_736 = arith.constant 0 : i32
      %dma_start3A_737 = arith.constant 0 : i32
      %dma_start3A_738 = tpu.memref_slice %arg5[%add3A_671, %dma_start3A_732, %add3A, %dma_start3A_736, %dma_start3A_737] : memref<200x4x32x8x128xf32, #tpu.memory_space<hbm>> -> memref<1x1x1x8x128xf32, #tpu.memory_space<hbm>>
      %dma_start3A_739 = tpu.memref_squeeze %dma_start3A_738 : memref<1x1x1x8x128xf32, #tpu.memory_space<hbm>> -> memref<8x128xf32, #tpu.memory_space<hbm>>
      %dma_start3A_740 = arith.constant 0 : i32
      %dma_start3A_741 = arith.constant 0 : i32
      %dma_start3A_742 = tpu.memref_slice %arg5[%add3A_671, %dma_start3A_732, %add3A, %dma_start3A_740, %dma_start3A_741] : memref<200x4x32x8x128xf32, #tpu.memory_space<hbm>> -> memref<1x1x1x8x128xf32, #tpu.memory_space<hbm>>
      %dma_start3A_743 = tpu.memref_squeeze %dma_start3A_742 : memref<1x1x1x8x128xf32, #tpu.memory_space<hbm>> -> memref<8x128xf32, #tpu.memory_space<hbm>>
      %dma_start3A_744 = arith.constant 0 : i32
      %dma_start3A_745 = arith.constant 0 : i32
      %dma_start3A_746 = tpu.memref_slice %arg15[%dma_start3A_744, %dma_start3A_745] : memref<32x129xf32, #tpu.memory_space<vmem>> -> memref<8x128xf32, #tpu.memory_space<vmem>>
      tpu.enqueue_dma source(%dma_start3A_746 : memref<8x128xf32, #tpu.memory_space<vmem>>) target(%dma_start3A_743 : memref<8x128xf32, #tpu.memory_space<hbm>>) target_semaphore(%arg23 : memref<!tpu.dma_semaphore, #tpu.memory_space<semaphore_mem>>)
      %dma_start3A_747 = arith.constant 1 : i32
      %dma_start3A_748 = arith.constant 8 : i32
      %dma_start3A_749 = arith.constant 0 : i32
      %dma_start3A_750 = tpu.memref_slice %arg15[%dma_start3A_748, %dma_start3A_749] : memref<32x129xf32, #tpu.memory_space<vmem>> -> memref<8x128xf32, #tpu.memory_space<vmem>>
      %dma_start3A_751 = arith.constant 0 : i32
      %dma_start3A_752 = arith.constant 0 : i32
      %dma_start3A_753 = tpu.memref_slice %arg5[%add3A_671, %dma_start3A_747, %add3A, %dma_start3A_751, %dma_start3A_752] : memref<200x4x32x8x128xf32, #tpu.memory_space<hbm>> -> memref<1x1x1x8x128xf32, #tpu.memory_space<hbm>>
      %dma_start3A_754 = tpu.memref_squeeze %dma_start3A_753 : memref<1x1x1x8x128xf32, #tpu.memory_space<hbm>> -> memref<8x128xf32, #tpu.memory_space<hbm>>
      %dma_start3A_755 = arith.constant 0 : i32
      %dma_start3A_756 = arith.constant 0 : i32
      %dma_start3A_757 = tpu.memref_slice %arg5[%add3A_671, %dma_start3A_747, %add3A, %dma_start3A_755, %dma_start3A_756] : memref<200x4x32x8x128xf32, #tpu.memory_space<hbm>> -> memref<1x1x1x8x128xf32, #tpu.memory_space<hbm>>
      %dma_start3A_758 = tpu.memref_squeeze %dma_start3A_757 : memref<1x1x1x8x128xf32, #tpu.memory_space<hbm>> -> memref<8x128xf32, #tpu.memory_space<hbm>>
      %dma_start3A_759 = arith.constant 8 : i32
      %dma_start3A_760 = arith.constant 0 : i32
      %dma_start3A_761 = tpu.memref_slice %arg15[%dma_start3A_759, %dma_start3A_760] : memref<32x129xf32, #tpu.memory_space<vmem>> -> memref<8x128xf32, #tpu.memory_space<vmem>>
      tpu.enqueue_dma source(%dma_start3A_761 : memref<8x128xf32, #tpu.memory_space<vmem>>) target(%dma_start3A_758 : memref<8x128xf32, #tpu.memory_space<hbm>>) target_semaphore(%arg23 : memref<!tpu.dma_semaphore, #tpu.memory_space<semaphore_mem>>)
      %dma_start3A_762 = arith.constant 2 : i32
      %dma_start3A_763 = arith.constant 16 : i32
      %dma_start3A_764 = arith.constant 0 : i32
      %dma_start3A_765 = tpu.memref_slice %arg15[%dma_start3A_763, %dma_start3A_764] : memref<32x129xf32, #tpu.memory_space<vmem>> -> memref<8x128xf32, #tpu.memory_space<vmem>>
      %dma_start3A_766 = arith.constant 0 : i32
      %dma_start3A_767 = arith.constant 0 : i32
      %dma_start3A_768 = tpu.memref_slice %arg5[%add3A_671, %dma_start3A_762, %add3A, %dma_start3A_766, %dma_start3A_767] : memref<200x4x32x8x128xf32, #tpu.memory_space<hbm>> -> memref<1x1x1x8x128xf32, #tpu.memory_space<hbm>>
      %dma_start3A_769 = tpu.memref_squeeze %dma_start3A_768 : memref<1x1x1x8x128xf32, #tpu.memory_space<hbm>> -> memref<8x128xf32, #tpu.memory_space<hbm>>
      %dma_start3A_770 = arith.constant 0 : i32
      %dma_start3A_771 = arith.constant 0 : i32
      %dma_start3A_772 = tpu.memref_slice %arg5[%add3A_671, %dma_start3A_762, %add3A, %dma_start3A_770, %dma_start3A_771] : memref<200x4x32x8x128xf32, #tpu.memory_space<hbm>> -> memref<1x1x1x8x128xf32, #tpu.memory_space<hbm>>
      %dma_start3A_773 = tpu.memref_squeeze %dma_start3A_772 : memref<1x1x1x8x128xf32, #tpu.memory_space<hbm>> -> memref<8x128xf32, #tpu.memory_space<hbm>>
      %dma_start3A_774 = arith.constant 16 : i32
      %dma_start3A_775 = arith.constant 0 : i32
      %dma_start3A_776 = tpu.memref_slice %arg15[%dma_start3A_774, %dma_start3A_775] : memref<32x129xf32, #tpu.memory_space<vmem>> -> memref<8x128xf32, #tpu.memory_space<vmem>>
      tpu.enqueue_dma source(%dma_start3A_776 : memref<8x128xf32, #tpu.memory_space<vmem>>) target(%dma_start3A_773 : memref<8x128xf32, #tpu.memory_space<hbm>>) target_semaphore(%arg23 : memref<!tpu.dma_semaphore, #tpu.memory_space<semaphore_mem>>)
      %dma_start3A_777 = arith.constant 3 : i32
      %dma_start3A_778 = arith.constant 24 : i32
      %dma_start3A_779 = arith.constant 0 : i32
      %dma_start3A_780 = tpu.memref_slice %arg15[%dma_start3A_778, %dma_start3A_779] : memref<32x129xf32, #tpu.memory_space<vmem>> -> memref<8x128xf32, #tpu.memory_space<vmem>>
      %dma_start3A_781 = arith.constant 0 : i32
      %dma_start3A_782 = arith.constant 0 : i32
      %dma_start3A_783 = tpu.memref_slice %arg5[%add3A_671, %dma_start3A_777, %add3A, %dma_start3A_781, %dma_start3A_782] : memref<200x4x32x8x128xf32, #tpu.memory_space<hbm>> -> memref<1x1x1x8x128xf32, #tpu.memory_space<hbm>>
      %dma_start3A_784 = tpu.memref_squeeze %dma_start3A_783 : memref<1x1x1x8x128xf32, #tpu.memory_space<hbm>> -> memref<8x128xf32, #tpu.memory_space<hbm>>
      %dma_start3A_785 = arith.constant 0 : i32
      %dma_start3A_786 = arith.constant 0 : i32
      %dma_start3A_787 = tpu.memref_slice %arg5[%add3A_671, %dma_start3A_777, %add3A, %dma_start3A_785, %dma_start3A_786] : memref<200x4x32x8x128xf32, #tpu.memory_space<hbm>> -> memref<1x1x1x8x128xf32, #tpu.memory_space<hbm>>
      %dma_start3A_788 = tpu.memref_squeeze %dma_start3A_787 : memref<1x1x1x8x128xf32, #tpu.memory_space<hbm>> -> memref<8x128xf32, #tpu.memory_space<hbm>>
      %dma_start3A_789 = arith.constant 24 : i32
      %dma_start3A_790 = arith.constant 0 : i32
      %dma_start3A_791 = tpu.memref_slice %arg15[%dma_start3A_789, %dma_start3A_790] : memref<32x129xf32, #tpu.memory_space<vmem>> -> memref<8x128xf32, #tpu.memory_space<vmem>>
      tpu.enqueue_dma source(%dma_start3A_791 : memref<8x128xf32, #tpu.memory_space<vmem>>) target(%dma_start3A_788 : memref<8x128xf32, #tpu.memory_space<hbm>>) target_semaphore(%arg23 : memref<!tpu.dma_semaphore, #tpu.memory_space<semaphore_mem>>)
      %lt3A_792 = arith.constant 49 : i32
      %lt3A_793 = arith.cmpi slt, %scan3A_295, %lt3A_792 : i32
      %convert_element_type3A_794 = arith.extui %lt3A_793 : i1 to i32
      %cond3A_795 = arith.constant 0 : i32
      %cond3A_796 = arith.cmpi ne, %convert_element_type3A_794, %cond3A_795 : i32
      scf.if %cond3A_796 {
        %add3A_797 = arith.constant 4 : i32
        %add3A_798 = arith.addi %add3A_671, %add3A_797 : i32
        %jit3A_799 = arith.constant 8 : i32
        %div3A_800 = arith.divsi %add3A_798, %jit3A_799 : i32
        %sign3A_801 = arith.constant 0 : i32
        %sign3A_802 = arith.cmpi sgt, %add3A_798, %sign3A_801 : i32
        %sign3A_803 = arith.extui %sign3A_802 : i1 to i32
        %sign3A_804 = arith.constant 0 : i32
        %sign3A_805 = arith.cmpi slt, %add3A_798, %sign3A_804 : i32
        %sign3A_806 = arith.extui %sign3A_805 : i1 to i32
        %sign3A_807 = arith.subi %sign3A_803, %sign3A_806 : i32
        %sign3A_808 = arith.constant 0 : i32
        %sign3A_809 = arith.cmpi sgt, %jit3A_799, %sign3A_808 : i32
        %sign3A_810 = arith.extui %sign3A_809 : i1 to i32
        %sign3A_811 = arith.constant 0 : i32
        %sign3A_812 = arith.cmpi slt, %jit3A_799, %sign3A_811 : i32
        %sign3A_813 = arith.extui %sign3A_812 : i1 to i32
        %sign3A_814 = arith.subi %sign3A_810, %sign3A_813 : i32
        %ne3A_815 = arith.cmpi ne, %sign3A_807, %sign3A_814 : i32
        %rem3A_816 = arith.remsi %add3A_798, %jit3A_799 : i32
        %ne3A_817 = arith.constant 0 : i32
        %ne3A_818 = arith.cmpi ne, %rem3A_816, %ne3A_817 : i32
        %and3A_819 = arith.andi %ne3A_815, %ne3A_818 : i1
        %sub3A_820 = arith.constant 1 : i32
        %sub3A_821 = arith.subi %div3A_800, %sub3A_820 : i32
        %select_n3A_822 = arith.select %and3A_819, %sub3A_821, %div3A_800 : i32
        %jit3A_823 = arith.constant 8 : i32
        %eq3A_824 = arith.constant 0 : i32
        %eq3A_825 = arith.cmpi eq, %jit3A_823, %eq3A_824 : i32
        %jit3A_826 = arith.constant 1 : i32
        %select_n3A_827 = arith.select %eq3A_825, %jit3A_826, %jit3A_823 : i32
        %rem3A_828 = arith.remsi %add3A_798, %select_n3A_827 : i32
        %ne3A_829 = arith.constant 0 : i32
        %ne3A_830 = arith.cmpi ne, %rem3A_828, %ne3A_829 : i32
        %lt3A_831 = arith.constant 0 : i32
        %lt3A_832 = arith.cmpi slt, %rem3A_828, %lt3A_831 : i32
        %lt3A_833 = arith.constant 0 : i32
        %lt3A_834 = arith.cmpi slt, %select_n3A_827, %lt3A_833 : i32
        %ne3A_835 = arith.xori %lt3A_832, %lt3A_834 : i1
        %and3A_836 = arith.andi %ne3A_835, %ne3A_830 : i1
        %add3A_837 = arith.addi %rem3A_828, %select_n3A_827 : i32
        %select_n3A_838 = arith.select %and3A_836, %add3A_837, %rem3A_828 : i32
        %dma_start3A_839 = arith.constant 0 : i32
        %dma_start3A_840 = tpu.memref_slice %arg6[%select_n3A_822, %select_n3A_838, %dma_start3A_839] : memref<25x8x128xi32, #tpu.memory_space<vmem>> -> memref<1x1x128xi32, #tpu.memory_space<vmem>>
        %dma_start3A_841 = tpu.memref_squeeze %dma_start3A_840 : memref<1x1x128xi32, #tpu.memory_space<vmem>> -> memref<128xi32, #tpu.memory_space<vmem>>
        %dma_start3A_842 = arith.constant 0 : i32
        %dma_start3A_843 = arith.constant 0 : i32
        %dma_start3A_844 = tpu.memref_slice %arg3[%dma_start3A_842, %dma_start3A_843] : memref<1000000x32xf32, #tpu.memory_space<hbm>> -> memref<1000000x32xf32, #tpu.memory_space<hbm>>
        tpu.enqueue_indirect_dma source(%dma_start3A_844 : memref<1000000x32xf32, #tpu.memory_space<hbm>>) target(%arg11 : memref<128x32xf32, #tpu.memory_space<vmem>>) offsets(%dma_start3A_841 : memref<128xi32, #tpu.memory_space<vmem>>) semaphore(%arg19 : memref<!tpu.dma_semaphore, #tpu.memory_space<semaphore_mem>>)
      } else {
      }
    }
    %scan3A_39 = arith.constant 50 : i32
    %dma_wait3A = arith.constant 196 : i32
    %dma_wait3A_40 = arith.constant 0 : i32
    %dma_wait3A_41 = arith.constant 0 : i32
    %dma_wait3A_42 = arith.constant 0 : i32
    %dma_wait3A_43 = tpu.memref_slice %arg12[%dma_wait3A_41, %dma_wait3A_42] : memref<32x129xf32, #tpu.memory_space<vmem>> -> memref<8x128xf32, #tpu.memory_space<vmem>>
    %dma_wait3A_44 = arith.constant 0 : i32
    %dma_wait3A_45 = arith.constant 0 : i32
    %dma_wait3A_46 = tpu.memref_slice %arg5[%dma_wait3A, %dma_wait3A_40, %add3A, %dma_wait3A_44, %dma_wait3A_45] : memref<200x4x32x8x128xf32, #tpu.memory_space<hbm>> -> memref<1x1x1x8x128xf32, #tpu.memory_space<hbm>>
    %dma_wait3A_47 = tpu.memref_squeeze %dma_wait3A_46 : memref<1x1x1x8x128xf32, #tpu.memory_space<hbm>> -> memref<8x128xf32, #tpu.memory_space<hbm>>
    %dma_wait3A_48 = arith.constant 0 : i32
    %dma_wait3A_49 = arith.constant 0 : i32
    %dma_wait3A_50 = tpu.memref_slice %arg5[%dma_wait3A, %dma_wait3A_40, %add3A, %dma_wait3A_48, %dma_wait3A_49] : memref<200x4x32x8x128xf32, #tpu.memory_space<hbm>> -> memref<1x1x1x8x128xf32, #tpu.memory_space<hbm>>
    %dma_wait3A_51 = tpu.memref_squeeze %dma_wait3A_50 : memref<1x1x1x8x128xf32, #tpu.memory_space<hbm>> -> memref<8x128xf32, #tpu.memory_space<hbm>>
    %dma_wait3A_52 = arith.constant 0 : i32
    %dma_wait3A_53 = arith.constant 0 : i32
    %dma_wait3A_54 = tpu.memref_slice %arg12[%dma_wait3A_52, %dma_wait3A_53] : memref<32x129xf32, #tpu.memory_space<vmem>> -> memref<8x128xf32, #tpu.memory_space<vmem>>
    tpu.wait_dma2 semaphore(%arg20 : memref<!tpu.dma_semaphore, #tpu.memory_space<semaphore_mem>>) src(%dma_wait3A_54 : memref<8x128xf32, #tpu.memory_space<vmem>>) dst(%dma_wait3A_51 : memref<8x128xf32, #tpu.memory_space<hbm>>)
    %dma_wait3A_55 = arith.constant 196 : i32
    %dma_wait3A_56 = arith.constant 1 : i32
    %dma_wait3A_57 = arith.constant 8 : i32
    %dma_wait3A_58 = arith.constant 0 : i32
    %dma_wait3A_59 = tpu.memref_slice %arg12[%dma_wait3A_57, %dma_wait3A_58] : memref<32x129xf32, #tpu.memory_space<vmem>> -> memref<8x128xf32, #tpu.memory_space<vmem>>
    %dma_wait3A_60 = arith.constant 0 : i32
    %dma_wait3A_61 = arith.constant 0 : i32
    %dma_wait3A_62 = tpu.memref_slice %arg5[%dma_wait3A_55, %dma_wait3A_56, %add3A, %dma_wait3A_60, %dma_wait3A_61] : memref<200x4x32x8x128xf32, #tpu.memory_space<hbm>> -> memref<1x1x1x8x128xf32, #tpu.memory_space<hbm>>
    %dma_wait3A_63 = tpu.memref_squeeze %dma_wait3A_62 : memref<1x1x1x8x128xf32, #tpu.memory_space<hbm>> -> memref<8x128xf32, #tpu.memory_space<hbm>>
    %dma_wait3A_64 = arith.constant 0 : i32
    %dma_wait3A_65 = arith.constant 0 : i32
    %dma_wait3A_66 = tpu.memref_slice %arg5[%dma_wait3A_55, %dma_wait3A_56, %add3A, %dma_wait3A_64, %dma_wait3A_65] : memref<200x4x32x8x128xf32, #tpu.memory_space<hbm>> -> memref<1x1x1x8x128xf32, #tpu.memory_space<hbm>>
    %dma_wait3A_67 = tpu.memref_squeeze %dma_wait3A_66 : memref<1x1x1x8x128xf32, #tpu.memory_space<hbm>> -> memref<8x128xf32, #tpu.memory_space<hbm>>
    %dma_wait3A_68 = arith.constant 8 : i32
    %dma_wait3A_69 = arith.constant 0 : i32
    %dma_wait3A_70 = tpu.memref_slice %arg12[%dma_wait3A_68, %dma_wait3A_69] : memref<32x129xf32, #tpu.memory_space<vmem>> -> memref<8x128xf32, #tpu.memory_space<vmem>>
    tpu.wait_dma2 semaphore(%arg20 : memref<!tpu.dma_semaphore, #tpu.memory_space<semaphore_mem>>) src(%dma_wait3A_70 : memref<8x128xf32, #tpu.memory_space<vmem>>) dst(%dma_wait3A_67 : memref<8x128xf32, #tpu.memory_space<hbm>>)
    %dma_wait3A_71 = arith.constant 196 : i32
    %dma_wait3A_72 = arith.constant 2 : i32
    %dma_wait3A_73 = arith.constant 16 : i32
    %dma_wait3A_74 = arith.constant 0 : i32
    %dma_wait3A_75 = tpu.memref_slice %arg12[%dma_wait3A_73, %dma_wait3A_74] : memref<32x129xf32, #tpu.memory_space<vmem>> -> memref<8x128xf32, #tpu.memory_space<vmem>>
    %dma_wait3A_76 = arith.constant 0 : i32
    %dma_wait3A_77 = arith.constant 0 : i32
    %dma_wait3A_78 = tpu.memref_slice %arg5[%dma_wait3A_71, %dma_wait3A_72, %add3A, %dma_wait3A_76, %dma_wait3A_77] : memref<200x4x32x8x128xf32, #tpu.memory_space<hbm>> -> memref<1x1x1x8x128xf32, #tpu.memory_space<hbm>>
    %dma_wait3A_79 = tpu.memref_squeeze %dma_wait3A_78 : memref<1x1x1x8x128xf32, #tpu.memory_space<hbm>> -> memref<8x128xf32, #tpu.memory_space<hbm>>
    %dma_wait3A_80 = arith.constant 0 : i32
    %dma_wait3A_81 = arith.constant 0 : i32
    %dma_wait3A_82 = tpu.memref_slice %arg5[%dma_wait3A_71, %dma_wait3A_72, %add3A, %dma_wait3A_80, %dma_wait3A_81] : memref<200x4x32x8x128xf32, #tpu.memory_space<hbm>> -> memref<1x1x1x8x128xf32, #tpu.memory_space<hbm>>
    %dma_wait3A_83 = tpu.memref_squeeze %dma_wait3A_82 : memref<1x1x1x8x128xf32, #tpu.memory_space<hbm>> -> memref<8x128xf32, #tpu.memory_space<hbm>>
    %dma_wait3A_84 = arith.constant 16 : i32
    %dma_wait3A_85 = arith.constant 0 : i32
    %dma_wait3A_86 = tpu.memref_slice %arg12[%dma_wait3A_84, %dma_wait3A_85] : memref<32x129xf32, #tpu.memory_space<vmem>> -> memref<8x128xf32, #tpu.memory_space<vmem>>
    tpu.wait_dma2 semaphore(%arg20 : memref<!tpu.dma_semaphore, #tpu.memory_space<semaphore_mem>>) src(%dma_wait3A_86 : memref<8x128xf32, #tpu.memory_space<vmem>>) dst(%dma_wait3A_83 : memref<8x128xf32, #tpu.memory_space<hbm>>)
    %dma_wait3A_87 = arith.constant 196 : i32
    %dma_wait3A_88 = arith.constant 3 : i32
    %dma_wait3A_89 = arith.constant 24 : i32
    %dma_wait3A_90 = arith.constant 0 : i32
    %dma_wait3A_91 = tpu.memref_slice %arg12[%dma_wait3A_89, %dma_wait3A_90] : memref<32x129xf32, #tpu.memory_space<vmem>> -> memref<8x128xf32, #tpu.memory_space<vmem>>
    %dma_wait3A_92 = arith.constant 0 : i32
    %dma_wait3A_93 = arith.constant 0 : i32
    %dma_wait3A_94 = tpu.memref_slice %arg5[%dma_wait3A_87, %dma_wait3A_88, %add3A, %dma_wait3A_92, %dma_wait3A_93] : memref<200x4x32x8x128xf32, #tpu.memory_space<hbm>> -> memref<1x1x1x8x128xf32, #tpu.memory_space<hbm>>
    %dma_wait3A_95 = tpu.memref_squeeze %dma_wait3A_94 : memref<1x1x1x8x128xf32, #tpu.memory_space<hbm>> -> memref<8x128xf32, #tpu.memory_space<hbm>>
    %dma_wait3A_96 = arith.constant 0 : i32
    %dma_wait3A_97 = arith.constant 0 : i32
    %dma_wait3A_98 = tpu.memref_slice %arg5[%dma_wait3A_87, %dma_wait3A_88, %add3A, %dma_wait3A_96, %dma_wait3A_97] : memref<200x4x32x8x128xf32, #tpu.memory_space<hbm>> -> memref<1x1x1x8x128xf32, #tpu.memory_space<hbm>>
    %dma_wait3A_99 = tpu.memref_squeeze %dma_wait3A_98 : memref<1x1x1x8x128xf32, #tpu.memory_space<hbm>> -> memref<8x128xf32, #tpu.memory_space<hbm>>
    %dma_wait3A_100 = arith.constant 24 : i32
    %dma_wait3A_101 = arith.constant 0 : i32
    %dma_wait3A_102 = tpu.memref_slice %arg12[%dma_wait3A_100, %dma_wait3A_101] : memref<32x129xf32, #tpu.memory_space<vmem>> -> memref<8x128xf32, #tpu.memory_space<vmem>>
    tpu.wait_dma2 semaphore(%arg20 : memref<!tpu.dma_semaphore, #tpu.memory_space<semaphore_mem>>) src(%dma_wait3A_102 : memref<8x128xf32, #tpu.memory_space<vmem>>) dst(%dma_wait3A_99 : memref<8x128xf32, #tpu.memory_space<hbm>>)
    %dma_wait3A_103 = arith.constant 197 : i32
    %dma_wait3A_104 = arith.constant 0 : i32
    %dma_wait3A_105 = arith.constant 0 : i32
    %dma_wait3A_106 = arith.constant 0 : i32
    %dma_wait3A_107 = tpu.memref_slice %arg13[%dma_wait3A_105, %dma_wait3A_106] : memref<32x129xf32, #tpu.memory_space<vmem>> -> memref<8x128xf32, #tpu.memory_space<vmem>>
    %dma_wait3A_108 = arith.constant 0 : i32
    %dma_wait3A_109 = arith.constant 0 : i32
    %dma_wait3A_110 = tpu.memref_slice %arg5[%dma_wait3A_103, %dma_wait3A_104, %add3A, %dma_wait3A_108, %dma_wait3A_109] : memref<200x4x32x8x128xf32, #tpu.memory_space<hbm>> -> memref<1x1x1x8x128xf32, #tpu.memory_space<hbm>>
    %dma_wait3A_111 = tpu.memref_squeeze %dma_wait3A_110 : memref<1x1x1x8x128xf32, #tpu.memory_space<hbm>> -> memref<8x128xf32, #tpu.memory_space<hbm>>
    %dma_wait3A_112 = arith.constant 0 : i32
    %dma_wait3A_113 = arith.constant 0 : i32
    %dma_wait3A_114 = tpu.memref_slice %arg5[%dma_wait3A_103, %dma_wait3A_104, %add3A, %dma_wait3A_112, %dma_wait3A_113] : memref<200x4x32x8x128xf32, #tpu.memory_space<hbm>> -> memref<1x1x1x8x128xf32, #tpu.memory_space<hbm>>
    %dma_wait3A_115 = tpu.memref_squeeze %dma_wait3A_114 : memref<1x1x1x8x128xf32, #tpu.memory_space<hbm>> -> memref<8x128xf32, #tpu.memory_space<hbm>>
    %dma_wait3A_116 = arith.constant 0 : i32
    %dma_wait3A_117 = arith.constant 0 : i32
    %dma_wait3A_118 = tpu.memref_slice %arg13[%dma_wait3A_116, %dma_wait3A_117] : memref<32x129xf32, #tpu.memory_space<vmem>> -> memref<8x128xf32, #tpu.memory_space<vmem>>
    tpu.wait_dma2 semaphore(%arg21 : memref<!tpu.dma_semaphore, #tpu.memory_space<semaphore_mem>>) src(%dma_wait3A_118 : memref<8x128xf32, #tpu.memory_space<vmem>>) dst(%dma_wait3A_115 : memref<8x128xf32, #tpu.memory_space<hbm>>)
    %dma_wait3A_119 = arith.constant 197 : i32
    %dma_wait3A_120 = arith.constant 1 : i32
    %dma_wait3A_121 = arith.constant 8 : i32
    %dma_wait3A_122 = arith.constant 0 : i32
    %dma_wait3A_123 = tpu.memref_slice %arg13[%dma_wait3A_121, %dma_wait3A_122] : memref<32x129xf32, #tpu.memory_space<vmem>> -> memref<8x128xf32, #tpu.memory_space<vmem>>
    %dma_wait3A_124 = arith.constant 0 : i32
    %dma_wait3A_125 = arith.constant 0 : i32
    %dma_wait3A_126 = tpu.memref_slice %arg5[%dma_wait3A_119, %dma_wait3A_120, %add3A, %dma_wait3A_124, %dma_wait3A_125] : memref<200x4x32x8x128xf32, #tpu.memory_space<hbm>> -> memref<1x1x1x8x128xf32, #tpu.memory_space<hbm>>
    %dma_wait3A_127 = tpu.memref_squeeze %dma_wait3A_126 : memref<1x1x1x8x128xf32, #tpu.memory_space<hbm>> -> memref<8x128xf32, #tpu.memory_space<hbm>>
    %dma_wait3A_128 = arith.constant 0 : i32
    %dma_wait3A_129 = arith.constant 0 : i32
    %dma_wait3A_130 = tpu.memref_slice %arg5[%dma_wait3A_119, %dma_wait3A_120, %add3A, %dma_wait3A_128, %dma_wait3A_129] : memref<200x4x32x8x128xf32, #tpu.memory_space<hbm>> -> memref<1x1x1x8x128xf32, #tpu.memory_space<hbm>>
    %dma_wait3A_131 = tpu.memref_squeeze %dma_wait3A_130 : memref<1x1x1x8x128xf32, #tpu.memory_space<hbm>> -> memref<8x128xf32, #tpu.memory_space<hbm>>
    %dma_wait3A_132 = arith.constant 8 : i32
    %dma_wait3A_133 = arith.constant 0 : i32
    %dma_wait3A_134 = tpu.memref_slice %arg13[%dma_wait3A_132, %dma_wait3A_133] : memref<32x129xf32, #tpu.memory_space<vmem>> -> memref<8x128xf32, #tpu.memory_space<vmem>>
    tpu.wait_dma2 semaphore(%arg21 : memref<!tpu.dma_semaphore, #tpu.memory_space<semaphore_mem>>) src(%dma_wait3A_134 : memref<8x128xf32, #tpu.memory_space<vmem>>) dst(%dma_wait3A_131 : memref<8x128xf32, #tpu.memory_space<hbm>>)
    %dma_wait3A_135 = arith.constant 197 : i32
    %dma_wait3A_136 = arith.constant 2 : i32
    %dma_wait3A_137 = arith.constant 16 : i32
    %dma_wait3A_138 = arith.constant 0 : i32
    %dma_wait3A_139 = tpu.memref_slice %arg13[%dma_wait3A_137, %dma_wait3A_138] : memref<32x129xf32, #tpu.memory_space<vmem>> -> memref<8x128xf32, #tpu.memory_space<vmem>>
    %dma_wait3A_140 = arith.constant 0 : i32
    %dma_wait3A_141 = arith.constant 0 : i32
    %dma_wait3A_142 = tpu.memref_slice %arg5[%dma_wait3A_135, %dma_wait3A_136, %add3A, %dma_wait3A_140, %dma_wait3A_141] : memref<200x4x32x8x128xf32, #tpu.memory_space<hbm>> -> memref<1x1x1x8x128xf32, #tpu.memory_space<hbm>>
    %dma_wait3A_143 = tpu.memref_squeeze %dma_wait3A_142 : memref<1x1x1x8x128xf32, #tpu.memory_space<hbm>> -> memref<8x128xf32, #tpu.memory_space<hbm>>
    %dma_wait3A_144 = arith.constant 0 : i32
    %dma_wait3A_145 = arith.constant 0 : i32
    %dma_wait3A_146 = tpu.memref_slice %arg5[%dma_wait3A_135, %dma_wait3A_136, %add3A, %dma_wait3A_144, %dma_wait3A_145] : memref<200x4x32x8x128xf32, #tpu.memory_space<hbm>> -> memref<1x1x1x8x128xf32, #tpu.memory_space<hbm>>
    %dma_wait3A_147 = tpu.memref_squeeze %dma_wait3A_146 : memref<1x1x1x8x128xf32, #tpu.memory_space<hbm>> -> memref<8x128xf32, #tpu.memory_space<hbm>>
    %dma_wait3A_148 = arith.constant 16 : i32
    %dma_wait3A_149 = arith.constant 0 : i32
    %dma_wait3A_150 = tpu.memref_slice %arg13[%dma_wait3A_148, %dma_wait3A_149] : memref<32x129xf32, #tpu.memory_space<vmem>> -> memref<8x128xf32, #tpu.memory_space<vmem>>
    tpu.wait_dma2 semaphore(%arg21 : memref<!tpu.dma_semaphore, #tpu.memory_space<semaphore_mem>>) src(%dma_wait3A_150 : memref<8x128xf32, #tpu.memory_space<vmem>>) dst(%dma_wait3A_147 : memref<8x128xf32, #tpu.memory_space<hbm>>)
    %dma_wait3A_151 = arith.constant 197 : i32
    %dma_wait3A_152 = arith.constant 3 : i32
    %dma_wait3A_153 = arith.constant 24 : i32
    %dma_wait3A_154 = arith.constant 0 : i32
    %dma_wait3A_155 = tpu.memref_slice %arg13[%dma_wait3A_153, %dma_wait3A_154] : memref<32x129xf32, #tpu.memory_space<vmem>> -> memref<8x128xf32, #tpu.memory_space<vmem>>
    %dma_wait3A_156 = arith.constant 0 : i32
    %dma_wait3A_157 = arith.constant 0 : i32
    %dma_wait3A_158 = tpu.memref_slice %arg5[%dma_wait3A_151, %dma_wait3A_152, %add3A, %dma_wait3A_156, %dma_wait3A_157] : memref<200x4x32x8x128xf32, #tpu.memory_space<hbm>> -> memref<1x1x1x8x128xf32, #tpu.memory_space<hbm>>
    %dma_wait3A_159 = tpu.memref_squeeze %dma_wait3A_158 : memref<1x1x1x8x128xf32, #tpu.memory_space<hbm>> -> memref<8x128xf32, #tpu.memory_space<hbm>>
    %dma_wait3A_160 = arith.constant 0 : i32
    %dma_wait3A_161 = arith.constant 0 : i32
    %dma_wait3A_162 = tpu.memref_slice %arg5[%dma_wait3A_151, %dma_wait3A_152, %add3A, %dma_wait3A_160, %dma_wait3A_161] : memref<200x4x32x8x128xf32, #tpu.memory_space<hbm>> -> memref<1x1x1x8x128xf32, #tpu.memory_space<hbm>>
    %dma_wait3A_163 = tpu.memref_squeeze %dma_wait3A_162 : memref<1x1x1x8x128xf32, #tpu.memory_space<hbm>> -> memref<8x128xf32, #tpu.memory_space<hbm>>
    %dma_wait3A_164 = arith.constant 24 : i32
    %dma_wait3A_165 = arith.constant 0 : i32
    %dma_wait3A_166 = tpu.memref_slice %arg13[%dma_wait3A_164, %dma_wait3A_165] : memref<32x129xf32, #tpu.memory_space<vmem>> -> memref<8x128xf32, #tpu.memory_space<vmem>>
    tpu.wait_dma2 semaphore(%arg21 : memref<!tpu.dma_semaphore, #tpu.memory_space<semaphore_mem>>) src(%dma_wait3A_166 : memref<8x128xf32, #tpu.memory_space<vmem>>) dst(%dma_wait3A_163 : memref<8x128xf32, #tpu.memory_space<hbm>>)
    %dma_wait3A_167 = arith.constant 198 : i32
    %dma_wait3A_168 = arith.constant 0 : i32
    %dma_wait3A_169 = arith.constant 0 : i32
    %dma_wait3A_170 = arith.constant 0 : i32
    %dma_wait3A_171 = tpu.memref_slice %arg14[%dma_wait3A_169, %dma_wait3A_170] : memref<32x129xf32, #tpu.memory_space<vmem>> -> memref<8x128xf32, #tpu.memory_space<vmem>>
    %dma_wait3A_172 = arith.constant 0 : i32
    %dma_wait3A_173 = arith.constant 0 : i32
    %dma_wait3A_174 = tpu.memref_slice %arg5[%dma_wait3A_167, %dma_wait3A_168, %add3A, %dma_wait3A_172, %dma_wait3A_173] : memref<200x4x32x8x128xf32, #tpu.memory_space<hbm>> -> memref<1x1x1x8x128xf32, #tpu.memory_space<hbm>>
    %dma_wait3A_175 = tpu.memref_squeeze %dma_wait3A_174 : memref<1x1x1x8x128xf32, #tpu.memory_space<hbm>> -> memref<8x128xf32, #tpu.memory_space<hbm>>
    %dma_wait3A_176 = arith.constant 0 : i32
    %dma_wait3A_177 = arith.constant 0 : i32
    %dma_wait3A_178 = tpu.memref_slice %arg5[%dma_wait3A_167, %dma_wait3A_168, %add3A, %dma_wait3A_176, %dma_wait3A_177] : memref<200x4x32x8x128xf32, #tpu.memory_space<hbm>> -> memref<1x1x1x8x128xf32, #tpu.memory_space<hbm>>
    %dma_wait3A_179 = tpu.memref_squeeze %dma_wait3A_178 : memref<1x1x1x8x128xf32, #tpu.memory_space<hbm>> -> memref<8x128xf32, #tpu.memory_space<hbm>>
    %dma_wait3A_180 = arith.constant 0 : i32
    %dma_wait3A_181 = arith.constant 0 : i32
    %dma_wait3A_182 = tpu.memref_slice %arg14[%dma_wait3A_180, %dma_wait3A_181] : memref<32x129xf32, #tpu.memory_space<vmem>> -> memref<8x128xf32, #tpu.memory_space<vmem>>
    tpu.wait_dma2 semaphore(%arg22 : memref<!tpu.dma_semaphore, #tpu.memory_space<semaphore_mem>>) src(%dma_wait3A_182 : memref<8x128xf32, #tpu.memory_space<vmem>>) dst(%dma_wait3A_179 : memref<8x128xf32, #tpu.memory_space<hbm>>)
    %dma_wait3A_183 = arith.constant 198 : i32
    %dma_wait3A_184 = arith.constant 1 : i32
    %dma_wait3A_185 = arith.constant 8 : i32
    %dma_wait3A_186 = arith.constant 0 : i32
    %dma_wait3A_187 = tpu.memref_slice %arg14[%dma_wait3A_185, %dma_wait3A_186] : memref<32x129xf32, #tpu.memory_space<vmem>> -> memref<8x128xf32, #tpu.memory_space<vmem>>
    %dma_wait3A_188 = arith.constant 0 : i32
    %dma_wait3A_189 = arith.constant 0 : i32
    %dma_wait3A_190 = tpu.memref_slice %arg5[%dma_wait3A_183, %dma_wait3A_184, %add3A, %dma_wait3A_188, %dma_wait3A_189] : memref<200x4x32x8x128xf32, #tpu.memory_space<hbm>> -> memref<1x1x1x8x128xf32, #tpu.memory_space<hbm>>
    %dma_wait3A_191 = tpu.memref_squeeze %dma_wait3A_190 : memref<1x1x1x8x128xf32, #tpu.memory_space<hbm>> -> memref<8x128xf32, #tpu.memory_space<hbm>>
    %dma_wait3A_192 = arith.constant 0 : i32
    %dma_wait3A_193 = arith.constant 0 : i32
    %dma_wait3A_194 = tpu.memref_slice %arg5[%dma_wait3A_183, %dma_wait3A_184, %add3A, %dma_wait3A_192, %dma_wait3A_193] : memref<200x4x32x8x128xf32, #tpu.memory_space<hbm>> -> memref<1x1x1x8x128xf32, #tpu.memory_space<hbm>>
    %dma_wait3A_195 = tpu.memref_squeeze %dma_wait3A_194 : memref<1x1x1x8x128xf32, #tpu.memory_space<hbm>> -> memref<8x128xf32, #tpu.memory_space<hbm>>
    %dma_wait3A_196 = arith.constant 8 : i32
    %dma_wait3A_197 = arith.constant 0 : i32
    %dma_wait3A_198 = tpu.memref_slice %arg14[%dma_wait3A_196, %dma_wait3A_197] : memref<32x129xf32, #tpu.memory_space<vmem>> -> memref<8x128xf32, #tpu.memory_space<vmem>>
    tpu.wait_dma2 semaphore(%arg22 : memref<!tpu.dma_semaphore, #tpu.memory_space<semaphore_mem>>) src(%dma_wait3A_198 : memref<8x128xf32, #tpu.memory_space<vmem>>) dst(%dma_wait3A_195 : memref<8x128xf32, #tpu.memory_space<hbm>>)
    %dma_wait3A_199 = arith.constant 198 : i32
    %dma_wait3A_200 = arith.constant 2 : i32
    %dma_wait3A_201 = arith.constant 16 : i32
    %dma_wait3A_202 = arith.constant 0 : i32
    %dma_wait3A_203 = tpu.memref_slice %arg14[%dma_wait3A_201, %dma_wait3A_202] : memref<32x129xf32, #tpu.memory_space<vmem>> -> memref<8x128xf32, #tpu.memory_space<vmem>>
    %dma_wait3A_204 = arith.constant 0 : i32
    %dma_wait3A_205 = arith.constant 0 : i32
    %dma_wait3A_206 = tpu.memref_slice %arg5[%dma_wait3A_199, %dma_wait3A_200, %add3A, %dma_wait3A_204, %dma_wait3A_205] : memref<200x4x32x8x128xf32, #tpu.memory_space<hbm>> -> memref<1x1x1x8x128xf32, #tpu.memory_space<hbm>>
    %dma_wait3A_207 = tpu.memref_squeeze %dma_wait3A_206 : memref<1x1x1x8x128xf32, #tpu.memory_space<hbm>> -> memref<8x128xf32, #tpu.memory_space<hbm>>
    %dma_wait3A_208 = arith.constant 0 : i32
    %dma_wait3A_209 = arith.constant 0 : i32
    %dma_wait3A_210 = tpu.memref_slice %arg5[%dma_wait3A_199, %dma_wait3A_200, %add3A, %dma_wait3A_208, %dma_wait3A_209] : memref<200x4x32x8x128xf32, #tpu.memory_space<hbm>> -> memref<1x1x1x8x128xf32, #tpu.memory_space<hbm>>
    %dma_wait3A_211 = tpu.memref_squeeze %dma_wait3A_210 : memref<1x1x1x8x128xf32, #tpu.memory_space<hbm>> -> memref<8x128xf32, #tpu.memory_space<hbm>>
    %dma_wait3A_212 = arith.constant 16 : i32
    %dma_wait3A_213 = arith.constant 0 : i32
    %dma_wait3A_214 = tpu.memref_slice %arg14[%dma_wait3A_212, %dma_wait3A_213] : memref<32x129xf32, #tpu.memory_space<vmem>> -> memref<8x128xf32, #tpu.memory_space<vmem>>
    tpu.wait_dma2 semaphore(%arg22 : memref<!tpu.dma_semaphore, #tpu.memory_space<semaphore_mem>>) src(%dma_wait3A_214 : memref<8x128xf32, #tpu.memory_space<vmem>>) dst(%dma_wait3A_211 : memref<8x128xf32, #tpu.memory_space<hbm>>)
    %dma_wait3A_215 = arith.constant 198 : i32
    %dma_wait3A_216 = arith.constant 3 : i32
    %dma_wait3A_217 = arith.constant 24 : i32
    %dma_wait3A_218 = arith.constant 0 : i32
    %dma_wait3A_219 = tpu.memref_slice %arg14[%dma_wait3A_217, %dma_wait3A_218] : memref<32x129xf32, #tpu.memory_space<vmem>> -> memref<8x128xf32, #tpu.memory_space<vmem>>
    %dma_wait3A_220 = arith.constant 0 : i32
    %dma_wait3A_221 = arith.constant 0 : i32
    %dma_wait3A_222 = tpu.memref_slice %arg5[%dma_wait3A_215, %dma_wait3A_216, %add3A, %dma_wait3A_220, %dma_wait3A_221] : memref<200x4x32x8x128xf32, #tpu.memory_space<hbm>> -> memref<1x1x1x8x128xf32, #tpu.memory_space<hbm>>
    %dma_wait3A_223 = tpu.memref_squeeze %dma_wait3A_222 : memref<1x1x1x8x128xf32, #tpu.memory_space<hbm>> -> memref<8x128xf32, #tpu.memory_space<hbm>>
    %dma_wait3A_224 = arith.constant 0 : i32
    %dma_wait3A_225 = arith.constant 0 : i32
    %dma_wait3A_226 = tpu.memref_slice %arg5[%dma_wait3A_215, %dma_wait3A_216, %add3A, %dma_wait3A_224, %dma_wait3A_225] : memref<200x4x32x8x128xf32, #tpu.memory_space<hbm>> -> memref<1x1x1x8x128xf32, #tpu.memory_space<hbm>>
    %dma_wait3A_227 = tpu.memref_squeeze %dma_wait3A_226 : memref<1x1x1x8x128xf32, #tpu.memory_space<hbm>> -> memref<8x128xf32, #tpu.memory_space<hbm>>
    %dma_wait3A_228 = arith.constant 24 : i32
    %dma_wait3A_229 = arith.constant 0 : i32
    %dma_wait3A_230 = tpu.memref_slice %arg14[%dma_wait3A_228, %dma_wait3A_229] : memref<32x129xf32, #tpu.memory_space<vmem>> -> memref<8x128xf32, #tpu.memory_space<vmem>>
    tpu.wait_dma2 semaphore(%arg22 : memref<!tpu.dma_semaphore, #tpu.memory_space<semaphore_mem>>) src(%dma_wait3A_230 : memref<8x128xf32, #tpu.memory_space<vmem>>) dst(%dma_wait3A_227 : memref<8x128xf32, #tpu.memory_space<hbm>>)
    %dma_wait3A_231 = arith.constant 199 : i32
    %dma_wait3A_232 = arith.constant 0 : i32
    %dma_wait3A_233 = arith.constant 0 : i32
    %dma_wait3A_234 = arith.constant 0 : i32
    %dma_wait3A_235 = tpu.memref_slice %arg15[%dma_wait3A_233, %dma_wait3A_234] : memref<32x129xf32, #tpu.memory_space<vmem>> -> memref<8x128xf32, #tpu.memory_space<vmem>>
    %dma_wait3A_236 = arith.constant 0 : i32
    %dma_wait3A_237 = arith.constant 0 : i32
    %dma_wait3A_238 = tpu.memref_slice %arg5[%dma_wait3A_231, %dma_wait3A_232, %add3A, %dma_wait3A_236, %dma_wait3A_237] : memref<200x4x32x8x128xf32, #tpu.memory_space<hbm>> -> memref<1x1x1x8x128xf32, #tpu.memory_space<hbm>>
    %dma_wait3A_239 = tpu.memref_squeeze %dma_wait3A_238 : memref<1x1x1x8x128xf32, #tpu.memory_space<hbm>> -> memref<8x128xf32, #tpu.memory_space<hbm>>
    %dma_wait3A_240 = arith.constant 0 : i32
    %dma_wait3A_241 = arith.constant 0 : i32
    %dma_wait3A_242 = tpu.memref_slice %arg5[%dma_wait3A_231, %dma_wait3A_232, %add3A, %dma_wait3A_240, %dma_wait3A_241] : memref<200x4x32x8x128xf32, #tpu.memory_space<hbm>> -> memref<1x1x1x8x128xf32, #tpu.memory_space<hbm>>
    %dma_wait3A_243 = tpu.memref_squeeze %dma_wait3A_242 : memref<1x1x1x8x128xf32, #tpu.memory_space<hbm>> -> memref<8x128xf32, #tpu.memory_space<hbm>>
    %dma_wait3A_244 = arith.constant 0 : i32
    %dma_wait3A_245 = arith.constant 0 : i32
    %dma_wait3A_246 = tpu.memref_slice %arg15[%dma_wait3A_244, %dma_wait3A_245] : memref<32x129xf32, #tpu.memory_space<vmem>> -> memref<8x128xf32, #tpu.memory_space<vmem>>
    tpu.wait_dma2 semaphore(%arg23 : memref<!tpu.dma_semaphore, #tpu.memory_space<semaphore_mem>>) src(%dma_wait3A_246 : memref<8x128xf32, #tpu.memory_space<vmem>>) dst(%dma_wait3A_243 : memref<8x128xf32, #tpu.memory_space<hbm>>)
    %dma_wait3A_247 = arith.constant 199 : i32
    %dma_wait3A_248 = arith.constant 1 : i32
    %dma_wait3A_249 = arith.constant 8 : i32
    %dma_wait3A_250 = arith.constant 0 : i32
    %dma_wait3A_251 = tpu.memref_slice %arg15[%dma_wait3A_249, %dma_wait3A_250] : memref<32x129xf32, #tpu.memory_space<vmem>> -> memref<8x128xf32, #tpu.memory_space<vmem>>
    %dma_wait3A_252 = arith.constant 0 : i32
    %dma_wait3A_253 = arith.constant 0 : i32
    %dma_wait3A_254 = tpu.memref_slice %arg5[%dma_wait3A_247, %dma_wait3A_248, %add3A, %dma_wait3A_252, %dma_wait3A_253] : memref<200x4x32x8x128xf32, #tpu.memory_space<hbm>> -> memref<1x1x1x8x128xf32, #tpu.memory_space<hbm>>
    %dma_wait3A_255 = tpu.memref_squeeze %dma_wait3A_254 : memref<1x1x1x8x128xf32, #tpu.memory_space<hbm>> -> memref<8x128xf32, #tpu.memory_space<hbm>>
    %dma_wait3A_256 = arith.constant 0 : i32
    %dma_wait3A_257 = arith.constant 0 : i32
    %dma_wait3A_258 = tpu.memref_slice %arg5[%dma_wait3A_247, %dma_wait3A_248, %add3A, %dma_wait3A_256, %dma_wait3A_257] : memref<200x4x32x8x128xf32, #tpu.memory_space<hbm>> -> memref<1x1x1x8x128xf32, #tpu.memory_space<hbm>>
    %dma_wait3A_259 = tpu.memref_squeeze %dma_wait3A_258 : memref<1x1x1x8x128xf32, #tpu.memory_space<hbm>> -> memref<8x128xf32, #tpu.memory_space<hbm>>
    %dma_wait3A_260 = arith.constant 8 : i32
    %dma_wait3A_261 = arith.constant 0 : i32
    %dma_wait3A_262 = tpu.memref_slice %arg15[%dma_wait3A_260, %dma_wait3A_261] : memref<32x129xf32, #tpu.memory_space<vmem>> -> memref<8x128xf32, #tpu.memory_space<vmem>>
    tpu.wait_dma2 semaphore(%arg23 : memref<!tpu.dma_semaphore, #tpu.memory_space<semaphore_mem>>) src(%dma_wait3A_262 : memref<8x128xf32, #tpu.memory_space<vmem>>) dst(%dma_wait3A_259 : memref<8x128xf32, #tpu.memory_space<hbm>>)
    %dma_wait3A_263 = arith.constant 199 : i32
    %dma_wait3A_264 = arith.constant 2 : i32
    %dma_wait3A_265 = arith.constant 16 : i32
    %dma_wait3A_266 = arith.constant 0 : i32
    %dma_wait3A_267 = tpu.memref_slice %arg15[%dma_wait3A_265, %dma_wait3A_266] : memref<32x129xf32, #tpu.memory_space<vmem>> -> memref<8x128xf32, #tpu.memory_space<vmem>>
    %dma_wait3A_268 = arith.constant 0 : i32
    %dma_wait3A_269 = arith.constant 0 : i32
    %dma_wait3A_270 = tpu.memref_slice %arg5[%dma_wait3A_263, %dma_wait3A_264, %add3A, %dma_wait3A_268, %dma_wait3A_269] : memref<200x4x32x8x128xf32, #tpu.memory_space<hbm>> -> memref<1x1x1x8x128xf32, #tpu.memory_space<hbm>>
    %dma_wait3A_271 = tpu.memref_squeeze %dma_wait3A_270 : memref<1x1x1x8x128xf32, #tpu.memory_space<hbm>> -> memref<8x128xf32, #tpu.memory_space<hbm>>
    %dma_wait3A_272 = arith.constant 0 : i32
    %dma_wait3A_273 = arith.constant 0 : i32
    %dma_wait3A_274 = tpu.memref_slice %arg5[%dma_wait3A_263, %dma_wait3A_264, %add3A, %dma_wait3A_272, %dma_wait3A_273] : memref<200x4x32x8x128xf32, #tpu.memory_space<hbm>> -> memref<1x1x1x8x128xf32, #tpu.memory_space<hbm>>
    %dma_wait3A_275 = tpu.memref_squeeze %dma_wait3A_274 : memref<1x1x1x8x128xf32, #tpu.memory_space<hbm>> -> memref<8x128xf32, #tpu.memory_space<hbm>>
    %dma_wait3A_276 = arith.constant 16 : i32
    %dma_wait3A_277 = arith.constant 0 : i32
    %dma_wait3A_278 = tpu.memref_slice %arg15[%dma_wait3A_276, %dma_wait3A_277] : memref<32x129xf32, #tpu.memory_space<vmem>> -> memref<8x128xf32, #tpu.memory_space<vmem>>
    tpu.wait_dma2 semaphore(%arg23 : memref<!tpu.dma_semaphore, #tpu.memory_space<semaphore_mem>>) src(%dma_wait3A_278 : memref<8x128xf32, #tpu.memory_space<vmem>>) dst(%dma_wait3A_275 : memref<8x128xf32, #tpu.memory_space<hbm>>)
    %dma_wait3A_279 = arith.constant 199 : i32
    %dma_wait3A_280 = arith.constant 3 : i32
    %dma_wait3A_281 = arith.constant 24 : i32
    %dma_wait3A_282 = arith.constant 0 : i32
    %dma_wait3A_283 = tpu.memref_slice %arg15[%dma_wait3A_281, %dma_wait3A_282] : memref<32x129xf32, #tpu.memory_space<vmem>> -> memref<8x128xf32, #tpu.memory_space<vmem>>
    %dma_wait3A_284 = arith.constant 0 : i32
    %dma_wait3A_285 = arith.constant 0 : i32
    %dma_wait3A_286 = tpu.memref_slice %arg5[%dma_wait3A_279, %dma_wait3A_280, %add3A, %dma_wait3A_284, %dma_wait3A_285] : memref<200x4x32x8x128xf32, #tpu.memory_space<hbm>> -> memref<1x1x1x8x128xf32, #tpu.memory_space<hbm>>
    %dma_wait3A_287 = tpu.memref_squeeze %dma_wait3A_286 : memref<1x1x1x8x128xf32, #tpu.memory_space<hbm>> -> memref<8x128xf32, #tpu.memory_space<hbm>>
    %dma_wait3A_288 = arith.constant 0 : i32
    %dma_wait3A_289 = arith.constant 0 : i32
    %dma_wait3A_290 = tpu.memref_slice %arg5[%dma_wait3A_279, %dma_wait3A_280, %add3A, %dma_wait3A_288, %dma_wait3A_289] : memref<200x4x32x8x128xf32, #tpu.memory_space<hbm>> -> memref<1x1x1x8x128xf32, #tpu.memory_space<hbm>>
    %dma_wait3A_291 = tpu.memref_squeeze %dma_wait3A_290 : memref<1x1x1x8x128xf32, #tpu.memory_space<hbm>> -> memref<8x128xf32, #tpu.memory_space<hbm>>
    %dma_wait3A_292 = arith.constant 24 : i32
    %dma_wait3A_293 = arith.constant 0 : i32
    %dma_wait3A_294 = tpu.memref_slice %arg15[%dma_wait3A_292, %dma_wait3A_293] : memref<32x129xf32, #tpu.memory_space<vmem>> -> memref<8x128xf32, #tpu.memory_space<vmem>>
    tpu.wait_dma2 semaphore(%arg23 : memref<!tpu.dma_semaphore, #tpu.memory_space<semaphore_mem>>) src(%dma_wait3A_294 : memref<8x128xf32, #tpu.memory_space<vmem>>) dst(%dma_wait3A_291 : memref<8x128xf32, #tpu.memory_space<hbm>>)
    return
  }
}

</mosaic_0001>

<sc_bundles>
// kernel: kernel.3.cloned.1.call-start
scs
__scs_entry_jumppad:
0x0: {  	(pc) =	sbr.rel $0x88, $3  }
0x1: {  	(tag) =	ssettag $0x0;
	lr =	simm.s32 $0x1  }
0x2: {  	[smem:$0x3F9E] =	sst lr;
	_ =	strace $0xD0000000  }
0x3: {  	_ = 	snop  }
0x4: {  	_ = 	snop  }
0x5: {  	_ = 	snop  }
0x6: {  	_ = 	snop  }
0x7: {  	_ = 	snop  }
__scs_overlays_trampoline_lowered:
0x8: {  	[smem:$0x3FAD] =	sst s0  }
0x9: {  	[smem:$0x3FAE] =	sst s1  }
0xa: {  	[smem:$0x3FAF] =	sst s2  }
0xb: {  	[smem:$0x3FB0] =	sst s3  }
0xc: {  	[smem:$0x3FB1] =	sst s4  }
0xd: {  	[smem:$0x3FB2] =	sst s5  }
0xe: {  	[smem:$0x3FB3] =	sst s6  }
0xf: {  	[smem:$0x3FB4] =	sst s7  }
0x10: {  	[smem:$0x3FB5] =	sst s8  }
0x11: {  	[smem:$0x3FB6] =	sst s9;
	s0 =	simm.s32 @!p0 $0x0  }
0x12: {  	s1 =	sld [smem:$0x3F9C];
	s0 =	simm.s32 @p0 $0x1  }
0x13: {  	[smem:$0x3FB7] =	sst s0;
	s0 =	simm.s32 @!p1 $0x0  }
0x14: {  	s2 =	sld [smem:$0x3F9B];
	s0 =	simm.s32 @p1 $0x1  }
0x15: {  	[smem:$0x3FB8] =	sst s0;
	s0 =	simm.s32 @!p2 $0x0  }
0x16: {  	s3 =	sld [smem:$0x3FDB];
	s0 =	simm.s32 @p2 $0x1  }
0x17: {  	s4 =	simm.s32 $0x1BF5;
	[smem:$0x3FBA] =	sst s0  }
0x18: {  	s0 =	sld [smem:$0x3F9D];
	_ =	swait.ge [sflag:s4], $0x0  }
0x19: {  	s7 =	sld [smem:$0x3F9E]  }
0x1a: {  	s8 =	sadd.s32 $0xFFFFE003, lr  }
0x1b: {  	s9 =	sadd.s32 $0xFFFFFEF7, lr;
	s5 =	simm.s32 $0xFFFFFFFF;
	p2 =	slt.u32 s8, $0xFFFFF086  }
0x1c: {  	p1 =	slt.u32 s9, $0xF7A;
	s5 =	simm.s32 @!p2 $0x0  }
0x1d: {  	s5 =	simm.s32 @p1 $0x1;
	p0 =	seq.s32 s7, s2  }
0x1e: {  	s7 =	smul.u32 @!p0 $0xF7A, s2;
	p2 =	seq.s32 @!p0 s5, $0x0  }
0x1f: {  	s9 =	smul.u32 $0xF7A, s1;
	s8 =	simm.s32 @!p0 $0x1BF5;
	p2 =	por !p2, p0  }
0x20: {  	[sflag:s8] =	ssyncset.s32 @!p0 $0xFFFFF086;
	s6 =	sadd.s32 @!p0 s3, s7;
	s7 =	simm.s32 @!p0 $0x108  }
0x21: {  	s3 =	sadd.s32 s3, s9;
	s6 =	sadd.s32 @!p0 $0x88, s6;
	s7 =	simm.s32 @p2 $0x1082  }
0x22: {  	[simem:s7], [sflag:s8] =	dma.local @!p0 [hbm:s6], $0xF7A  }
0x23: {  	s9 =	sor.u32 $0xD0000000, s2;
	s6 =	simm.s32 $0x108;
	_ =	swait.ge @!p0 [sflag:s8], $0x0  }
0x24: {  	s3 =	sadd.s32 $0x88, s3;
	s6 =	simm.s32 @!p1 $0x1082;
	[sflag:s4] =	ssyncset.s32 $0xFFFFF086  }
0x25: {  	[simem:s6], [sflag:s4] =	dma.local [hbm:s3], $0xF7A  }
0x26: {  	[smem:$0x3F9E] =	sst s1;
	(tag) =	ssettag s2;
	_ =	strace s9  }
0x27: {  	s1 =	sld [smem:$0x3FAE]  }
0x28: {  	s2 =	sld [smem:$0x3FAF]  }
0x29: {  	s4 =	sld [smem:$0x3FB1]  }
0x2a: {  	p0 =	seq.s32 s5, $0x0;
	s5 =	sld [smem:$0x3FB2]  }
0x2b: {  	s6 =	sld [smem:$0x3FB3]  }
0x2c: {  	s7 =	sld [smem:$0x3FB4]  }
0x2d: {  	s3 =	simm.s32 $0x108;
	s8 =	sld [smem:$0x3FB5]  }
0x2e: {  	s3 =	simm.s32 @!p0 $0x1082;
	s9 =	sld [smem:$0x3FB6]  }
0x2f: {  	lr =	sadd.s32 s0, s3;
	s0 =	sld [smem:$0x3FAD]  }
0x30: {  	s3 =	sld [smem:$0x3FB0]  }
0x31: {  	[smem:$0x3FB9] =	sst s10  }
0x32: {  	s10 =	sld [smem:$0x3FB7];
	_ =	sdelay $0x3  }
0x33: {  	p0 =	seq.s32 s10, $0x1;
	s10 =	sld [smem:$0x3FB9];
	_ =	sdelay $0x3  }
0x34: {  	[smem:$0x3FB9] =	sst s10  }
0x35: {  	s10 =	sld [smem:$0x3FB8];
	_ =	sdelay $0x3  }
0x36: {  	p1 =	seq.s32 s10, $0x1;
	s10 =	sld [smem:$0x3FB9];
	_ =	sdelay $0x3  }
0x37: {  	[smem:$0x3FB9] =	sst s10  }
0x38: {  	s10 =	sld [smem:$0x3FBA]  }
0x39: {  	_ = 	snop;
	(pc) =	sbr.ind lr, $3  }
0x3a: {  	_ = 	snop  }
0x3b: {  	_ = 	snop  }
0x3c: {  	p2 =	seq.s32 s10, $0x1;
	s10 =	sld [smem:$0x3FB9]  }
0x3d: {  	_ =	shalt  }
0x3e: {  	_ =	shalt  }
0x3f: {  	_ =	shalt  }
0x40: {  	_ =	shalt  }
0x41: {  	_ =	shalt  }
0x42: {  	_ =	shalt  }
0x43: {  	_ =	shalt  }
0x44: {  	_ =	shalt  }
0x45: {  	_ =	shalt  }
0x46: {  	_ =	shalt  }
0x47: {  	_ =	shalt  }
0x48: {  	_ =	shalt  }
0x49: {  	_ =	shalt  }
0x4a: {  	_ =	shalt  }
0x4b: {  	_ =	shalt  }
0x4c: {  	_ =	shalt  }
0x4d: {  	_ =	shalt  }
0x4e: {  	_ =	shalt  }
0x4f: {  	_ =	shalt  }
0x50: {  	_ =	shalt  }
0x51: {  	_ =	shalt  }
0x52: {  	_ =	shalt  }
0x53: {  	_ =	shalt  }
0x54: {  	_ =	shalt  }
0x55: {  	_ =	shalt  }
0x56: {  	_ =	shalt  }
0x57: {  	_ =	shalt  }
0x58: {  	_ =	shalt  }
0x59: {  	_ =	shalt  }
0x5a: {  	_ =	shalt  }
0x5b: {  	_ =	shalt  }
0x5c: {  	_ =	shalt  }
0x5d: {  	_ =	shalt  }
0x5e: {  	_ =	shalt  }
0x5f: {  	_ =	shalt  }
0x60: {  	_ =	shalt  }
0x61: {  	_ =	shalt  }
0x62: {  	_ =	shalt  }
0x63: {  	_ =	shalt  }
0x64: {  	_ =	shalt  }
0x65: {  	_ =	shalt  }
0x66: {  	_ =	shalt  }
0x67: {  	_ =	shalt  }
0x68: {  	_ =	shalt  }
0x69: {  	_ =	shalt  }
0x6a: {  	_ =	shalt  }
0x6b: {  	_ =	shalt  }
0x6c: {  	_ =	shalt  }
0x6d: {  	_ =	shalt  }
0x6e: {  	_ =	shalt  }
0x6f: {  	_ =	shalt  }
0x70: {  	_ =	shalt  }
0x71: {  	_ =	shalt  }
0x72: {  	_ =	shalt  }
0x73: {  	_ =	shalt  }
0x74: {  	_ =	shalt  }
0x75: {  	_ =	shalt  }
0x76: {  	_ =	shalt  }
0x77: {  	_ =	shalt  }
0x78: {  	_ =	shalt  }
0x79: {  	_ =	shalt  }
0x7a: {  	_ =	shalt  }
0x7b: {  	_ =	shalt  }
0x7c: {  	_ =	shalt  }
0x7d: {  	_ =	shalt  }
0x7e: {  	_ =	shalt  }
0x7f: {  	_ =	shalt  }
0x80: {  	_ =	shalt  }
0x81: {  	_ =	shalt  }
0x82: {  	_ =	shalt  }
0x83: {  	_ =	shalt  }
0x84: {  	_ =	shalt  }
0x85: {  	_ =	shalt  }
0x86: {  	_ =	shalt  }
0x87: {  	_ =	shalt  }
.Lfunc_end0:
.L_simem_size_0:
called_computation_lowered:
.L_overlay_start_0:
0x88: {  	s2 =	sld [smem:$0x3FD9]  }
0x89: {  	s3 =	sld [smem:$0x3FFE];
	_ =	sdelay $0x1  }
0x8a: {  	s1 =	srdreg.scid  }
0x8b: {  	s0 =	sand.u32 $0x1, s1  }
0x8c: {  	s17 =	sshll.u32 s0, $0xA;
	s2 =	sadd.s32 s3, s2  }
0x8d: {  	s2 =	sadd.s32 s2, s17  }
0x8e: {  	[smem:$0x3FC5] =	sst s2  }
0x8f: {  	_ = 	snop  }
0x90: {  	s2 =	sld [smem:$0x3FC9]  }
0x91: {  	s18 =	sld [smem:$0x3FD0];
	(tm) =	ssettm $0x1  }
0x92: {  	s4 =	sld [smem:$0x3FFB];
	_ =	sdelay $0x3  }
0x93: {  	_ =	strace s4  }
0x94: {  	s4 =	sld [smem:$0x3FFC];
	_ =	sdelay $0x3  }
0x95: {  	_ =	strace s4  }
0x96: {  	s4 =	sld [smem:$0x3FFD];
	_ =	sdelay $0x3  }
0x97: {  	_ =	strace s4  }
0x98: {  	_ =	strace $0x8FFFFFFF  }
0x99: {  	s19 =	sld [smem:$0x3FDB];
	_ =	sdelay $0x1  }
0x9a: {  	s5 =	simm.s32 $_scs_section_size  }
0x9b: {  	s6 =	simm.s32 $_size__tile_overlayer_lowered;
	s7 =	simm.s32 $_tile_overlayer_lowered  }
0x9c: {  	s22 =	simm.s32 $0x1BFF;
	s21 =	sshll.u32 s7, $0x1;
	s4 =	sadd.s32 s5, s19  }
0x9d: {  	s8 =	simm.s32 $0x0;
	s20 =	sshll.u32 s6, $0x1;
	s6 =	sadd.s32 s21, s4  }
0x9e: {  	[timem:s8], [sflag:s22] =	dma.local [hbm:s6], s20  }
0x9f: {  	_ =	swait.ge [sflag:s22], s20  }
0xa0: {  	s5 =	ssub.s32 $0x0, s20;
	[sflag:s22] =	ssyncset.done $0x0  }
0xa1: {  	[sflag:s22] =	ssyncadd.s32 s5;
	_ =	sdelay $0x1  }
0xa2: {  	s23 =	simm.s32 $0x1B8B  }
0xa3: {  	_ =	swait.ge [sflag:s23], $0x1  }
0xa4: {  	[sflag:s23] =	ssyncset.done $0x0  }
0xa5: {  	s25 =	simm.s32 $0x1B8E;
	s24 =	sld [smem:$0x3FFE];
	[sflag:s23] =	ssyncadd.s32 $0xFFFFFFFF  }
0xa6: {  	s26 =	simm.s32 $execute0_lowered;
	[smem:$0x3FD2] =	sst s25  }
0xa7: {  	s6 =	sshll.u32 s26, $0x1;
	_ =	strace $0x80000046;
	[dreg:$0x1] =	wrdreg $0xFFFFFFFF  }
0xa8: {  	s28 =	simm.s32 $_size_execute0_lowered;
	s4 =	sadd.s32 s4, s6;
	[dreg:$0x0] =	wrdreg $0x0  }
0xa9: {  	s6 =	sshll.u32 s28, $0x1;
	[dreg:$0x2] =	wrdreg s4  }
0xaa: {  	[dreg:$0x3] =	wrdreg s6  }
0xab: {  	[dreg:$0x4] =	wrdreg $0xC0  }
0xac: {  	_ =	task [dreg:s8], $0x5FFFF  }
0xad: {  	[dreg:$0x1] =	wrdreg $0xFFFFFFFF  }
0xae: {  	[dreg:$0x0] =	wrdreg $0x60  }
0xaf: {  	[dreg:$0x2] =	wrdreg s2  }
0xb0: {  	[dreg:$0x3] =	wrdreg s24  }
0xb1: {  	[dreg:$0x4] =	wrdreg s18  }
0xb2: {  	[dreg:$0x5] =	wrdreg $0x9  }
0xb3: {  	_ =	task.clear_ibuf [dreg:s8], $0x6FFFF;
	_ =	strace $0x90000046  }
0xb4: {  	s29 =	simm.s32 $0x9;
	_ =	strace $0x80000048  }
0xb5: {  	_ =	swait.ge [sflag:s29], $0x1  }
0xb6: {  	[sflag:s29] =	ssyncadd.s32 $0xFFFFFFFF  }
0xb7: {  	_ =	strace $0x90000048  }
0xb8: {  	_ =	sfence  }
0xb9: {  	s30 =	sld [smem:$0x0];
	_ =	sdelay $0x2  }
0xba: {  	s31 =	sshll.u32 s1, $0xD;
	s1 =	sshrl.u32 s1, $0x2  }
0xbb: {  	s3 =	sand.u32 $0x4000, s31;
	s1 =	sadd.s32 s1, s30  }
0xbc: {  	s0 =	sor.u32 s3, s0;
	s1 =	sshll.u32 s1, $0x11  }
0xbd: {  	s0 =	sor.u32 s1, s0  }
0xbe: {  	s0 =	sadd.s32 $0x8F2B, s0  }
0xbf: {  	[sflag:s0] =	ssyncadd.remote.s32 $0x1  }
0xc0: {  	_ =	sfence.sel $0xFFFF  }
0xc1: {  	[dreg:$0x0] =	wrdreg $0xFFFFFFFF;
	(pc) =	sbr.abs _section_cstart, $3  }
0xc2: {  	[dreg:$0x1] =	wrdreg $0xFFFFFFFF  }
0xc3: {  	_ =	task.clear_ibuf [dreg:s8], $0x2FFFF;
	_ =	strace $0x9FFFFFFF  }
0xc4: {  	(tm) =	ssettm $0x7FFFFFFF  }
0xc5: {  	_ =	shalt  }
tec
execute0_lowered:
.L_overlay_start_1:
0x0: {  	(tag) =	ssettag $0x1  }
0x1: {  	s0 =	rddreg [dreg:$0x0]  }
0x2: {  	s2 =	rddreg [dreg:$0x1]  }
0x3: {  	s1 =	rddreg [dreg:$0x2];
	s3 =	simm.s32 $0x0;
	s4 =	srdreg.scid  }
0x4: {  	s5 =	stileid.u32;
	s16 =	simm.s32 $0x80;
	s23 =	simm.s32 $0x1  }
0x5: {  	s24 =	simm.s32 $0xBD00;
	s15 =	simm.s32 $0x2;
	s17 =	simm.s32 $0xCE00  }
0x6: {  	s29 =	simm.s32 $0x3;
	s30 =	simm.s32 $0xDF00;
	s21 =	simm.s32 $0xFD48  }
0x7: {  	s11 =	simm.s32 $0xFEE0;
	s14 =	simm.s32 $0xFF68;
	s22 =	simm.s32 $0xFFF0  }
0x8: {  	s28 =	simm.s32 $0x10078;
	s12 =	simm.s32 $0x0;
	[smem:$0x7FF] =	sst s3  }
0x9: {  	v0 =	vlaneseq.u32;
	s4 =	sand.u32 $0x1, s4;
	s5 =	sshll.u32 s5, $0xB;
	s9 =	sadd.s32 $0x2000, s1  }
0xa: {  	v1 =	vimm.s32 $0x0;
	vm0 =	vcmask $0x300;
	s10 =	sadd.s32 $0x3000, s1;
	v0 =	vmul.u32 $0x88, v0;
	_ =	strace $0x80000047;
	s6 =	ssub.s32 $0x2, s4  }
0xb: {  	v1 =	vsel vm0, $0x3, v1;
	s7 =	sshll.u32 s4, $0xA;
	s4 =	sadd.s32 $0xF42A00, s2;
	s2 =	sadd.s32 $0x600, s2  }
.Ltmp0:
0xc: {  	s8 =	sshrl.u32 s6, $0x1;
	s5 =	sor.u32 s7, s5;
	v2 =	vadd.s32 $0x880, v0;
	v3 =	vor.u32 $0x1, v0;
	v4 =	vadd.s32 $0x881, v0;
	(pc) =	sbr.rel .LBB2_1-.Ltmp0, $4  }
0xd: {  	[dreg:$0x4] =	wrdreg s2;
	v5 =	vor.u32 $0x2, v0;
	v6 =	vadd.s32 $0x882, v0;
	v7 =	vor.u32 $0x3, v0;
	s7 =	simm.s32 $0xFE58;
	s26 =	sshrl.u32 s5, $0x3  }
0xe: {  	v8 =	vadd.s32 $0x883, v0;
	v9 =	vor.u32 $0x4, v0;
	v10 =	vadd.s32 $0x884, v0;
	s25 =	ssub.s32 s6, s8;
	s8 =	sadd.s32 $0x1000, s1;
	s0 =	sadd.s32 s0, s26  }
0xf: {  	v11 =	vor.u32 $0x5, v0;
	v12 =	vadd.s32 $0x885, v0;
	v13 =	vor.u32 $0x6, v0;
	s6 =	simm.s32 $0xFDD0;
	s31 =	smax.u32 s25, $0x1;
	[dreg:$0x5] =	wrdreg s0  }
0x10: {  	v14 =	vadd.s32 $0x886, v0;
	v15 =	vor.u32 $0x7, v0;
	v16 =	vadd.s32 $0x887, v0;
	s25 =	simm.s32 $0x4;
	s26 =	simm.s32 $0xF000;
	[dreg:$0x6] =	wrdreg s31  }
.LBB2_12:
0x11: {  	s0 =	simm.s32 $0x5  }
0x12: {  	_ =	swait.ge [sflag:s0], $0x400  }
0x13: {  	[sflag:s0] =	ssyncset.done $0x0  }
0x14: {  	[sflag:s0] =	ssyncadd.s32 $0xFFFFFC00  }
0x15: {  	_ =	swait.ge [sflag:s0], $0x400  }
0x16: {  	[sflag:s0] =	ssyncset.done $0x0  }
0x17: {  	[sflag:s0] =	ssyncadd.s32 $0xFFFFFC00  }
0x18: {  	_ =	swait.ge [sflag:s0], $0x400  }
0x19: {  	[sflag:s0] =	ssyncset.done $0x0  }
0x1a: {  	[sflag:s0] =	ssyncadd.s32 $0xFFFFFC00  }
0x1b: {  	_ =	swait.ge [sflag:s0], $0x400  }
0x1c: {  	[sflag:s0] =	ssyncset.done $0x0  }
0x1d: {  	s19 =	simm.s32 $0x6;
	[sflag:s0] =	ssyncadd.s32 $0xFFFFFC00  }
0x1e: {  	_ =	swait.ge [sflag:s19], $0x400  }
0x1f: {  	[sflag:s19] =	ssyncset.done $0x0  }
0x20: {  	[sflag:s19] =	ssyncadd.s32 $0xFFFFFC00  }
0x21: {  	_ =	swait.ge [sflag:s19], $0x400  }
0x22: {  	[sflag:s19] =	ssyncset.done $0x0  }
0x23: {  	[sflag:s19] =	ssyncadd.s32 $0xFFFFFC00  }
0x24: {  	_ =	swait.ge [sflag:s19], $0x400  }
0x25: {  	[sflag:s19] =	ssyncset.done $0x0  }
0x26: {  	[sflag:s19] =	ssyncadd.s32 $0xFFFFFC00  }
0x27: {  	_ =	swait.ge [sflag:s19], $0x400  }
0x28: {  	[sflag:s19] =	ssyncset.done $0x0  }
0x29: {  	s20 =	simm.s32 $0x7;
	[sflag:s19] =	ssyncadd.s32 $0xFFFFFC00  }
0x2a: {  	_ =	swait.ge [sflag:s20], $0x400  }
0x2b: {  	[sflag:s20] =	ssyncset.done $0x0  }
0x2c: {  	[sflag:s20] =	ssyncadd.s32 $0xFFFFFC00  }
0x2d: {  	_ =	swait.ge [sflag:s20], $0x400  }
0x2e: {  	[sflag:s20] =	ssyncset.done $0x0  }
0x2f: {  	[sflag:s20] =	ssyncadd.s32 $0xFFFFFC00  }
0x30: {  	_ =	swait.ge [sflag:s20], $0x400  }
0x31: {  	[sflag:s20] =	ssyncset.done $0x0  }
0x32: {  	[sflag:s20] =	ssyncadd.s32 $0xFFFFFC00  }
0x33: {  	_ =	swait.ge [sflag:s20], $0x400  }
0x34: {  	[sflag:s20] =	ssyncset.done $0x0  }
0x35: {  	s2 =	simm.s32 $0x8;
	[sflag:s20] =	ssyncadd.s32 $0xFFFFFC00  }
0x36: {  	_ =	swait.ge [sflag:s2], $0x400  }
0x37: {  	[sflag:s2] =	ssyncset.done $0x0  }
0x38: {  	[sflag:s2] =	ssyncadd.s32 $0xFFFFFC00  }
0x39: {  	_ =	swait.ge [sflag:s2], $0x400  }
0x3a: {  	[sflag:s2] =	ssyncset.done $0x0  }
0x3b: {  	[sflag:s2] =	ssyncadd.s32 $0xFFFFFC00  }
0x3c: {  	_ =	swait.ge [sflag:s2], $0x400  }
0x3d: {  	[sflag:s2] =	ssyncset.done $0x0  }
0x3e: {  	[sflag:s2] =	ssyncadd.s32 $0xFFFFFC00  }
0x3f: {  	_ =	swait.ge [sflag:s2], $0x400  }
0x40: {  	s12 =	rddreg [dreg:$0x7]  }
0x41: {  	s31 =	rddreg [dreg:$0x6];
	s12 =	sadd.s32 $0x1, s12  }
0x42: {  	p0 =	sne.s32 s12, s31  }
.Ltmp1:
0x43: {  	_ = 	snop;
	(pc) =	sbr.rel @!p0 .LBB2_13-.Ltmp1, $3  }
0x44: {  	_ =	sdelay $0x1  }
0x45: {  	[sflag:s2] =	ssyncset.done $0x0  }
0x46: {  	[sflag:s2] =	ssyncadd.s32 $0xFFFFFC00  }
.LBB2_1:
0x47: {  	[dreg:$0x7] =	wrdreg s12  }
0x48: {  	s0 =	rddreg [dreg:$0x5]  }
0x49: {  	s2 =	simm.s32 $0x400;
	s13 =	simm.s32 $0x8000;
	s18 =	simm.s32 $0x9  }
0x4a: {  	[tilespmem:s3], [sflag:$0x9] =	stream.strided.gather [hbm4b:s0+s2], $0x6400, s13, s2, $0x38;
	[tilespmem:$0x10100] =	vst v63  }
0x4b: {  	_ =	swait.ge [sflag:s18], $0x6400  }
0x4c: {  	[sflag:s18] =	ssyncset.done $0x0  }
0x4d: {  	s20 =	simm.s32 $0x6400;
	s19 =	rddreg [dreg:$0x4];
	[sflag:s18] =	ssyncadd.s32 $0xFFFF9C00  }
0x4e: {  	[tilespmem:s20], [sflag:$0x9] =	stream.linear.gather [hbm4b:s19+s3], $0x1900, $0x38;
	[tilespmem:$0x10100] =	vst v63  }
0x4f: {  	_ =	swait.ge [sflag:s18], $0x1900  }
0x50: {  	[sflag:s18] =	ssyncset.done $0x0  }
0x51: {  	s2 =	simm.s32 $0x7D00;
	[sflag:s18] =	ssyncadd.s32 $0xFFFFE700  }
0x52: {  	[tilespmem:s2], [sflag:$0x1] =	stream.indirect.gather [hbm4b:s4+s16], $0x20, s3, s16, $0xb8;
	[tilespmem:$0x10100] =	vst v63  }
0x53: {  	s12 =	simm.s32 $0x8D00  }
0x54: {  	[tilespmem:s12], [sflag:$0x2] =	stream.indirect.gather [hbm4b:s4+s16], $0x20, s16, s16, $0xb8;
	[tilespmem:$0x10100] =	vst v63  }
0x55: {  	s13 =	simm.s32 $0x100;
	s18 =	simm.s32 $0x9D00  }
0x56: {  	[tilespmem:s18], [sflag:$0x3] =	stream.indirect.gather [hbm4b:s4+s16], $0x20, s13, s16, $0xb8;
	[tilespmem:$0x10100] =	vst v63  }
0x57: {  	s31 =	simm.s32 $0x0;
	s19 =	simm.s32 $0x180;
	s20 =	simm.s32 $0xAD00  }
0x58: {  	[tilespmem:s20], [sflag:$0x4] =	stream.indirect.gather [hbm4b:s4+s16], $0x20, s19, s16, $0xb8;
	[tilespmem:$0x10100] =	vst v63  }
.LBB2_2:
0x59: {  	_ =	swait.ge [sflag:s23], $0x1000  }
0x5a: {  	p0 =	seq.s32 s31, $0x0;
	[sflag:s23] =	ssyncset.done $0x0  }
0x5b: {  	s0 =	simm.s32 @!p0 $0x5;
	[sflag:s23] =	ssyncadd.s32 $0xFFFFF000  }
0x5c: {  	_ =	swait.ge @!p0 [sflag:s0], $0x400  }
0x5d: {  	[sflag:s0] =	ssyncset.done @!p0 $0x0  }
0x5e: {  	[sflag:s0] =	ssyncadd.s32 @!p0 $0xFFFFFC00  }
0x5f: {  	_ =	swait.ge @!p0 [sflag:s0], $0x400  }
0x60: {  	[sflag:s0] =	ssyncset.done @!p0 $0x0  }
0x61: {  	[sflag:s0] =	ssyncadd.s32 @!p0 $0xFFFFFC00  }
0x62: {  	_ =	swait.ge @!p0 [sflag:s0], $0x400  }
0x63: {  	s2 =	simm.s32 $0x0;
	s12 =	sshll.u32 s31, $0x7;
	[sflag:s0] =	ssyncset.done @!p0 $0x0  }
0x64: {  	s20 =	simm.s32 $0x1;
	s13 =	simm.s32 $0x2;
	[sflag:s0] =	ssyncadd.s32 @!p0 $0xFFFFFC00  }
0x65: {  	s18 =	simm.s32 $0x3;
	s19 =	simm.s32 $0x5;
	v17 =	vmov s2;
	_ =	swait.ge @!p0 [sflag:s0], $0x400  }
0x66: {  	v19 =	vmov s20;
	v20 =	vmov s13;
	v21 =	vmov s18;
	s18 =	simm.s32 $0x4;
	s20 =	simm.s32 $0x7;
	[sflag:s0] =	ssyncset.done @!p0 $0x0  }
0x67: {  	s12 =	sand.u32 $0x3FFFFF80, s12;
	v23 =	vmov s19;
	s13 =	simm.s32 $0x6;
	v18 =	vshrl.u32 v17, $0x3;
	v22 =	vmov s18;
	[sflag:s0] =	ssyncadd.s32 @!p0 $0xFFFFFC00  }
0x68: {  	v24 =	vmov s20;
	v25 =	vmov s13;
	v19 =	vshrl.u32 v19, $0x3;
	v17 =	vld [tilespmem:s12+$0x6400]  }
0x69: {  	s2 =	simm.s32 $0x7D80;
	v20 =	vshrl.u32 v20, $0x3;
	v26 =	vshll.u32 v18, v1;
	v24 =	vshrl.u32 v24, $0x3;
	v18 =	vld [tilespmem:s12+$0x6410]  }
0x6a: {  	v21 =	vshrl.u32 v21, $0x3;
	v23 =	vshrl.u32 v23, $0x3;
	v24 =	vshll.u32 v24, v1;
	v27 =	vld [tilespmem:s2+$0x60]  }
0x6b: {  	v22 =	vshrl.u32 v22, $0x3;
	v25 =	vshrl.u32 v25, $0x3;
	v24 =	vbroadcast v24, $0x0;
	v28 =	vld [tilespmem:s2+$0x70]  }
0x6c: {  	v19 =	vshll.u32 v19, v1;
	v20 =	vshll.u32 v20, v1;
	v26 =	vbroadcast v26, $0x0;
	v29 =	vld [tilespmem:s2+$0xFFFFFF80]  }
0x6d: {  	v21 =	vshll.u32 v21, v1;
	v23 =	vshll.u32 v23, v1;
	v30 =	vadd.s32 v15, v24;
	v31 =	vld [tilespmem:s2+$0xFFFFFF90]  }
0x6e: {  	v22 =	vshll.u32 v22, v1;
	v19 =	vbroadcast v19, $0x0;
	v32 =	vadd.s32 v0, v26;
	v33 =	vld [tilespmem:s2+$0xFFFFFFA0]  }
0x6f: {  	v25 =	vshll.u32 v25, v1;
	v20 =	vbroadcast v20, $0x0;
	v24 =	vadd.s32 v16, v24;
	v34 =	vld [tilespmem:s2+$0xFFFFFFB0]  }
0x70: {  	v23 =	vbroadcast v23, $0x0;
	v26 =	vadd.s32 v2, v26;
	v36 =	vld [tilespmem:s2+$0xFFFFFFC0];
	v27 =	vadd.f32 v27, v17  }
0x71: {  	v35 =	vadd.s32 v3, v19;
	v19 =	vadd.s32 v4, v19;
	v37 =	vld [tilespmem:s2+$0xFFFFFFD0];
	v29 =	vadd.f32 v29, v17  }
0x72: {  	v61 =	vadd.s32 v11, v23;
	v60 =	vld [tilespmem:s2+$0x20];
	v28 =	vadd.f32 v28, v18;
	[tilespmem:v30+s24+$0x0] =	vst.idx.msk $0xffff, v27  }
0x73: {  	v21 =	vbroadcast v21, $0x0;
	v27 =	vadd.f32 v31, v18;
	v30 =	vadd.s32 v5, v20;
	v31 =	vld [tilespmem:s2+$0xFFFFFFE0];
	[tilespmem:v32+s24+$0x0] =	vst.idx.msk $0xffff, v29  }
0x74: {  	v20 =	vadd.s32 v6, v20;
	[tilespmem:v24+s24+$0x0] =	vst.idx.msk $0xffff, v28;
	v24 =	vadd.f32 v33, v17;
	v28 =	vld [tilespmem:s2+$0xFFFFFFF0]  }
0x75: {  	v29 =	vld [tilespmem:s2+$0x0];
	[tilespmem:v26+s24+$0x0] =	vst.idx.msk $0xffff, v27;
	v26 =	vadd.f32 v34, v18;
	v27 =	vadd.s32 v7, v21  }
0x76: {  	v22 =	vbroadcast v22, $0x0;
	v58 =	vld [tilespmem:s2+$0x10];
	v21 =	vadd.s32 v8, v21;
	[tilespmem:v35+s24+$0x0] =	vst.idx.msk $0xffff, v24;
	v24 =	vadd.f32 v36, v17  }
0x77: {  	s18 =	simm.s32 $0x8;
	v23 =	vadd.s32 v12, v23;
	[tilespmem:v19+s24+$0x0] =	vst.idx.msk $0xffff, v26;
	v26 =	vadd.f32 v37, v18  }
0x78: {  	v57 =	vmov s18;
	v59 =	vadd.s32 v9, v22;
	[tilespmem:v30+s24+$0x0] =	vst.idx.msk $0xffff, v24;
	v24 =	vadd.f32 v31, v17;
	v31 =	vld [tilespmem:s2+$0x30]  }
0x79: {  	v62 =	vld [tilespmem:s2+$0x40];
	v30 =	vadd.s32 v10, v22;
	[tilespmem:v20+s24+$0x0] =	vst.idx.msk $0xffff, v26;
	v20 =	vadd.f32 v28, v18;
	v26 =	vbroadcast v25, $0x0  }
0x7a: {  	s19 =	simm.s32 $0x9;
	v63 =	vadd.f32 v60, v17;
	v19 =	vshrl.u32 v57, $0x3;
	[tilespmem:v27+s24+$0x0] =	vst.idx.msk $0xffff, v24;
	v27 =	vadd.f32 v29, v17;
	v29 =	vld [tilespmem:s2+$0x50]  }
0x7b: {  	s20 =	simm.s32 $0xA;
	s12 =	simm.s32 $0xB;
	v22 =	vmov s19;
	v28 =	vadd.f32 v58, v18;
	[tilespmem:v21+s24+$0x0] =	vst.idx.msk $0xffff, v20;
	v21 =	vadd.s32 v13, v26  }
0x7c: {  	s18 =	simm.s32 $0xD;
	[tilespmem:v61+s24+$0x0] =	vst.idx.msk $0xffff, v63;
	v25 =	vmov s12;
	v24 =	vmov s20;
	s20 =	simm.s32 $0xF;
	v20 =	vadd.s32 v14, v26  }
0x7d: {  	s13 =	simm.s32 $0xC;
	s19 =	simm.s32 $0xE;
	v26 =	vmov s18;
	v32 =	vmov s20;
	[tilespmem:v59+s24+$0x0] =	vst.idx.msk $0xffff, v27;
	v31 =	vadd.f32 v31, v18  }
0x7e: {  	s0 =	sshll.u32 s31, $0x2;
	s12 =	simm.s32 $0x10;
	v27 =	vmov s13;
	[tilespmem:v30+s24+$0x0] =	vst.idx.msk $0xffff, v28;
	v28 =	vmov s19;
	v30 =	vadd.f32 v62, v17  }
.LBB2_3:
0x7f: {  	p1 =	slt.u32 s12, $0x78;
	v19 =	vshll.u32 v19, v1;
	v32 =	vshrl.u32 v32, $0x3;
	[tilespmem:v23+s24+$0x0] =	vst.idx.msk $0xffff, v31;
	v23 =	vadd.f32 v29, v18  }
0x80: {  	v22 =	vshrl.u32 v22, $0x3;
	v24 =	vshrl.u32 v24, $0x3;
	s2 =	sadd.s32 $0x100, s2;
	v29 =	vshll.u32 v32, v1;
	[tilespmem:v21+s24+$0x0] =	vst.idx.msk $0xffff, v30  }
0x81: {  	v21 =	vshrl.u32 v25, $0x3;
	v25 =	vshrl.u32 v27, $0x3;
	v27 =	vld [tilespmem:s2+$0x60];
	v29 =	vbroadcast v29, $0x0;
	[tilespmem:v20+s24+$0x0] =	vst.idx.msk $0xffff, v23  }
0x82: {  	v19 =	vbroadcast v19, $0x0;
	v20 =	vshrl.u32 v26, $0x3;
	v23 =	vshrl.u32 v28, $0x3;
	v26 =	vld [tilespmem:s2+$0x70]  }
0x83: {  	v22 =	vshll.u32 v22, v1;
	v24 =	vshll.u32 v24, v1;
	v28 =	vld [tilespmem:s2+$0xFFFFFF80];
	v30 =	vadd.s32 v15, v29  }
0x84: {  	v21 =	vshll.u32 v21, v1;
	v25 =	vshll.u32 v25, v1;
	v29 =	vadd.s32 v16, v29;
	v31 =	vld [tilespmem:s2+$0xFFFFFF90]  }
0x85: {  	v22 =	vbroadcast v22, $0x0;
	v32 =	vadd.s32 v0, v19;
	v20 =	vshll.u32 v20, v1;
	v33 =	vld [tilespmem:s2+$0xFFFFFFA0]  }
0x86: {  	v19 =	vadd.s32 v2, v19;
	v23 =	vshll.u32 v23, v1;
	v34 =	vld [tilespmem:s2+$0xFFFFFFB0];
	v27 =	vadd.f32 v27, v17  }
0x87: {  	v24 =	vbroadcast v24, $0x0;
	v35 =	vadd.s32 v3, v22;
	v36 =	vld [tilespmem:s2+$0xFFFFFFC0];
	v26 =	vadd.f32 v26, v18  }
0x88: {  	v22 =	vadd.s32 v4, v22;
	v28 =	vadd.f32 v28, v17;
	v37 =	vld [tilespmem:s2+$0xFFFFFFD0];
	[tilespmem:v30+s24+$0x0] =	vst.idx.msk $0xffff, v27  }
0x89: {  	v21 =	vbroadcast v21, $0x0;
	v30 =	vadd.s32 v5, v24;
	v27 =	vadd.f32 v31, v18;
	v31 =	vld [tilespmem:s2+$0xFFFFFFE0];
	[tilespmem:v29+s24+$0x0] =	vst.idx.msk $0xffff, v26  }
0x8a: {  	v24 =	vadd.s32 v6, v24;
	[tilespmem:v32+s24+$0x0] =	vst.idx.msk $0xffff, v28;
	v26 =	vadd.f32 v33, v17;
	v28 =	vld [tilespmem:s2+$0xFFFFFFF0]  }
0x8b: {  	v25 =	vbroadcast v25, $0x0;
	[tilespmem:v19+s24+$0x0] =	vst.idx.msk $0xffff, v27;
	v19 =	vadd.f32 v34, v18;
	v27 =	vadd.s32 v7, v21;
	v29 =	vld [tilespmem:s2+$0x0]  }
0x8c: {  	v32 =	vmov s12;
	v21 =	vadd.s32 v8, v21;
	[tilespmem:v35+s24+$0x0] =	vst.idx.msk $0xffff, v26;
	v26 =	vadd.f32 v36, v17;
	v33 =	vld [tilespmem:s2+$0x10]  }
0x8d: {  	v20 =	vbroadcast v20, $0x0;
	v34 =	vadd.s32 v9, v25;
	[tilespmem:v22+s24+$0x0] =	vst.idx.msk $0xffff, v19;
	v22 =	vadd.f32 v37, v18;
	v35 =	vld [tilespmem:s2+$0x20]  }
0x8e: {  	v19 =	vshrl.u32 v32, $0x3;
	[tilespmem:v30+s24+$0x0] =	vst.idx.msk $0xffff, v26;
	v26 =	vadd.f32 v31, v17;
	v30 =	vadd.s32 v10, v25;
	v31 =	vld [tilespmem:s2+$0x30]  }
0x8f: {  	s13 =	sadd.s32 $0x1, s12;
	v36 =	vadd.s32 v11, v20;
	[tilespmem:v24+s24+$0x0] =	vst.idx.msk $0xffff, v22;
	v25 =	vadd.f32 v28, v18;
	v37 =	vld [tilespmem:s2+$0x40];
	v28 =	vbroadcast v23, $0x0  }
.Ltmp2:
0x90: {  	v22 =	vmov s13;
	s13 =	sadd.s32 $0x2, s12;
	v23 =	vadd.s32 v12, v20;
	[tilespmem:v27+s24+$0x0] =	vst.idx.msk $0xffff, v26;
	v26 =	vadd.f32 v29, v17;
	v29 =	vld [tilespmem:s2+$0x50];
	(pc) =	sbr.rel @p1 .LBB2_3-.Ltmp2, $4  }
0x91: {  	v24 =	vmov s13;
	s13 =	sadd.s32 $0x3, s12;
	[tilespmem:v21+s24+$0x0] =	vst.idx.msk $0xffff, v25;
	v32 =	vadd.f32 v33, v18;
	v21 =	vadd.s32 v13, v28  }
0x92: {  	s18 =	sadd.s32 $0x5, s12;
	v25 =	vmov s13;
	s13 =	sadd.s32 $0x4, s12;
	v20 =	vadd.s32 v14, v28;
	[tilespmem:v34+s24+$0x0] =	vst.idx.msk $0xffff, v26;
	v33 =	vadd.f32 v35, v17  }
0x93: {  	v27 =	vmov s13;
	v26 =	vmov s18;
	s13 =	sadd.s32 $0x6, s12;
	s18 =	sadd.s32 $0x7, s12;
	[tilespmem:v30+s24+$0x0] =	vst.idx.msk $0xffff, v32;
	v31 =	vadd.f32 v31, v18  }
0x94: {  	s12 =	sadd.s32 $0x8, s12;
	v28 =	vmov s13;
	v32 =	vmov s18;
	[tilespmem:v36+s24+$0x0] =	vst.idx.msk $0xffff, v33;
	v30 =	vadd.f32 v37, v17  }
0x95: {  	_ =	sdelay $0x1  }
0x96: {  	v19 =	vshll.u32 v19, v1;
	v32 =	vshrl.u32 v32, $0x3;
	v29 =	vadd.f32 v29, v18  }
0x97: {  	v22 =	vshrl.u32 v22, $0x3;
	v24 =	vshrl.u32 v24, $0x3;
	s2 =	sadd.s32 $0x100, s2;
	v25 =	vshrl.u32 v25, $0x3  }
0x98: {  	v27 =	vshrl.u32 v27, $0x3;
	[tilespmem:v23+s24+$0x0] =	vst.idx.msk $0xffff, v31;
	v32 =	vshll.u32 v32, v1;
	v19 =	vbroadcast v19, $0x0;
	v31 =	vld [tilespmem:s2+$0xFFFFFF80]  }
0x99: {  	v23 =	vshrl.u32 v26, $0x3;
	v33 =	vld [tilespmem:s2+$0x60];
	v22 =	vshll.u32 v22, v1;
	v32 =	vbroadcast v32, $0x0  }
0x9a: {  	v26 =	vshrl.u32 v28, $0x3;
	v28 =	vld [tilespmem:s2+$0x70];
	v24 =	vshll.u32 v24, v1;
	[tilespmem:v21+s24+$0x0] =	vst.idx.msk $0xffff, v30;
	v21 =	vadd.s32 v0, v19  }
0x9b: {  	v35 =	vld [tilespmem:s2+$0xFFFFFF90];
	v25 =	vshll.u32 v25, v1;
	v27 =	vshll.u32 v27, v1;
	v34 =	vadd.s32 v15, v32  }
0x9c: {  	v30 =	vld [tilespmem:s2+$0xFFFFFFA0];
	v23 =	vshll.u32 v23, v1;
	v22 =	vbroadcast v22, $0x0;
	v32 =	vadd.s32 v16, v32  }
0x9d: {  	v36 =	vld [tilespmem:s2+$0xFFFFFFB0];
	v26 =	vshll.u32 v26, v1;
	v19 =	vadd.s32 v2, v19;
	v31 =	vadd.f32 v31, v17  }
0x9e: {  	[tilespmem:v20+s24+$0x0] =	vst.idx.msk $0xffff, v29;
	v29 =	vld [tilespmem:s2+$0xFFFFFFC0];
	v24 =	vbroadcast v24, $0x0;
	v20 =	vadd.s32 v3, v22;
	v33 =	vadd.f32 v33, v17  }
0x9f: {  	v37 =	vld [tilespmem:s2+$0xFFFFFFD0];
	v22 =	vadd.s32 v4, v22;
	v28 =	vadd.f32 v28, v18;
	[tilespmem:v21+s24+$0x0] =	vst.idx.msk $0xffff, v31  }
0xa0: {  	v49 =	vld [tilespmem:s2+$0xFFFFFFE0];
	v25 =	vbroadcast v25, $0x0;
	v48 =	vadd.s32 v5, v24;
	v47 =	vadd.f32 v35, v18;
	[tilespmem:v34+s24+$0x0] =	vst.idx.msk $0xffff, v33  }
0xa1: {  	v24 =	vadd.s32 v6, v24;
	v21 =	vadd.f32 v30, v17;
	[tilespmem:v32+s24+$0x0] =	vst.idx.msk $0xffff, v28;
	v28 =	vld [tilespmem:s2+$0xFFFFFFF0]  }
0xa2: {  	v27 =	vbroadcast v27, $0x0;
	v30 =	vadd.s32 v7, v25;
	v31 =	vld [tilespmem:s2+$0x0];
	[tilespmem:v19+s24+$0x0] =	vst.idx.msk $0xffff, v47;
	v19 =	vadd.f32 v36, v18  }
0xa3: {  	[tilespmem:v20+s24+$0x0] =	vst.idx.msk $0xffff, v21;
	v20 =	vadd.f32 v29, v17;
	v21 =	vadd.s32 v8, v25;
	v25 =	vld [tilespmem:s2+$0x10]  }
0xa4: {  	v23 =	vbroadcast v23, $0x0;
	v29 =	vld [tilespmem:s2+$0x20];
	[tilespmem:v22+s24+$0x0] =	vst.idx.msk $0xffff, v19;
	v19 =	vadd.f32 v37, v18;
	v22 =	vadd.s32 v9, v27  }
0xa5: {  	v50 =	vld [tilespmem:s2+$0x30];
	v27 =	vadd.s32 v10, v27;
	[tilespmem:v48+s24+$0x0] =	vst.idx.msk $0xffff, v20;
	v20 =	vadd.f32 v49, v17  }
0xa6: {  	v26 =	vbroadcast v26, $0x0;
	[tilespmem:v24+s24+$0x0] =	vst.idx.msk $0xffff, v19;
	v24 =	vadd.s32 v11, v23;
	v19 =	vadd.f32 v28, v18;
	v28 =	vld [tilespmem:s2+$0x40]  }
0xa7: {  	v23 =	vadd.s32 v12, v23;
	[tilespmem:v30+s24+$0x0] =	vst.idx.msk $0xffff, v20;
	v20 =	vadd.f32 v31, v17;
	v30 =	vld [tilespmem:s2+$0x50]  }
0xa8: {  	[tilespmem:v21+s24+$0x0] =	vst.idx.msk $0xffff, v19;
	v19 =	vadd.f32 v25, v18;
	v21 =	vadd.s32 v13, v26  }
0xa9: {  	[tilespmem:v22+s24+$0x0] =	vst.idx.msk $0xffff, v20;
	v20 =	vadd.f32 v29, v17;
	v22 =	vadd.s32 v14, v26  }
0xaa: {  	[tilespmem:v27+s24+$0x0] =	vst.idx.msk $0xffff, v19;
	v19 =	vadd.f32 v50, v18  }
0xab: {  	s18 =	sshll.u32 s31, $0x13;
	[tilespmem:v24+s24+$0x0] =	vst.idx.msk $0xffff, v20;
	v17 =	vadd.f32 v28, v17  }
0xac: {  	s2 =	sor.u32 s5, s18;
	v18 =	vadd.f32 v30, v18;
	[tilespmem:v23+s24+$0x0] =	vst.idx.msk $0xffff, v19  }
0xad: {  	s2 =	sshrl.u32 s2, $0x3;
	[tilespmem:v21+s24+$0x0] =	vst.idx.msk $0xffff, v17  }
0xae: {  	s12 =	sadd.s32 s1, s2;
	[tilespmem:v22+s24+$0x0] =	vst.idx.msk $0xffff, v18  }
0xaf: {  	[hbm4b:s12+s3] =	stream.linear.scatter [tilespmem:s24], [sflag:$0x5], $0x80, $0x38;
	[tilespmem:$0x10100] =	vst v63  }
0xb0: {  	s18 =	simm.s32 $0xBD88;
	s13 =	sadd.s32 $0x10, s12  }
0xb1: {  	[hbm4b:s13+s3] =	stream.linear.scatter [tilespmem:s18], [sflag:$0x5], $0x80, $0x38;
	[tilespmem:$0x10100] =	vst v63  }
0xb2: {  	s20 =	simm.s32 $0xBE10;
	s19 =	sadd.s32 $0x20, s12  }
0xb3: {  	[hbm4b:s19+s3] =	stream.linear.scatter [tilespmem:s20], [sflag:$0x5], $0x80, $0x38;
	[tilespmem:$0x10100] =	vst v63  }
0xb4: {  	s19 =	sadd.s32 $0x30, s12;
	s20 =	simm.s32 $0xBE98  }
0xb5: {  	[hbm4b:s19+s3] =	stream.linear.scatter [tilespmem:s20], [sflag:$0x5], $0x80, $0x38;
	[tilespmem:$0x10100] =	vst v63  }
0xb6: {  	s19 =	sadd.s32 $0x40, s12;
	s20 =	simm.s32 $0xBF20  }
0xb7: {  	[hbm4b:s19+s3] =	stream.linear.scatter [tilespmem:s20], [sflag:$0x5], $0x80, $0x38;
	[tilespmem:$0x10100] =	vst v63  }
0xb8: {  	s19 =	sadd.s32 $0x50, s12;
	s20 =	simm.s32 $0xBFA8  }
0xb9: {  	[hbm4b:s19+s3] =	stream.linear.scatter [tilespmem:s20], [sflag:$0x5], $0x80, $0x38;
	[tilespmem:$0x10100] =	vst v63  }
0xba: {  	s18 =	sadd.s32 $0x60, s12;
	s19 =	simm.s32 $0xC030  }
0xbb: {  	[hbm4b:s18+s3] =	stream.linear.scatter [tilespmem:s19], [sflag:$0x5], $0x80, $0x38;
	[tilespmem:$0x10100] =	vst v63  }
0xbc: {  	s12 =	sadd.s32 $0x70, s12;
	s20 =	simm.s32 $0xC0B8  }
0xbd: {  	[hbm4b:s12+s3] =	stream.linear.scatter [tilespmem:s20], [sflag:$0x5], $0x80, $0x38;
	[tilespmem:$0x10100] =	vst v63  }
0xbe: {  	s18 =	simm.s32 $0xC140;
	s12 =	sadd.s32 s2, s8  }
0xbf: {  	[hbm4b:s12+s3] =	stream.linear.scatter [tilespmem:s18], [sflag:$0x5], $0x80, $0x38;
	[tilespmem:$0x10100] =	vst v63  }
0xc0: {  	s20 =	simm.s32 $0xC1C8;
	s19 =	sadd.s32 $0x10, s12  }
0xc1: {  	[hbm4b:s19+s3] =	stream.linear.scatter [tilespmem:s20], [sflag:$0x5], $0x80, $0x38;
	[tilespmem:$0x10100] =	vst v63  }
0xc2: {  	s19 =	sadd.s32 $0x20, s12;
	s20 =	simm.s32 $0xC250  }
0xc3: {  	[hbm4b:s19+s3] =	stream.linear.scatter [tilespmem:s20], [sflag:$0x5], $0x80, $0x38;
	[tilespmem:$0x10100] =	vst v63  }
0xc4: {  	s19 =	sadd.s32 $0x30, s12;
	s20 =	simm.s32 $0xC2D8  }
0xc5: {  	[hbm4b:s19+s3] =	stream.linear.scatter [tilespmem:s20], [sflag:$0x5], $0x80, $0x38;
	[tilespmem:$0x10100] =	vst v63  }
0xc6: {  	s19 =	sadd.s32 $0x40, s12;
	s20 =	simm.s32 $0xC360  }
0xc7: {  	[hbm4b:s19+s3] =	stream.linear.scatter [tilespmem:s20], [sflag:$0x5], $0x80, $0x38;
	[tilespmem:$0x10100] =	vst v63  }
0xc8: {  	s19 =	sadd.s32 $0x50, s12;
	s20 =	simm.s32 $0xC3E8  }
0xc9: {  	[hbm4b:s19+s3] =	stream.linear.scatter [tilespmem:s20], [sflag:$0x5], $0x80, $0x38;
	[tilespmem:$0x10100] =	vst v63  }
0xca: {  	s18 =	sadd.s32 $0x60, s12;
	s19 =	simm.s32 $0xC470  }
0xcb: {  	[hbm4b:s18+s3] =	stream.linear.scatter [tilespmem:s19], [sflag:$0x5], $0x80, $0x38;
	[tilespmem:$0x10100] =	vst v63  }
0xcc: {  	s12 =	sadd.s32 $0x70, s12;
	s20 =	simm.s32 $0xC4F8  }
0xcd: {  	[hbm4b:s12+s3] =	stream.linear.scatter [tilespmem:s20], [sflag:$0x5], $0x80, $0x38;
	[tilespmem:$0x10100] =	vst v63  }
0xce: {  	s18 =	simm.s32 $0xC580;
	s12 =	sadd.s32 s2, s9  }
0xcf: {  	[hbm4b:s12+s3] =	stream.linear.scatter [tilespmem:s18], [sflag:$0x5], $0x80, $0x38;
	[tilespmem:$0x10100] =	vst v63  }
0xd0: {  	s20 =	simm.s32 $0xC608;
	s19 =	sadd.s32 $0x10, s12  }
0xd1: {  	[hbm4b:s19+s3] =	stream.linear.scatter [tilespmem:s20], [sflag:$0x5], $0x80, $0x38;
	[tilespmem:$0x10100] =	vst v63  }
0xd2: {  	s19 =	sadd.s32 $0x20, s12;
	s20 =	simm.s32 $0xC690  }
0xd3: {  	[hbm4b:s19+s3] =	stream.linear.scatter [tilespmem:s20], [sflag:$0x5], $0x80, $0x38;
	[tilespmem:$0x10100] =	vst v63  }
0xd4: {  	s19 =	sadd.s32 $0x30, s12;
	s20 =	simm.s32 $0xC718  }
0xd5: {  	[hbm4b:s19+s3] =	stream.linear.scatter [tilespmem:s20], [sflag:$0x5], $0x80, $0x38;
	[tilespmem:$0x10100] =	vst v63  }
0xd6: {  	s19 =	sadd.s32 $0x40, s12;
	s20 =	simm.s32 $0xC7A0  }
0xd7: {  	[hbm4b:s19+s3] =	stream.linear.scatter [tilespmem:s20], [sflag:$0x5], $0x80, $0x38;
	[tilespmem:$0x10100] =	vst v63  }
0xd8: {  	s19 =	sadd.s32 $0x50, s12;
	s20 =	simm.s32 $0xC828  }
0xd9: {  	[hbm4b:s19+s3] =	stream.linear.scatter [tilespmem:s20], [sflag:$0x5], $0x80, $0x38;
	[tilespmem:$0x10100] =	vst v63  }
0xda: {  	s18 =	sadd.s32 $0x60, s12;
	s19 =	simm.s32 $0xC8B0  }
0xdb: {  	[hbm4b:s18+s3] =	stream.linear.scatter [tilespmem:s19], [sflag:$0x5], $0x80, $0x38;
	[tilespmem:$0x10100] =	vst v63  }
0xdc: {  	s12 =	sadd.s32 $0x70, s12;
	s20 =	simm.s32 $0xC938  }
0xdd: {  	[hbm4b:s12+s3] =	stream.linear.scatter [tilespmem:s20], [sflag:$0x5], $0x80, $0x38;
	[tilespmem:$0x10100] =	vst v63  }
0xde: {  	s2 =	sadd.s32 s2, s10;
	s18 =	simm.s32 $0xC9C0  }
0xdf: {  	[hbm4b:s2+s3] =	stream.linear.scatter [tilespmem:s18], [sflag:$0x5], $0x80, $0x38;
	[tilespmem:$0x10100] =	vst v63  }
0xe0: {  	s19 =	sadd.s32 $0x10, s2;
	s20 =	simm.s32 $0xCA48  }
0xe1: {  	[hbm4b:s19+s3] =	stream.linear.scatter [tilespmem:s20], [sflag:$0x5], $0x80, $0x38;
	[tilespmem:$0x10100] =	vst v63  }
0xe2: {  	s13 =	sadd.s32 $0x20, s2;
	s18 =	simm.s32 $0xCAD0  }
0xe3: {  	[hbm4b:s13+s3] =	stream.linear.scatter [tilespmem:s18], [sflag:$0x5], $0x80, $0x38;
	[tilespmem:$0x10100] =	vst v63  }
0xe4: {  	s19 =	sadd.s32 $0x30, s2;
	s20 =	simm.s32 $0xCB58  }
0xe5: {  	[hbm4b:s19+s3] =	stream.linear.scatter [tilespmem:s20], [sflag:$0x5], $0x80, $0x38;
	[tilespmem:$0x10100] =	vst v63  }
0xe6: {  	s13 =	sadd.s32 $0x40, s2;
	s18 =	simm.s32 $0xCBE0  }
0xe7: {  	[hbm4b:s13+s3] =	stream.linear.scatter [tilespmem:s18], [sflag:$0x5], $0x80, $0x38;
	[tilespmem:$0x10100] =	vst v63  }
0xe8: {  	s19 =	sadd.s32 $0x50, s2;
	s20 =	simm.s32 $0xCC68  }
0xe9: {  	[hbm4b:s19+s3] =	stream.linear.scatter [tilespmem:s20], [sflag:$0x5], $0x80, $0x38;
	[tilespmem:$0x10100] =	vst v63  }
0xea: {  	s13 =	sadd.s32 $0x60, s2;
	s18 =	simm.s32 $0xCCF0  }
0xeb: {  	[hbm4b:s13+s3] =	stream.linear.scatter [tilespmem:s18], [sflag:$0x5], $0x80, $0x38;
	[tilespmem:$0x10100] =	vst v63  }
0xec: {  	p1 =	seq.s32 s31, $0x31;
	s2 =	sadd.s32 $0x70, s2;
	s19 =	simm.s32 $0xCD78  }
0xed: {  	[hbm4b:s2+s3] =	stream.linear.scatter [tilespmem:s19], [sflag:$0x5], $0x80, $0x38;
	[tilespmem:$0x10100] =	vst v63  }
0xee: {  	s2 =	sshll.u32 @!p1 s0, $0x7  }
0xef: {  	s12 =	sadd.s32 @!p1 $0x200, s2  }
0xf0: {  	s13 =	simm.s32 @!p1 $0x80;
	s18 =	simm.s32 @!p1 $0x7D00;
	s12 =	sand.u32 @!p1 $0xFE00, s12  }
0xf1: {  	[tilespmem:s18], [sflag:$0x1] =	stream.indirect.gather @!p1 [hbm4b:s4+s13], $0x20, s12, s13, $0xb8;
	[tilespmem:$0x10100] =	vst v63  }
0xf2: {  	_ =	swait.ge [sflag:s15], $0x1000  }
0xf3: {  	[sflag:s15] =	ssyncset.done $0x0  }
0xf4: {  	s13 =	simm.s32 @!p0 $0x6;
	[sflag:s15] =	ssyncadd.s32 $0xFFFFF000  }
0xf5: {  	_ =	swait.ge @!p0 [sflag:s13], $0x400  }
0xf6: {  	[sflag:s13] =	ssyncset.done @!p0 $0x0  }
0xf7: {  	[sflag:s13] =	ssyncadd.s32 @!p0 $0xFFFFFC00  }
0xf8: {  	_ =	swait.ge @!p0 [sflag:s13], $0x400  }
0xf9: {  	[sflag:s13] =	ssyncset.done @!p0 $0x0  }
0xfa: {  	[sflag:s13] =	ssyncadd.s32 @!p0 $0xFFFFFC00  }
0xfb: {  	s20 =	simm.s32 $0x0;
	_ =	swait.ge @!p0 [sflag:s13], $0x400  }
0xfc: {  	v17 =	vmov s20;
	s20 =	simm.s32 $0x4;
	s19 =	simm.s32 $0x1;
	[sflag:s13] =	ssyncset.done @!p0 $0x0  }
0xfd: {  	v22 =	vmov s20;
	s20 =	simm.s32 $0x7;
	v19 =	vmov s19;
	s19 =	simm.s32 $0x3;
	[sflag:s13] =	ssyncadd.s32 @!p0 $0xFFFFFC00  }
0xfe: {  	s12 =	sor.u32 $0x1, s0;
	s18 =	simm.s32 $0x2;
	_ =	swait.ge @!p0 [sflag:s13], $0x400  }
0xff: {  	v21 =	vmov s19;
	s19 =	simm.s32 $0x5;
	v20 =	vmov s18;
	s18 =	sshll.u32 s12, $0x5;
	[sflag:s13] =	ssyncset.done @!p0 $0x0  }
0x100: {  	v24 =	vmov s20;
	v23 =	vmov s19;
	s19 =	sand.u32 $0x3FFFFFE0, s18;
	[sflag:s13] =	ssyncadd.s32 @!p0 $0xFFFFFC00  }
0x101: {  	v18 =	vshrl.u32 v17, $0x3;
	v24 =	vshrl.u32 v24, $0x3;
	v17 =	vld [tilespmem:s19+$0x6400]  }
0x102: {  	v26 =	vshll.u32 v18, v1;
	v24 =	vshll.u32 v24, v1;
	s13 =	simm.s32 $0x8D80;
	v18 =	vld [tilespmem:s19+$0x6410]  }
0x103: {  	v24 =	vbroadcast v24, $0x0;
	v27 =	vld [tilespmem:s13+$0x60]  }
0x104: {  	v26 =	vbroadcast v26, $0x0;
	v29 =	vld [tilespmem:s13+$0xFFFFFF80]  }
0x105: {  	v19 =	vshrl.u32 v19, $0x3;
	v30 =	vadd.s32 v15, v24;
	v28 =	vld [tilespmem:s13+$0x70]  }
0x106: {  	v51 =	vadd.s32 v0, v26;
	v19 =	vshll.u32 v19, v1;
	v31 =	vld [tilespmem:s13+$0xFFFFFF90]  }
0x107: {  	v24 =	vadd.s32 v16, v24;
	v19 =	vbroadcast v19, $0x0;
	v20 =	vshrl.u32 v20, $0x3;
	v52 =	vld [tilespmem:s13+$0xFFFFFFA0]  }
0x108: {  	v26 =	vadd.s32 v2, v26;
	v20 =	vshll.u32 v20, v1;
	v53 =	vld [tilespmem:s13+$0xFFFFFFB0];
	v27 =	vadd.f32 v27, v17  }
0x109: {  	v54 =	vadd.s32 v3, v19;
	v20 =	vbroadcast v20, $0x0;
	v55 =	vld [tilespmem:s13+$0xFFFFFFC0];
	v29 =	vadd.f32 v29, v17  }
0x10a: {  	s20 =	simm.s32 $0x6;
	v22 =	vshrl.u32 v22, $0x3;
	v19 =	vadd.s32 v4, v19;
	v28 =	vadd.f32 v28, v18;
	[tilespmem:v30+s17+$0x0] =	vst.idx.msk $0xffff, v27  }
0x10b: {  	v25 =	vmov s20;
	v56 =	vld [tilespmem:s13+$0xFFFFFFD0];
	v27 =	vadd.f32 v31, v18;
	v30 =	vadd.s32 v5, v20;
	[tilespmem:v51+s17+$0x0] =	vst.idx.msk $0xffff, v29  }
0x10c: {  	v22 =	vshll.u32 v22, v1;
	v21 =	vshrl.u32 v21, $0x3;
	v59 =	vld [tilespmem:s13+$0x10];
	[tilespmem:v24+s17+$0x0] =	vst.idx.msk $0xffff, v28;
	v24 =	vadd.f32 v52, v17  }
0x10d: {  	v22 =	vbroadcast v22, $0x0;
	v21 =	vshll.u32 v21, v1;
	v29 =	vld [tilespmem:s13+$0x0];
	[tilespmem:v26+s17+$0x0] =	vst.idx.msk $0xffff, v27;
	v26 =	vadd.f32 v53, v18  }
0x10e: {  	v23 =	vshrl.u32 v23, $0x3;
	v31 =	vld [tilespmem:s13+$0xFFFFFFE0];
	v20 =	vadd.s32 v6, v20;
	[tilespmem:v54+s17+$0x0] =	vst.idx.msk $0xffff, v24;
	v24 =	vadd.f32 v55, v17  }
0x10f: {  	v23 =	vshll.u32 v23, v1;
	v21 =	vbroadcast v21, $0x0;
	v28 =	vld [tilespmem:s13+$0xFFFFFFF0];
	[tilespmem:v19+s17+$0x0] =	vst.idx.msk $0xffff, v26;
	v26 =	vadd.s32 v9, v22  }
0x110: {  	v25 =	vshrl.u32 v25, $0x3;
	v61 =	vbroadcast v23, $0x0;
	[tilespmem:v30+s17+$0x0] =	vst.idx.msk $0xffff, v24;
	v30 =	vadd.s32 v10, v22  }
0x111: {  	v58 =	vadd.s32 v8, v21;
	v60 =	vld [tilespmem:s13+$0x20];
	v27 =	vadd.s32 v7, v21;
	v21 =	vadd.f32 v56, v18  }
0x112: {  	v25 =	vshll.u32 v25, v1;
	v62 =	vadd.s32 v11, v61;
	v22 =	vadd.f32 v29, v17  }
0x113: {  	s19 =	simm.s32 $0x8;
	v24 =	vadd.f32 v31, v17;
	v31 =	vld [tilespmem:s13+$0x30];
	v29 =	vadd.f32 v59, v18;
	[tilespmem:v20+s17+$0x0] =	vst.idx.msk $0xffff, v21  }
0x114: {  	v38 =	vld [tilespmem:s13+$0x40];
	v57 =	vmov s19;
	s19 =	simm.s32 $0xA;
	v20 =	vadd.f32 v28, v18;
	v28 =	vbroadcast v25, $0x0;
	[tilespmem:v26+s17+$0x0] =	vst.idx.msk $0xffff, v22  }
0x115: {  	s20 =	simm.s32 $0x9;
	v23 =	vmov s19;
	v25 =	vadd.s32 v12, v61;
	[tilespmem:v30+s17+$0x0] =	vst.idx.msk $0xffff, v29;
	v29 =	vld [tilespmem:s13+$0x50]  }
0x116: {  	v63 =	vadd.f32 v60, v17;
	v19 =	vmov s20;
	s20 =	simm.s32 $0xB;
	[tilespmem:v27+s17+$0x0] =	vst.idx.msk $0xffff, v24;
	v22 =	vadd.s32 v13, v28  }
0x117: {  	s19 =	simm.s32 $0xC;
	v21 =	vshrl.u32 v57, $0x3;
	v24 =	vmov s20;
	s20 =	simm.s32 $0xD;
	[tilespmem:v58+s17+$0x0] =	vst.idx.msk $0xffff, v20;
	v20 =	vadd.s32 v14, v28  }
0x118: {  	v27 =	vmov s19;
	s19 =	simm.s32 $0xE;
	v26 =	vmov s20;
	s20 =	simm.s32 $0xF;
	v31 =	vadd.f32 v31, v18  }
0x119: {  	s18 =	simm.s32 $0x10;
	[tilespmem:v62+s17+$0x0] =	vst.idx.msk $0xffff, v63;
	v28 =	vmov s19;
	v32 =	vmov s20;
	v30 =	vadd.f32 v38, v17  }
.LBB2_5:
0x11a: {  	p2 =	slt.u32 s18, $0x78;
	v21 =	vshll.u32 v21, v1;
	v32 =	vshrl.u32 v32, $0x3;
	[tilespmem:v25+s17+$0x0] =	vst.idx.msk $0xffff, v31;
	v25 =	vadd.f32 v29, v18  }
0x11b: {  	v19 =	vshrl.u32 v19, $0x3;
	v23 =	vshrl.u32 v23, $0x3;
	s13 =	sadd.s32 $0x100, s13;
	v29 =	vshll.u32 v32, v1;
	[tilespmem:v22+s17+$0x0] =	vst.idx.msk $0xffff, v30  }
0x11c: {  	v22 =	vshrl.u32 v24, $0x3;
	v24 =	vshrl.u32 v27, $0x3;
	v27 =	vld [tilespmem:s13+$0x60];
	v29 =	vbroadcast v29, $0x0;
	[tilespmem:v20+s17+$0x0] =	vst.idx.msk $0xffff, v25  }
0x11d: {  	v20 =	vbroadcast v21, $0x0;
	v21 =	vshrl.u32 v26, $0x3;
	v25 =	vshrl.u32 v28, $0x3;
	v26 =	vld [tilespmem:s13+$0x70]  }
0x11e: {  	v19 =	vshll.u32 v19, v1;
	v23 =	vshll.u32 v23, v1;
	v28 =	vld [tilespmem:s13+$0xFFFFFF80];
	v30 =	vadd.s32 v15, v29  }
0x11f: {  	v22 =	vshll.u32 v22, v1;
	v24 =	vshll.u32 v24, v1;
	v29 =	vadd.s32 v16, v29;
	v31 =	vld [tilespmem:s13+$0xFFFFFF90]  }
0x120: {  	v19 =	vbroadcast v19, $0x0;
	v21 =	vshll.u32 v21, v1;
	v32 =	vadd.s32 v0, v20;
	v33 =	vld [tilespmem:s13+$0xFFFFFFA0]  }
0x121: {  	v25 =	vshll.u32 v25, v1;
	v20 =	vadd.s32 v2, v20;
	v34 =	vld [tilespmem:s13+$0xFFFFFFB0];
	v27 =	vadd.f32 v27, v17  }
0x122: {  	v23 =	vbroadcast v23, $0x0;
	v35 =	vadd.s32 v3, v19;
	v36 =	vld [tilespmem:s13+$0xFFFFFFC0];
	v26 =	vadd.f32 v26, v18  }
0x123: {  	v19 =	vadd.s32 v4, v19;
	v28 =	vadd.f32 v28, v17;
	v37 =	vld [tilespmem:s13+$0xFFFFFFD0];
	[tilespmem:v30+s17+$0x0] =	vst.idx.msk $0xffff, v27  }
0x124: {  	v22 =	vbroadcast v22, $0x0;
	v30 =	vadd.s32 v5, v23;
	v27 =	vadd.f32 v31, v18;
	v31 =	vld [tilespmem:s13+$0xFFFFFFE0];
	[tilespmem:v29+s17+$0x0] =	vst.idx.msk $0xffff, v26  }
0x125: {  	v23 =	vadd.s32 v6, v23;
	[tilespmem:v32+s17+$0x0] =	vst.idx.msk $0xffff, v28;
	v26 =	vadd.f32 v33, v17;
	v28 =	vld [tilespmem:s13+$0xFFFFFFF0]  }
0x126: {  	v24 =	vbroadcast v24, $0x0;
	[tilespmem:v20+s17+$0x0] =	vst.idx.msk $0xffff, v27;
	v20 =	vadd.f32 v34, v18;
	v27 =	vadd.s32 v7, v22;
	v29 =	vld [tilespmem:s13+$0x0]  }
0x127: {  	v32 =	vmov s18;
	v22 =	vadd.s32 v8, v22;
	[tilespmem:v35+s17+$0x0] =	vst.idx.msk $0xffff, v26;
	v26 =	vadd.f32 v36, v17;
	v33 =	vld [tilespmem:s13+$0x10]  }
0x128: {  	v35 =	vbroadcast v21, $0x0;
	[tilespmem:v19+s17+$0x0] =	vst.idx.msk $0xffff, v20;
	v19 =	vadd.f32 v37, v18;
	v20 =	vadd.s32 v9, v24;
	v34 =	vld [tilespmem:s13+$0x20]  }
0x129: {  	v21 =	vshrl.u32 v32, $0x3;
	[tilespmem:v30+s17+$0x0] =	vst.idx.msk $0xffff, v26;
	v26 =	vadd.f32 v31, v17;
	v30 =	vadd.s32 v10, v24;
	v31 =	vld [tilespmem:s13+$0x30]  }
0x12a: {  	s19 =	sadd.s32 $0x1, s18;
	v36 =	vadd.s32 v11, v35;
	[tilespmem:v23+s17+$0x0] =	vst.idx.msk $0xffff, v19;
	v24 =	vadd.f32 v28, v18;
	v37 =	vld [tilespmem:s13+$0x40];
	v28 =	vbroadcast v25, $0x0  }
.Ltmp3:
0x12b: {  	v19 =	vmov s19;
	s19 =	sadd.s32 $0x2, s18;
	v25 =	vadd.s32 v12, v35;
	[tilespmem:v27+s17+$0x0] =	vst.idx.msk $0xffff, v26;
	v26 =	vadd.f32 v29, v17;
	v29 =	vld [tilespmem:s13+$0x50];
	(pc) =	sbr.rel @p2 .LBB2_5-.Ltmp3, $4  }
0x12c: {  	v23 =	vmov s19;
	s19 =	sadd.s32 $0x3, s18;
	[tilespmem:v22+s17+$0x0] =	vst.idx.msk $0xffff, v24;
	v32 =	vadd.f32 v33, v18;
	v22 =	vadd.s32 v13, v28  }
0x12d: {  	s20 =	sadd.s32 $0x5, s18;
	v24 =	vmov s19;
	s19 =	sadd.s32 $0x4, s18;
	[tilespmem:v20+s17+$0x0] =	vst.idx.msk $0xffff, v26;
	v33 =	vadd.f32 v34, v17;
	v20 =	vadd.s32 v14, v28  }
0x12e: {  	v27 =	vmov s19;
	v26 =	vmov s20;
	s19 =	sadd.s32 $0x6, s18;
	s20 =	sadd.s32 $0x7, s18;
	[tilespmem:v30+s17+$0x0] =	vst.idx.msk $0xffff, v32;
	v31 =	vadd.f32 v31, v18  }
0x12f: {  	s18 =	sadd.s32 $0x8, s18;
	v28 =	vmov s19;
	v32 =	vmov s20;
	[tilespmem:v36+s17+$0x0] =	vst.idx.msk $0xffff, v33;
	v30 =	vadd.f32 v37, v17  }
0x130: {  	_ =	sdelay $0x1  }
0x131: {  	v21 =	vshll.u32 v21, v1;
	v32 =	vshrl.u32 v32, $0x3;
	v29 =	vadd.f32 v29, v18  }
0x132: {  	v19 =	vshrl.u32 v19, $0x3;
	v23 =	vshrl.u32 v23, $0x3;
	s13 =	sadd.s32 $0x100, s13;
	v24 =	vshrl.u32 v24, $0x3  }
0x133: {  	v27 =	vshrl.u32 v27, $0x3;
	[tilespmem:v25+s17+$0x0] =	vst.idx.msk $0xffff, v31;
	v32 =	vshll.u32 v32, v1;
	v21 =	vbroadcast v21, $0x0;
	v31 =	vld [tilespmem:s13+$0xFFFFFF80]  }
0x134: {  	v25 =	vshrl.u32 v26, $0x3;
	v33 =	vld [tilespmem:s13+$0x60];
	v19 =	vshll.u32 v19, v1;
	v32 =	vbroadcast v32, $0x0  }
0x135: {  	v26 =	vshrl.u32 v28, $0x3;
	v28 =	vld [tilespmem:s13+$0x70];
	v23 =	vshll.u32 v23, v1;
	[tilespmem:v22+s17+$0x0] =	vst.idx.msk $0xffff, v30;
	v22 =	vadd.s32 v0, v21  }
0x136: {  	v35 =	vld [tilespmem:s13+$0xFFFFFF90];
	v24 =	vshll.u32 v24, v1;
	v27 =	vshll.u32 v27, v1;
	v34 =	vadd.s32 v15, v32  }
0x137: {  	v30 =	vld [tilespmem:s13+$0xFFFFFFA0];
	v25 =	vshll.u32 v25, v1;
	v19 =	vbroadcast v19, $0x0;
	v32 =	vadd.s32 v16, v32  }
0x138: {  	v36 =	vld [tilespmem:s13+$0xFFFFFFB0];
	v26 =	vshll.u32 v26, v1;
	v21 =	vadd.s32 v2, v21;
	v31 =	vadd.f32 v31, v17  }
0x139: {  	[tilespmem:v20+s17+$0x0] =	vst.idx.msk $0xffff, v29;
	v29 =	vld [tilespmem:s13+$0xFFFFFFC0];
	v23 =	vbroadcast v23, $0x0;
	v20 =	vadd.s32 v3, v19;
	v33 =	vadd.f32 v33, v17  }
0x13a: {  	v37 =	vld [tilespmem:s13+$0xFFFFFFD0];
	v19 =	vadd.s32 v4, v19;
	v28 =	vadd.f32 v28, v18;
	[tilespmem:v22+s17+$0x0] =	vst.idx.msk $0xffff, v31  }
0x13b: {  	v49 =	vld [tilespmem:s13+$0xFFFFFFE0];
	v24 =	vbroadcast v24, $0x0;
	v48 =	vadd.s32 v5, v23;
	v47 =	vadd.f32 v35, v18;
	[tilespmem:v34+s17+$0x0] =	vst.idx.msk $0xffff, v33  }
0x13c: {  	v23 =	vadd.s32 v6, v23;
	v22 =	vadd.f32 v30, v17;
	[tilespmem:v32+s17+$0x0] =	vst.idx.msk $0xffff, v28;
	v28 =	vld [tilespmem:s13+$0xFFFFFFF0]  }
0x13d: {  	v27 =	vbroadcast v27, $0x0;
	v30 =	vadd.s32 v7, v24;
	v31 =	vld [tilespmem:s13+$0x0];
	[tilespmem:v21+s17+$0x0] =	vst.idx.msk $0xffff, v47;
	v21 =	vadd.f32 v36, v18  }
0x13e: {  	[tilespmem:v20+s17+$0x0] =	vst.idx.msk $0xffff, v22;
	v20 =	vadd.f32 v29, v17;
	v22 =	vadd.s32 v8, v24;
	v24 =	vld [tilespmem:s13+$0x10]  }
0x13f: {  	v25 =	vbroadcast v25, $0x0;
	v29 =	vld [tilespmem:s13+$0x20];
	[tilespmem:v19+s17+$0x0] =	vst.idx.msk $0xffff, v21;
	v19 =	vadd.f32 v37, v18;
	v21 =	vadd.s32 v9, v27  }
0x140: {  	v50 =	vld [tilespmem:s13+$0x30];
	v27 =	vadd.s32 v10, v27;
	[tilespmem:v48+s17+$0x0] =	vst.idx.msk $0xffff, v20;
	v20 =	vadd.f32 v49, v17  }
0x141: {  	v26 =	vbroadcast v26, $0x0;
	[tilespmem:v23+s17+$0x0] =	vst.idx.msk $0xffff, v19;
	v23 =	vadd.s32 v11, v25;
	v19 =	vadd.f32 v28, v18;
	v28 =	vld [tilespmem:s13+$0x40]  }
0x142: {  	v25 =	vadd.s32 v12, v25;
	[tilespmem:v30+s17+$0x0] =	vst.idx.msk $0xffff, v20;
	v20 =	vadd.f32 v31, v17;
	v30 =	vld [tilespmem:s13+$0x50]  }
0x143: {  	[tilespmem:v22+s17+$0x0] =	vst.idx.msk $0xffff, v19;
	v19 =	vadd.f32 v24, v18;
	v22 =	vadd.s32 v13, v26  }
0x144: {  	[tilespmem:v21+s17+$0x0] =	vst.idx.msk $0xffff, v20;
	v20 =	vadd.f32 v29, v17;
	v21 =	vadd.s32 v14, v26  }
0x145: {  	[tilespmem:v27+s17+$0x0] =	vst.idx.msk $0xffff, v19;
	v19 =	vadd.f32 v50, v18  }
0x146: {  	s12 =	sshll.u32 s12, $0x11;
	[tilespmem:v23+s17+$0x0] =	vst.idx.msk $0xffff, v20;
	v17 =	vadd.f32 v28, v17  }
0x147: {  	s12 =	sor.u32 s5, s12;
	v18 =	vadd.f32 v30, v18;
	[tilespmem:v25+s17+$0x0] =	vst.idx.msk $0xffff, v19  }
0x148: {  	s12 =	sshrl.u32 s12, $0x3;
	[tilespmem:v22+s17+$0x0] =	vst.idx.msk $0xffff, v17  }
0x149: {  	s13 =	sadd.s32 s1, s12;
	[tilespmem:v21+s17+$0x0] =	vst.idx.msk $0xffff, v18  }
0x14a: {  	[hbm4b:s13+s3] =	stream.linear.scatter [tilespmem:s17], [sflag:$0x6], $0x80, $0x38;
	[tilespmem:$0x10100] =	vst v63  }
0x14b: {  	s19 =	simm.s32 $0xCE88;
	s18 =	sadd.s32 $0x10, s13  }
0x14c: {  	[hbm4b:s18+s3] =	stream.linear.scatter [tilespmem:s19], [sflag:$0x6], $0x80, $0x38;
	[tilespmem:$0x10100] =	vst v63  }
0x14d: {  	s20 =	simm.s32 $0xCF10;
	s19 =	sadd.s32 $0x20, s13  }
0x14e: {  	[hbm4b:s19+s3] =	stream.linear.scatter [tilespmem:s20], [sflag:$0x6], $0x80, $0x38;
	[tilespmem:$0x10100] =	vst v63  }
0x14f: {  	s19 =	sadd.s32 $0x30, s13;
	s20 =	simm.s32 $0xCF98  }
0x150: {  	[hbm4b:s19+s3] =	stream.linear.scatter [tilespmem:s20], [sflag:$0x6], $0x80, $0x38;
	[tilespmem:$0x10100] =	vst v63  }
0x151: {  	s19 =	sadd.s32 $0x40, s13;
	s20 =	simm.s32 $0xD020  }
0x152: {  	[hbm4b:s19+s3] =	stream.linear.scatter [tilespmem:s20], [sflag:$0x6], $0x80, $0x38;
	[tilespmem:$0x10100] =	vst v63  }
0x153: {  	s19 =	sadd.s32 $0x50, s13;
	s20 =	simm.s32 $0xD0A8  }
0x154: {  	[hbm4b:s19+s3] =	stream.linear.scatter [tilespmem:s20], [sflag:$0x6], $0x80, $0x38;
	[tilespmem:$0x10100] =	vst v63  }
0x155: {  	s19 =	sadd.s32 $0x60, s13;
	s20 =	simm.s32 $0xD130  }
0x156: {  	[hbm4b:s19+s3] =	stream.linear.scatter [tilespmem:s20], [sflag:$0x6], $0x80, $0x38;
	[tilespmem:$0x10100] =	vst v63  }
0x157: {  	s13 =	sadd.s32 $0x70, s13;
	s19 =	simm.s32 $0xD1B8  }
0x158: {  	[hbm4b:s13+s3] =	stream.linear.scatter [tilespmem:s19], [sflag:$0x6], $0x80, $0x38;
	[tilespmem:$0x10100] =	vst v63  }
0x159: {  	s20 =	simm.s32 $0xD240;
	s13 =	sadd.s32 s12, s8  }
0x15a: {  	[hbm4b:s13+s3] =	stream.linear.scatter [tilespmem:s20], [sflag:$0x6], $0x80, $0x38;
	[tilespmem:$0x10100] =	vst v63  }
0x15b: {  	s19 =	sadd.s32 $0x10, s13;
	s20 =	simm.s32 $0xD2C8  }
0x15c: {  	[hbm4b:s19+s3] =	stream.linear.scatter [tilespmem:s20], [sflag:$0x6], $0x80, $0x38;
	[tilespmem:$0x10100] =	vst v63  }
0x15d: {  	s19 =	sadd.s32 $0x20, s13;
	s20 =	simm.s32 $0xD350  }
0x15e: {  	[hbm4b:s19+s3] =	stream.linear.scatter [tilespmem:s20], [sflag:$0x6], $0x80, $0x38;
	[tilespmem:$0x10100] =	vst v63  }
0x15f: {  	s19 =	sadd.s32 $0x30, s13;
	s20 =	simm.s32 $0xD3D8  }
0x160: {  	[hbm4b:s19+s3] =	stream.linear.scatter [tilespmem:s20], [sflag:$0x6], $0x80, $0x38;
	[tilespmem:$0x10100] =	vst v63  }
0x161: {  	s19 =	sadd.s32 $0x40, s13;
	s20 =	simm.s32 $0xD460  }
0x162: {  	[hbm4b:s19+s3] =	stream.linear.scatter [tilespmem:s20], [sflag:$0x6], $0x80, $0x38;
	[tilespmem:$0x10100] =	vst v63  }
0x163: {  	s19 =	sadd.s32 $0x50, s13;
	s20 =	simm.s32 $0xD4E8  }
0x164: {  	[hbm4b:s19+s3] =	stream.linear.scatter [tilespmem:s20], [sflag:$0x6], $0x80, $0x38;
	[tilespmem:$0x10100] =	vst v63  }
0x165: {  	s19 =	sadd.s32 $0x60, s13;
	s20 =	simm.s32 $0xD570  }
0x166: {  	[hbm4b:s19+s3] =	stream.linear.scatter [tilespmem:s20], [sflag:$0x6], $0x80, $0x38;
	[tilespmem:$0x10100] =	vst v63  }
0x167: {  	s13 =	sadd.s32 $0x70, s13;
	s19 =	simm.s32 $0xD5F8  }
0x168: {  	[hbm4b:s13+s3] =	stream.linear.scatter [tilespmem:s19], [sflag:$0x6], $0x80, $0x38;
	[tilespmem:$0x10100] =	vst v63  }
0x169: {  	s20 =	simm.s32 $0xD680;
	s13 =	sadd.s32 s12, s9  }
0x16a: {  	[hbm4b:s13+s3] =	stream.linear.scatter [tilespmem:s20], [sflag:$0x6], $0x80, $0x38;
	[tilespmem:$0x10100] =	vst v63  }
0x16b: {  	s19 =	sadd.s32 $0x10, s13;
	s20 =	simm.s32 $0xD708  }
0x16c: {  	[hbm4b:s19+s3] =	stream.linear.scatter [tilespmem:s20], [sflag:$0x6], $0x80, $0x38;
	[tilespmem:$0x10100] =	vst v63  }
0x16d: {  	s19 =	sadd.s32 $0x20, s13;
	s20 =	simm.s32 $0xD790  }
0x16e: {  	[hbm4b:s19+s3] =	stream.linear.scatter [tilespmem:s20], [sflag:$0x6], $0x80, $0x38;
	[tilespmem:$0x10100] =	vst v63  }
0x16f: {  	s19 =	sadd.s32 $0x30, s13;
	s20 =	simm.s32 $0xD818  }
0x170: {  	[hbm4b:s19+s3] =	stream.linear.scatter [tilespmem:s20], [sflag:$0x6], $0x80, $0x38;
	[tilespmem:$0x10100] =	vst v63  }
0x171: {  	s19 =	sadd.s32 $0x40, s13;
	s20 =	simm.s32 $0xD8A0  }
0x172: {  	[hbm4b:s19+s3] =	stream.linear.scatter [tilespmem:s20], [sflag:$0x6], $0x80, $0x38;
	[tilespmem:$0x10100] =	vst v63  }
0x173: {  	s19 =	sadd.s32 $0x50, s13;
	s20 =	simm.s32 $0xD928  }
0x174: {  	[hbm4b:s19+s3] =	stream.linear.scatter [tilespmem:s20], [sflag:$0x6], $0x80, $0x38;
	[tilespmem:$0x10100] =	vst v63  }
0x175: {  	s19 =	sadd.s32 $0x60, s13;
	s20 =	simm.s32 $0xD9B0  }
0x176: {  	[hbm4b:s19+s3] =	stream.linear.scatter [tilespmem:s20], [sflag:$0x6], $0x80, $0x38;
	[tilespmem:$0x10100] =	vst v63  }
0x177: {  	s13 =	sadd.s32 $0x70, s13;
	s20 =	simm.s32 $0xDA38  }
0x178: {  	[hbm4b:s13+s3] =	stream.linear.scatter [tilespmem:s20], [sflag:$0x6], $0x80, $0x38;
	[tilespmem:$0x10100] =	vst v63  }
0x179: {  	s18 =	simm.s32 $0xDAC0;
	s12 =	sadd.s32 s12, s10  }
0x17a: {  	[hbm4b:s12+s3] =	stream.linear.scatter [tilespmem:s18], [sflag:$0x6], $0x80, $0x38;
	[tilespmem:$0x10100] =	vst v63  }
0x17b: {  	s19 =	sadd.s32 $0x10, s12;
	s20 =	simm.s32 $0xDB48  }
0x17c: {  	[hbm4b:s19+s3] =	stream.linear.scatter [tilespmem:s20], [sflag:$0x6], $0x80, $0x38;
	[tilespmem:$0x10100] =	vst v63  }
0x17d: {  	s19 =	sadd.s32 $0x20, s12;
	s20 =	simm.s32 $0xDBD0  }
0x17e: {  	[hbm4b:s19+s3] =	stream.linear.scatter [tilespmem:s20], [sflag:$0x6], $0x80, $0x38;
	[tilespmem:$0x10100] =	vst v63  }
0x17f: {  	s19 =	sadd.s32 $0x30, s12;
	s20 =	simm.s32 $0xDC58  }
0x180: {  	[hbm4b:s19+s3] =	stream.linear.scatter [tilespmem:s20], [sflag:$0x6], $0x80, $0x38;
	[tilespmem:$0x10100] =	vst v63  }
0x181: {  	s19 =	sadd.s32 $0x40, s12;
	s20 =	simm.s32 $0xDCE0  }
0x182: {  	[hbm4b:s19+s3] =	stream.linear.scatter [tilespmem:s20], [sflag:$0x6], $0x80, $0x38;
	[tilespmem:$0x10100] =	vst v63  }
0x183: {  	s19 =	sadd.s32 $0x50, s12;
	s20 =	simm.s32 $0xDD68  }
0x184: {  	[hbm4b:s19+s3] =	stream.linear.scatter [tilespmem:s20], [sflag:$0x6], $0x80, $0x38;
	[tilespmem:$0x10100] =	vst v63  }
0x185: {  	s19 =	sadd.s32 $0x60, s12;
	s20 =	simm.s32 $0xDDF0  }
0x186: {  	[hbm4b:s19+s3] =	stream.linear.scatter [tilespmem:s20], [sflag:$0x6], $0x80, $0x38;
	[tilespmem:$0x10100] =	vst v63  }
0x187: {  	s18 =	simm.s32 $0xDE78;
	s12 =	sadd.s32 $0x70, s12  }
0x188: {  	[hbm4b:s12+s3] =	stream.linear.scatter [tilespmem:s18], [sflag:$0x6], $0x80, $0x38;
	[tilespmem:$0x10100] =	vst v63  }
0x189: {  	s12 =	sadd.s32 @!p1 $0x280, s2  }
0x18a: {  	s13 =	simm.s32 @!p1 $0x80;
	s18 =	simm.s32 @!p1 $0x8D00;
	s12 =	sand.u32 @!p1 $0xFE80, s12  }
0x18b: {  	[tilespmem:s18], [sflag:$0x2] =	stream.indirect.gather @!p1 [hbm4b:s4+s13], $0x20, s12, s13, $0xb8;
	[tilespmem:$0x10100] =	vst v63  }
0x18c: {  	_ =	swait.ge [sflag:s29], $0x1000  }
0x18d: {  	[sflag:s29] =	ssyncset.done $0x0  }
0x18e: {  	s13 =	simm.s32 @!p0 $0x7;
	[sflag:s29] =	ssyncadd.s32 $0xFFFFF000  }
0x18f: {  	_ =	swait.ge @!p0 [sflag:s13], $0x400  }
0x190: {  	[sflag:s13] =	ssyncset.done @!p0 $0x0  }
0x191: {  	[sflag:s13] =	ssyncadd.s32 @!p0 $0xFFFFFC00  }
0x192: {  	_ =	swait.ge @!p0 [sflag:s13], $0x400  }
0x193: {  	[sflag:s13] =	ssyncset.done @!p0 $0x0  }
0x194: {  	[sflag:s13] =	ssyncadd.s32 @!p0 $0xFFFFFC00  }
0x195: {  	s19 =	simm.s32 $0x0;
	_ =	swait.ge @!p0 [sflag:s13], $0x400  }
0x196: {  	s20 =	simm.s32 $0x1;
	v17 =	vmov s19;
	s19 =	simm.s32 $0x3;
	[sflag:s13] =	ssyncset.done @!p0 $0x0  }
0x197: {  	v19 =	vmov s20;
	s20 =	simm.s32 $0x4;
	v21 =	vmov s19;
	s19 =	simm.s32 $0x5;
	[sflag:s13] =	ssyncadd.s32 @!p0 $0xFFFFFC00  }
0x198: {  	s12 =	sor.u32 $0x2, s0;
	s18 =	simm.s32 $0x2;
	_ =	swait.ge @!p0 [sflag:s13], $0x400  }
0x199: {  	v22 =	vmov s20;
	s20 =	simm.s32 $0x7;
	v20 =	vmov s18;
	s18 =	sshll.u32 s12, $0x5;
	[sflag:s13] =	ssyncset.done @!p0 $0x0  }
0x19a: {  	v23 =	vmov s19;
	v24 =	vmov s20;
	s19 =	sand.u32 $0x3FFFFFE0, s18;
	[sflag:s13] =	ssyncadd.s32 @!p0 $0xFFFFFC00  }
0x19b: {  	v18 =	vshrl.u32 v17, $0x3;
	v24 =	vshrl.u32 v24, $0x3;
	v17 =	vld [tilespmem:s19+$0x6400]  }
0x19c: {  	v26 =	vshll.u32 v18, v1;
	v24 =	vshll.u32 v24, v1;
	s13 =	simm.s32 $0x9D80;
	v18 =	vld [tilespmem:s19+$0x6410]  }
0x19d: {  	v24 =	vbroadcast v24, $0x0;
	v27 =	vld [tilespmem:s13+$0x60]  }
0x19e: {  	v26 =	vbroadcast v26, $0x0;
	v29 =	vld [tilespmem:s13+$0xFFFFFF80]  }
0x19f: {  	v19 =	vshrl.u32 v19, $0x3;
	v30 =	vadd.s32 v15, v24;
	v28 =	vld [tilespmem:s13+$0x70]  }
0x1a0: {  	v19 =	vshll.u32 v19, v1;
	v51 =	vadd.s32 v0, v26;
	v31 =	vld [tilespmem:s13+$0xFFFFFF90]  }
0x1a1: {  	v19 =	vbroadcast v19, $0x0;
	v20 =	vshrl.u32 v20, $0x3;
	v24 =	vadd.s32 v16, v24;
	v52 =	vld [tilespmem:s13+$0xFFFFFFA0]  }
0x1a2: {  	v26 =	vadd.s32 v2, v26;
	v20 =	vshll.u32 v20, v1;
	v53 =	vld [tilespmem:s13+$0xFFFFFFB0];
	v27 =	vadd.f32 v27, v17  }
0x1a3: {  	v54 =	vadd.s32 v3, v19;
	v20 =	vbroadcast v20, $0x0;
	v55 =	vld [tilespmem:s13+$0xFFFFFFC0];
	v29 =	vadd.f32 v29, v17  }
0x1a4: {  	v21 =	vshrl.u32 v21, $0x3;
	v19 =	vadd.s32 v4, v19;
	v28 =	vadd.f32 v28, v18;
	[tilespmem:v30+s30+$0x0] =	vst.idx.msk $0xffff, v27  }
0x1a5: {  	s20 =	simm.s32 $0x6;
	v22 =	vshrl.u32 v22, $0x3;
	v56 =	vld [tilespmem:s13+$0xFFFFFFD0];
	v27 =	vadd.f32 v31, v18;
	v30 =	vadd.s32 v5, v20;
	[tilespmem:v51+s30+$0x0] =	vst.idx.msk $0xffff, v29  }
0x1a6: {  	v25 =	vmov s20;
	v22 =	vshll.u32 v22, v1;
	v59 =	vld [tilespmem:s13+$0x10];
	[tilespmem:v24+s30+$0x0] =	vst.idx.msk $0xffff, v28;
	v24 =	vadd.f32 v52, v17  }
0x1a7: {  	v21 =	vshll.u32 v21, v1;
	v22 =	vbroadcast v22, $0x0;
	v29 =	vld [tilespmem:s13+$0x0];
	[tilespmem:v26+s30+$0x0] =	vst.idx.msk $0xffff, v27;
	v26 =	vadd.f32 v53, v18  }
0x1a8: {  	v23 =	vshrl.u32 v23, $0x3;
	v31 =	vld [tilespmem:s13+$0xFFFFFFE0];
	v20 =	vadd.s32 v6, v20;
	[tilespmem:v54+s30+$0x0] =	vst.idx.msk $0xffff, v24;
	v24 =	vadd.f32 v55, v17  }
0x1a9: {  	v23 =	vshll.u32 v23, v1;
	v21 =	vbroadcast v21, $0x0;
	v28 =	vld [tilespmem:s13+$0xFFFFFFF0];
	[tilespmem:v19+s30+$0x0] =	vst.idx.msk $0xffff, v26;
	v26 =	vadd.s32 v9, v22  }
0x1aa: {  	v25 =	vshrl.u32 v25, $0x3;
	v61 =	vbroadcast v23, $0x0;
	[tilespmem:v30+s30+$0x0] =	vst.idx.msk $0xffff, v24;
	v30 =	vadd.s32 v10, v22  }
0x1ab: {  	v58 =	vadd.s32 v8, v21;
	v60 =	vld [tilespmem:s13+$0x20];
	v27 =	vadd.s32 v7, v21;
	v21 =	vadd.f32 v56, v18  }
0x1ac: {  	v25 =	vshll.u32 v25, v1;
	v62 =	vadd.s32 v11, v61;
	v22 =	vadd.f32 v29, v17  }
0x1ad: {  	s19 =	simm.s32 $0x8;
	v24 =	vadd.f32 v31, v17;
	v31 =	vld [tilespmem:s13+$0x30];
	v29 =	vadd.f32 v59, v18;
	[tilespmem:v20+s30+$0x0] =	vst.idx.msk $0xffff, v21  }
0x1ae: {  	v38 =	vld [tilespmem:s13+$0x40];
	v57 =	vmov s19;
	s19 =	simm.s32 $0xA;
	v20 =	vadd.f32 v28, v18;
	v28 =	vbroadcast v25, $0x0;
	[tilespmem:v26+s30+$0x0] =	vst.idx.msk $0xffff, v22  }
0x1af: {  	s20 =	simm.s32 $0x9;
	v23 =	vmov s19;
	v25 =	vadd.s32 v12, v61;
	[tilespmem:v30+s30+$0x0] =	vst.idx.msk $0xffff, v29;
	v29 =	vld [tilespmem:s13+$0x50]  }
0x1b0: {  	v63 =	vadd.f32 v60, v17;
	v19 =	vmov s20;
	s20 =	simm.s32 $0xB;
	[tilespmem:v27+s30+$0x0] =	vst.idx.msk $0xffff, v24;
	v22 =	vadd.s32 v13, v28  }
0x1b1: {  	s19 =	simm.s32 $0xC;
	v21 =	vshrl.u32 v57, $0x3;
	v24 =	vmov s20;
	s20 =	simm.s32 $0xD;
	[tilespmem:v58+s30+$0x0] =	vst.idx.msk $0xffff, v20;
	v20 =	vadd.s32 v14, v28  }
0x1b2: {  	v27 =	vmov s19;
	s19 =	simm.s32 $0xE;
	v26 =	vmov s20;
	s20 =	simm.s32 $0xF;
	v31 =	vadd.f32 v31, v18  }
0x1b3: {  	s18 =	simm.s32 $0x10;
	[tilespmem:v62+s30+$0x0] =	vst.idx.msk $0xffff, v63;
	v28 =	vmov s19;
	v32 =	vmov s20;
	v30 =	vadd.f32 v38, v17  }
.LBB2_7:
0x1b4: {  	p2 =	slt.u32 s18, $0x78;
	v21 =	vshll.u32 v21, v1;
	v32 =	vshrl.u32 v32, $0x3;
	[tilespmem:v25+s30+$0x0] =	vst.idx.msk $0xffff, v31;
	v25 =	vadd.f32 v29, v18  }
0x1b5: {  	v19 =	vshrl.u32 v19, $0x3;
	v23 =	vshrl.u32 v23, $0x3;
	s13 =	sadd.s32 $0x100, s13;
	v29 =	vshll.u32 v32, v1;
	[tilespmem:v22+s30+$0x0] =	vst.idx.msk $0xffff, v30  }
0x1b6: {  	v22 =	vshrl.u32 v24, $0x3;
	v24 =	vshrl.u32 v27, $0x3;
	v27 =	vld [tilespmem:s13+$0x60];
	v29 =	vbroadcast v29, $0x0;
	[tilespmem:v20+s30+$0x0] =	vst.idx.msk $0xffff, v25  }
0x1b7: {  	v20 =	vbroadcast v21, $0x0;
	v21 =	vshrl.u32 v26, $0x3;
	v25 =	vshrl.u32 v28, $0x3;
	v26 =	vld [tilespmem:s13+$0x70]  }
0x1b8: {  	v19 =	vshll.u32 v19, v1;
	v23 =	vshll.u32 v23, v1;
	v28 =	vld [tilespmem:s13+$0xFFFFFF80];
	v30 =	vadd.s32 v15, v29  }
0x1b9: {  	v22 =	vshll.u32 v22, v1;
	v24 =	vshll.u32 v24, v1;
	v29 =	vadd.s32 v16, v29;
	v31 =	vld [tilespmem:s13+$0xFFFFFF90]  }
0x1ba: {  	v19 =	vbroadcast v19, $0x0;
	v21 =	vshll.u32 v21, v1;
	v32 =	vadd.s32 v0, v20;
	v33 =	vld [tilespmem:s13+$0xFFFFFFA0]  }
0x1bb: {  	v25 =	vshll.u32 v25, v1;
	v20 =	vadd.s32 v2, v20;
	v34 =	vld [tilespmem:s13+$0xFFFFFFB0];
	v27 =	vadd.f32 v27, v17  }
0x1bc: {  	v23 =	vbroadcast v23, $0x0;
	v35 =	vadd.s32 v3, v19;
	v36 =	vld [tilespmem:s13+$0xFFFFFFC0];
	v26 =	vadd.f32 v26, v18  }
0x1bd: {  	v19 =	vadd.s32 v4, v19;
	v28 =	vadd.f32 v28, v17;
	v37 =	vld [tilespmem:s13+$0xFFFFFFD0];
	[tilespmem:v30+s30+$0x0] =	vst.idx.msk $0xffff, v27  }
0x1be: {  	v22 =	vbroadcast v22, $0x0;
	v30 =	vadd.s32 v5, v23;
	v27 =	vadd.f32 v31, v18;
	v31 =	vld [tilespmem:s13+$0xFFFFFFE0];
	[tilespmem:v29+s30+$0x0] =	vst.idx.msk $0xffff, v26  }
0x1bf: {  	v23 =	vadd.s32 v6, v23;
	[tilespmem:v32+s30+$0x0] =	vst.idx.msk $0xffff, v28;
	v26 =	vadd.f32 v33, v17;
	v28 =	vld [tilespmem:s13+$0xFFFFFFF0]  }
0x1c0: {  	v24 =	vbroadcast v24, $0x0;
	[tilespmem:v20+s30+$0x0] =	vst.idx.msk $0xffff, v27;
	v20 =	vadd.f32 v34, v18;
	v27 =	vadd.s32 v7, v22;
	v29 =	vld [tilespmem:s13+$0x0]  }
0x1c1: {  	v32 =	vmov s18;
	v22 =	vadd.s32 v8, v22;
	[tilespmem:v35+s30+$0x0] =	vst.idx.msk $0xffff, v26;
	v26 =	vadd.f32 v36, v17;
	v33 =	vld [tilespmem:s13+$0x10]  }
0x1c2: {  	v35 =	vbroadcast v21, $0x0;
	[tilespmem:v19+s30+$0x0] =	vst.idx.msk $0xffff, v20;
	v19 =	vadd.f32 v37, v18;
	v20 =	vadd.s32 v9, v24;
	v34 =	vld [tilespmem:s13+$0x20]  }
0x1c3: {  	v21 =	vshrl.u32 v32, $0x3;
	[tilespmem:v30+s30+$0x0] =	vst.idx.msk $0xffff, v26;
	v26 =	vadd.f32 v31, v17;
	v30 =	vadd.s32 v10, v24;
	v31 =	vld [tilespmem:s13+$0x30]  }
0x1c4: {  	s19 =	sadd.s32 $0x1, s18;
	v36 =	vadd.s32 v11, v35;
	[tilespmem:v23+s30+$0x0] =	vst.idx.msk $0xffff, v19;
	v24 =	vadd.f32 v28, v18;
	v37 =	vld [tilespmem:s13+$0x40];
	v28 =	vbroadcast v25, $0x0  }
.Ltmp4:
0x1c5: {  	v19 =	vmov s19;
	s19 =	sadd.s32 $0x2, s18;
	v25 =	vadd.s32 v12, v35;
	[tilespmem:v27+s30+$0x0] =	vst.idx.msk $0xffff, v26;
	v26 =	vadd.f32 v29, v17;
	v29 =	vld [tilespmem:s13+$0x50];
	(pc) =	sbr.rel @p2 .LBB2_7-.Ltmp4, $4  }
0x1c6: {  	v23 =	vmov s19;
	s19 =	sadd.s32 $0x3, s18;
	[tilespmem:v22+s30+$0x0] =	vst.idx.msk $0xffff, v24;
	v32 =	vadd.f32 v33, v18;
	v22 =	vadd.s32 v13, v28  }
0x1c7: {  	s20 =	sadd.s32 $0x5, s18;
	v24 =	vmov s19;
	s19 =	sadd.s32 $0x4, s18;
	[tilespmem:v20+s30+$0x0] =	vst.idx.msk $0xffff, v26;
	v33 =	vadd.f32 v34, v17;
	v20 =	vadd.s32 v14, v28  }
0x1c8: {  	v27 =	vmov s19;
	v26 =	vmov s20;
	s19 =	sadd.s32 $0x6, s18;
	s20 =	sadd.s32 $0x7, s18;
	[tilespmem:v30+s30+$0x0] =	vst.idx.msk $0xffff, v32;
	v31 =	vadd.f32 v31, v18  }
0x1c9: {  	s18 =	sadd.s32 $0x8, s18;
	v28 =	vmov s19;
	v32 =	vmov s20;
	[tilespmem:v36+s30+$0x0] =	vst.idx.msk $0xffff, v33;
	v30 =	vadd.f32 v37, v17  }
0x1ca: {  	_ =	sdelay $0x1  }
0x1cb: {  	v21 =	vshll.u32 v21, v1;
	v32 =	vshrl.u32 v32, $0x3;
	v29 =	vadd.f32 v29, v18  }
0x1cc: {  	v19 =	vshrl.u32 v19, $0x3;
	v23 =	vshrl.u32 v23, $0x3;
	s13 =	sadd.s32 $0x100, s13;
	v24 =	vshrl.u32 v24, $0x3  }
0x1cd: {  	v27 =	vshrl.u32 v27, $0x3;
	[tilespmem:v25+s30+$0x0] =	vst.idx.msk $0xffff, v31;
	v32 =	vshll.u32 v32, v1;
	v21 =	vbroadcast v21, $0x0;
	v31 =	vld [tilespmem:s13+$0xFFFFFF80]  }
0x1ce: {  	v25 =	vshrl.u32 v26, $0x3;
	v33 =	vld [tilespmem:s13+$0x60];
	v19 =	vshll.u32 v19, v1;
	v32 =	vbroadcast v32, $0x0  }
0x1cf: {  	v26 =	vshrl.u32 v28, $0x3;
	v28 =	vld [tilespmem:s13+$0x70];
	v23 =	vshll.u32 v23, v1;
	[tilespmem:v22+s30+$0x0] =	vst.idx.msk $0xffff, v30;
	v22 =	vadd.s32 v0, v21  }
0x1d0: {  	v35 =	vld [tilespmem:s13+$0xFFFFFF90];
	v24 =	vshll.u32 v24, v1;
	v27 =	vshll.u32 v27, v1;
	v34 =	vadd.s32 v15, v32  }
0x1d1: {  	v30 =	vld [tilespmem:s13+$0xFFFFFFA0];
	v25 =	vshll.u32 v25, v1;
	v19 =	vbroadcast v19, $0x0;
	v32 =	vadd.s32 v16, v32  }
0x1d2: {  	v36 =	vld [tilespmem:s13+$0xFFFFFFB0];
	v26 =	vshll.u32 v26, v1;
	v21 =	vadd.s32 v2, v21;
	v31 =	vadd.f32 v31, v17  }
0x1d3: {  	[tilespmem:v20+s30+$0x0] =	vst.idx.msk $0xffff, v29;
	v29 =	vld [tilespmem:s13+$0xFFFFFFC0];
	v23 =	vbroadcast v23, $0x0;
	v20 =	vadd.s32 v3, v19;
	v33 =	vadd.f32 v33, v17  }
0x1d4: {  	v37 =	vld [tilespmem:s13+$0xFFFFFFD0];
	v19 =	vadd.s32 v4, v19;
	v28 =	vadd.f32 v28, v18;
	[tilespmem:v22+s30+$0x0] =	vst.idx.msk $0xffff, v31  }
0x1d5: {  	v49 =	vld [tilespmem:s13+$0xFFFFFFE0];
	v24 =	vbroadcast v24, $0x0;
	v48 =	vadd.s32 v5, v23;
	v47 =	vadd.f32 v35, v18;
	[tilespmem:v34+s30+$0x0] =	vst.idx.msk $0xffff, v33  }
0x1d6: {  	v23 =	vadd.s32 v6, v23;
	v22 =	vadd.f32 v30, v17;
	[tilespmem:v32+s30+$0x0] =	vst.idx.msk $0xffff, v28;
	v28 =	vld [tilespmem:s13+$0xFFFFFFF0]  }
0x1d7: {  	v27 =	vbroadcast v27, $0x0;
	v30 =	vadd.s32 v7, v24;
	v31 =	vld [tilespmem:s13+$0x0];
	[tilespmem:v21+s30+$0x0] =	vst.idx.msk $0xffff, v47;
	v21 =	vadd.f32 v36, v18  }
0x1d8: {  	[tilespmem:v20+s30+$0x0] =	vst.idx.msk $0xffff, v22;
	v20 =	vadd.f32 v29, v17;
	v22 =	vadd.s32 v8, v24;
	v24 =	vld [tilespmem:s13+$0x10]  }
0x1d9: {  	v25 =	vbroadcast v25, $0x0;
	v29 =	vld [tilespmem:s13+$0x20];
	[tilespmem:v19+s30+$0x0] =	vst.idx.msk $0xffff, v21;
	v19 =	vadd.f32 v37, v18;
	v21 =	vadd.s32 v9, v27  }
0x1da: {  	v50 =	vld [tilespmem:s13+$0x30];
	v27 =	vadd.s32 v10, v27;
	[tilespmem:v48+s30+$0x0] =	vst.idx.msk $0xffff, v20;
	v20 =	vadd.f32 v49, v17  }
0x1db: {  	v26 =	vbroadcast v26, $0x0;
	[tilespmem:v23+s30+$0x0] =	vst.idx.msk $0xffff, v19;
	v23 =	vadd.s32 v11, v25;
	v19 =	vadd.f32 v28, v18;
	v28 =	vld [tilespmem:s13+$0x40]  }
0x1dc: {  	v25 =	vadd.s32 v12, v25;
	[tilespmem:v30+s30+$0x0] =	vst.idx.msk $0xffff, v20;
	v20 =	vadd.f32 v31, v17;
	v30 =	vld [tilespmem:s13+$0x50]  }
0x1dd: {  	[tilespmem:v22+s30+$0x0] =	vst.idx.msk $0xffff, v19;
	v19 =	vadd.f32 v24, v18;
	v22 =	vadd.s32 v13, v26  }
0x1de: {  	[tilespmem:v21+s30+$0x0] =	vst.idx.msk $0xffff, v20;
	v20 =	vadd.f32 v29, v17;
	v21 =	vadd.s32 v14, v26  }
0x1df: {  	[tilespmem:v27+s30+$0x0] =	vst.idx.msk $0xffff, v19;
	v19 =	vadd.f32 v50, v18  }
0x1e0: {  	s12 =	sshll.u32 s12, $0x11;
	[tilespmem:v23+s30+$0x0] =	vst.idx.msk $0xffff, v20;
	v17 =	vadd.f32 v28, v17  }
0x1e1: {  	s12 =	sor.u32 s5, s12;
	v18 =	vadd.f32 v30, v18;
	[tilespmem:v25+s30+$0x0] =	vst.idx.msk $0xffff, v19  }
0x1e2: {  	s12 =	sshrl.u32 s12, $0x3;
	[tilespmem:v22+s30+$0x0] =	vst.idx.msk $0xffff, v17  }
0x1e3: {  	s13 =	sadd.s32 s1, s12;
	[tilespmem:v21+s30+$0x0] =	vst.idx.msk $0xffff, v18  }
0x1e4: {  	[hbm4b:s13+s3] =	stream.linear.scatter [tilespmem:s30], [sflag:$0x7], $0x80, $0x38;
	[tilespmem:$0x10100] =	vst v63  }
0x1e5: {  	s19 =	simm.s32 $0xDF88;
	s18 =	sadd.s32 $0x10, s13  }
0x1e6: {  	[hbm4b:s18+s3] =	stream.linear.scatter [tilespmem:s19], [sflag:$0x7], $0x80, $0x38;
	[tilespmem:$0x10100] =	vst v63  }
0x1e7: {  	s20 =	simm.s32 $0xE010;
	s19 =	sadd.s32 $0x20, s13  }
0x1e8: {  	[hbm4b:s19+s3] =	stream.linear.scatter [tilespmem:s20], [sflag:$0x7], $0x80, $0x38;
	[tilespmem:$0x10100] =	vst v63  }
0x1e9: {  	s19 =	sadd.s32 $0x30, s13;
	s20 =	simm.s32 $0xE098  }
0x1ea: {  	[hbm4b:s19+s3] =	stream.linear.scatter [tilespmem:s20], [sflag:$0x7], $0x80, $0x38;
	[tilespmem:$0x10100] =	vst v63  }
0x1eb: {  	s19 =	sadd.s32 $0x40, s13;
	s20 =	simm.s32 $0xE120  }
0x1ec: {  	[hbm4b:s19+s3] =	stream.linear.scatter [tilespmem:s20], [sflag:$0x7], $0x80, $0x38;
	[tilespmem:$0x10100] =	vst v63  }
0x1ed: {  	s19 =	sadd.s32 $0x50, s13;
	s20 =	simm.s32 $0xE1A8  }
0x1ee: {  	[hbm4b:s19+s3] =	stream.linear.scatter [tilespmem:s20], [sflag:$0x7], $0x80, $0x38;
	[tilespmem:$0x10100] =	vst v63  }
0x1ef: {  	s19 =	sadd.s32 $0x60, s13;
	s20 =	simm.s32 $0xE230  }
0x1f0: {  	[hbm4b:s19+s3] =	stream.linear.scatter [tilespmem:s20], [sflag:$0x7], $0x80, $0x38;
	[tilespmem:$0x10100] =	vst v63  }
0x1f1: {  	s13 =	sadd.s32 $0x70, s13;
	s19 =	simm.s32 $0xE2B8  }
0x1f2: {  	[hbm4b:s13+s3] =	stream.linear.scatter [tilespmem:s19], [sflag:$0x7], $0x80, $0x38;
	[tilespmem:$0x10100] =	vst v63  }
0x1f3: {  	s20 =	simm.s32 $0xE340;
	s13 =	sadd.s32 s12, s8  }
0x1f4: {  	[hbm4b:s13+s3] =	stream.linear.scatter [tilespmem:s20], [sflag:$0x7], $0x80, $0x38;
	[tilespmem:$0x10100] =	vst v63  }
0x1f5: {  	s19 =	sadd.s32 $0x10, s13;
	s20 =	simm.s32 $0xE3C8  }
0x1f6: {  	[hbm4b:s19+s3] =	stream.linear.scatter [tilespmem:s20], [sflag:$0x7], $0x80, $0x38;
	[tilespmem:$0x10100] =	vst v63  }
0x1f7: {  	s19 =	sadd.s32 $0x20, s13;
	s20 =	simm.s32 $0xE450  }
0x1f8: {  	[hbm4b:s19+s3] =	stream.linear.scatter [tilespmem:s20], [sflag:$0x7], $0x80, $0x38;
	[tilespmem:$0x10100] =	vst v63  }
0x1f9: {  	s19 =	sadd.s32 $0x30, s13;
	s20 =	simm.s32 $0xE4D8  }
0x1fa: {  	[hbm4b:s19+s3] =	stream.linear.scatter [tilespmem:s20], [sflag:$0x7], $0x80, $0x38;
	[tilespmem:$0x10100] =	vst v63  }
0x1fb: {  	s19 =	sadd.s32 $0x40, s13;
	s20 =	simm.s32 $0xE560  }
0x1fc: {  	[hbm4b:s19+s3] =	stream.linear.scatter [tilespmem:s20], [sflag:$0x7], $0x80, $0x38;
	[tilespmem:$0x10100] =	vst v63  }
0x1fd: {  	s19 =	sadd.s32 $0x50, s13;
	s20 =	simm.s32 $0xE5E8  }
0x1fe: {  	[hbm4b:s19+s3] =	stream.linear.scatter [tilespmem:s20], [sflag:$0x7], $0x80, $0x38;
	[tilespmem:$0x10100] =	vst v63  }
0x1ff: {  	s19 =	sadd.s32 $0x60, s13;
	s20 =	simm.s32 $0xE670  }
0x200: {  	[hbm4b:s19+s3] =	stream.linear.scatter [tilespmem:s20], [sflag:$0x7], $0x80, $0x38;
	[tilespmem:$0x10100] =	vst v63  }
0x201: {  	s13 =	sadd.s32 $0x70, s13;
	s19 =	simm.s32 $0xE6F8  }
0x202: {  	[hbm4b:s13+s3] =	stream.linear.scatter [tilespmem:s19], [sflag:$0x7], $0x80, $0x38;
	[tilespmem:$0x10100] =	vst v63  }
0x203: {  	s20 =	simm.s32 $0xE780;
	s13 =	sadd.s32 s12, s9  }
0x204: {  	[hbm4b:s13+s3] =	stream.linear.scatter [tilespmem:s20], [sflag:$0x7], $0x80, $0x38;
	[tilespmem:$0x10100] =	vst v63  }
0x205: {  	s19 =	sadd.s32 $0x10, s13;
	s20 =	simm.s32 $0xE808  }
0x206: {  	[hbm4b:s19+s3] =	stream.linear.scatter [tilespmem:s20], [sflag:$0x7], $0x80, $0x38;
	[tilespmem:$0x10100] =	vst v63  }
0x207: {  	s19 =	sadd.s32 $0x20, s13;
	s20 =	simm.s32 $0xE890  }
0x208: {  	[hbm4b:s19+s3] =	stream.linear.scatter [tilespmem:s20], [sflag:$0x7], $0x80, $0x38;
	[tilespmem:$0x10100] =	vst v63  }
0x209: {  	s19 =	sadd.s32 $0x30, s13;
	s20 =	simm.s32 $0xE918  }
0x20a: {  	[hbm4b:s19+s3] =	stream.linear.scatter [tilespmem:s20], [sflag:$0x7], $0x80, $0x38;
	[tilespmem:$0x10100] =	vst v63  }
0x20b: {  	s19 =	sadd.s32 $0x40, s13;
	s20 =	simm.s32 $0xE9A0  }
0x20c: {  	[hbm4b:s19+s3] =	stream.linear.scatter [tilespmem:s20], [sflag:$0x7], $0x80, $0x38;
	[tilespmem:$0x10100] =	vst v63  }
0x20d: {  	s19 =	sadd.s32 $0x50, s13;
	s20 =	simm.s32 $0xEA28  }
0x20e: {  	[hbm4b:s19+s3] =	stream.linear.scatter [tilespmem:s20], [sflag:$0x7], $0x80, $0x38;
	[tilespmem:$0x10100] =	vst v63  }
0x20f: {  	s19 =	sadd.s32 $0x60, s13;
	s20 =	simm.s32 $0xEAB0  }
0x210: {  	[hbm4b:s19+s3] =	stream.linear.scatter [tilespmem:s20], [sflag:$0x7], $0x80, $0x38;
	[tilespmem:$0x10100] =	vst v63  }
0x211: {  	s13 =	sadd.s32 $0x70, s13;
	s20 =	simm.s32 $0xEB38  }
0x212: {  	[hbm4b:s13+s3] =	stream.linear.scatter [tilespmem:s20], [sflag:$0x7], $0x80, $0x38;
	[tilespmem:$0x10100] =	vst v63  }
0x213: {  	s18 =	simm.s32 $0xEBC0;
	s12 =	sadd.s32 s12, s10  }
0x214: {  	[hbm4b:s12+s3] =	stream.linear.scatter [tilespmem:s18], [sflag:$0x7], $0x80, $0x38;
	[tilespmem:$0x10100] =	vst v63  }
0x215: {  	s19 =	sadd.s32 $0x10, s12;
	s20 =	simm.s32 $0xEC48  }
0x216: {  	[hbm4b:s19+s3] =	stream.linear.scatter [tilespmem:s20], [sflag:$0x7], $0x80, $0x38;
	[tilespmem:$0x10100] =	vst v63  }
0x217: {  	s19 =	sadd.s32 $0x20, s12;
	s20 =	simm.s32 $0xECD0  }
0x218: {  	[hbm4b:s19+s3] =	stream.linear.scatter [tilespmem:s20], [sflag:$0x7], $0x80, $0x38;
	[tilespmem:$0x10100] =	vst v63  }
0x219: {  	s19 =	sadd.s32 $0x30, s12;
	s20 =	simm.s32 $0xED58  }
0x21a: {  	[hbm4b:s19+s3] =	stream.linear.scatter [tilespmem:s20], [sflag:$0x7], $0x80, $0x38;
	[tilespmem:$0x10100] =	vst v63  }
0x21b: {  	s19 =	sadd.s32 $0x40, s12;
	s20 =	simm.s32 $0xEDE0  }
0x21c: {  	[hbm4b:s19+s3] =	stream.linear.scatter [tilespmem:s20], [sflag:$0x7], $0x80, $0x38;
	[tilespmem:$0x10100] =	vst v63  }
0x21d: {  	s19 =	sadd.s32 $0x50, s12;
	s20 =	simm.s32 $0xEE68  }
0x21e: {  	[hbm4b:s19+s3] =	stream.linear.scatter [tilespmem:s20], [sflag:$0x7], $0x80, $0x38;
	[tilespmem:$0x10100] =	vst v63  }
0x21f: {  	s19 =	sadd.s32 $0x60, s12;
	s20 =	simm.s32 $0xEEF0  }
0x220: {  	[hbm4b:s19+s3] =	stream.linear.scatter [tilespmem:s20], [sflag:$0x7], $0x80, $0x38;
	[tilespmem:$0x10100] =	vst v63  }
0x221: {  	s2 =	sadd.s32 @!p1 $0x300, s2;
	s18 =	simm.s32 $0xEF78;
	s12 =	sadd.s32 $0x70, s12  }
0x222: {  	[hbm4b:s12+s3] =	stream.linear.scatter [tilespmem:s18], [sflag:$0x7], $0x80, $0x38;
	[tilespmem:$0x10100] =	vst v63  }
0x223: {  	s2 =	sand.u32 @!p1 $0xFF00, s2;
	s13 =	simm.s32 @!p1 $0x9D00;
	s12 =	simm.s32 @!p1 $0x80  }
0x224: {  	[tilespmem:s13], [sflag:$0x3] =	stream.indirect.gather @!p1 [hbm4b:s4+s12], $0x20, s2, s12, $0xb8;
	[tilespmem:$0x10100] =	vst v63  }
0x225: {  	_ =	swait.ge [sflag:s25], $0x1000  }
0x226: {  	[sflag:s25] =	ssyncset.done $0x0  }
0x227: {  	s12 =	simm.s32 @!p0 $0x8;
	[sflag:s25] =	ssyncadd.s32 $0xFFFFF000  }
0x228: {  	_ =	swait.ge @!p0 [sflag:s12], $0x400  }
0x229: {  	[sflag:s12] =	ssyncset.done @!p0 $0x0  }
0x22a: {  	[sflag:s12] =	ssyncadd.s32 @!p0 $0xFFFFFC00  }
0x22b: {  	_ =	swait.ge @!p0 [sflag:s12], $0x400  }
0x22c: {  	[sflag:s12] =	ssyncset.done @!p0 $0x0  }
0x22d: {  	[sflag:s12] =	ssyncadd.s32 @!p0 $0xFFFFFC00  }
0x22e: {  	_ =	swait.ge @!p0 [sflag:s12], $0x400  }
0x22f: {  	s19 =	simm.s32 $0x0;
	s20 =	simm.s32 $0x1;
	[sflag:s12] =	ssyncset.done @!p0 $0x0  }
0x230: {  	v17 =	vmov s19;
	v19 =	vmov s20;
	s20 =	simm.s32 $0x3;
	s19 =	simm.s32 $0x4;
	[sflag:s12] =	ssyncadd.s32 @!p0 $0xFFFFFC00  }
0x231: {  	v21 =	vmov s20;
	s20 =	simm.s32 $0x5;
	s2 =	sor.u32 $0x3, s0;
	_ =	swait.ge @!p0 [sflag:s12], $0x400  }
0x232: {  	v22 =	vmov s19;
	s19 =	simm.s32 $0x7;
	s13 =	sshll.u32 s2, $0x5;
	[sflag:s12] =	ssyncset.done @!p0 $0x0  }
0x233: {  	v23 =	vmov s20;
	v24 =	vmov s19;
	s20 =	sand.u32 $0x3FFFFFE0, s13;
	[sflag:s12] =	ssyncadd.s32 @!p0 $0xFFFFFC00  }
0x234: {  	v18 =	vshrl.u32 v17, $0x3;
	v24 =	vshrl.u32 v24, $0x3;
	v17 =	vld [tilespmem:s20+$0x6400]  }
0x235: {  	v26 =	vshll.u32 v18, v1;
	v24 =	vshll.u32 v24, v1;
	s12 =	simm.s32 $0xAD80;
	v18 =	vld [tilespmem:s20+$0x6410]  }
0x236: {  	v24 =	vbroadcast v24, $0x0;
	v27 =	vld [tilespmem:s12+$0x60]  }
0x237: {  	v26 =	vbroadcast v26, $0x0;
	v29 =	vld [tilespmem:s12+$0xFFFFFF80]  }
0x238: {  	s18 =	simm.s32 $0x2;
	v19 =	vshrl.u32 v19, $0x3;
	v30 =	vadd.s32 v15, v24;
	v28 =	vld [tilespmem:s12+$0x70]  }
0x239: {  	v20 =	vmov s18;
	v19 =	vshll.u32 v19, v1;
	v51 =	vadd.s32 v0, v26;
	v31 =	vld [tilespmem:s12+$0xFFFFFF90]  }
0x23a: {  	v20 =	vshrl.u32 v20, $0x3;
	v19 =	vbroadcast v19, $0x0;
	v24 =	vadd.s32 v16, v24;
	v52 =	vld [tilespmem:s12+$0xFFFFFFA0]  }
0x23b: {  	v20 =	vshll.u32 v20, v1;
	v26 =	vadd.s32 v2, v26;
	v53 =	vld [tilespmem:s12+$0xFFFFFFB0];
	v27 =	vadd.f32 v27, v17  }
0x23c: {  	v54 =	vadd.s32 v3, v19;
	v20 =	vbroadcast v20, $0x0;
	v55 =	vld [tilespmem:s12+$0xFFFFFFC0];
	v29 =	vadd.f32 v29, v17  }
0x23d: {  	v19 =	vadd.s32 v4, v19;
	v28 =	vadd.f32 v28, v18;
	[tilespmem:v30+s26+$0x0] =	vst.idx.msk $0xffff, v27  }
0x23e: {  	v22 =	vshrl.u32 v22, $0x3;
	v56 =	vld [tilespmem:s12+$0xFFFFFFD0];
	v27 =	vadd.f32 v31, v18;
	v30 =	vadd.s32 v5, v20;
	[tilespmem:v51+s26+$0x0] =	vst.idx.msk $0xffff, v29  }
0x23f: {  	v21 =	vshrl.u32 v21, $0x3;
	v22 =	vshll.u32 v22, v1;
	v59 =	vld [tilespmem:s12+$0x10];
	[tilespmem:v24+s26+$0x0] =	vst.idx.msk $0xffff, v28;
	v24 =	vadd.f32 v52, v17  }
0x240: {  	s18 =	simm.s32 $0x6;
	v21 =	vshll.u32 v21, v1;
	v22 =	vbroadcast v22, $0x0;
	v29 =	vld [tilespmem:s12+$0x0];
	[tilespmem:v26+s26+$0x0] =	vst.idx.msk $0xffff, v27;
	v26 =	vadd.f32 v53, v18  }
0x241: {  	v25 =	vmov s18;
	v31 =	vld [tilespmem:s12+$0xFFFFFFE0];
	v20 =	vadd.s32 v6, v20;
	[tilespmem:v54+s26+$0x0] =	vst.idx.msk $0xffff, v24;
	v24 =	vadd.f32 v55, v17  }
0x242: {  	v23 =	vshrl.u32 v23, $0x3;
	v21 =	vbroadcast v21, $0x0;
	v28 =	vld [tilespmem:s12+$0xFFFFFFF0];
	[tilespmem:v19+s26+$0x0] =	vst.idx.msk $0xffff, v26;
	v26 =	vadd.s32 v9, v22  }
0x243: {  	v25 =	vshrl.u32 v25, $0x3;
	v23 =	vshll.u32 v23, v1;
	[tilespmem:v30+s26+$0x0] =	vst.idx.msk $0xffff, v24;
	v30 =	vadd.s32 v10, v22  }
0x244: {  	v58 =	vadd.s32 v8, v21;
	v60 =	vld [tilespmem:s12+$0x20];
	v27 =	vadd.s32 v7, v21;
	v21 =	vadd.f32 v56, v18  }
0x245: {  	v25 =	vshll.u32 v25, v1;
	v61 =	vbroadcast v23, $0x0;
	v22 =	vadd.f32 v29, v17  }
0x246: {  	v24 =	vadd.f32 v31, v17;
	v31 =	vld [tilespmem:s12+$0x30];
	v29 =	vadd.f32 v59, v18;
	[tilespmem:v20+s26+$0x0] =	vst.idx.msk $0xffff, v21  }
0x247: {  	s19 =	simm.s32 $0x8;
	s18 =	simm.s32 $0xA;
	v62 =	vadd.s32 v11, v61;
	v38 =	vld [tilespmem:s12+$0x40];
	v20 =	vadd.f32 v28, v18;
	v28 =	vbroadcast v25, $0x0;
	[tilespmem:v26+s26+$0x0] =	vst.idx.msk $0xffff, v22  }
0x248: {  	v57 =	vmov s19;
	v23 =	vmov s18;
	s20 =	simm.s32 $0x9;
	v25 =	vadd.s32 v12, v61;
	[tilespmem:v30+s26+$0x0] =	vst.idx.msk $0xffff, v29;
	v29 =	vld [tilespmem:s12+$0x50]  }
0x249: {  	v63 =	vadd.f32 v60, v17;
	v19 =	vmov s20;
	s20 =	simm.s32 $0xC;
	[tilespmem:v27+s26+$0x0] =	vst.idx.msk $0xffff, v24;
	v22 =	vadd.s32 v13, v28  }
0x24a: {  	s19 =	simm.s32 $0xB;
	v21 =	vshrl.u32 v57, $0x3;
	v27 =	vmov s20;
	s20 =	simm.s32 $0xF;
	[tilespmem:v58+s26+$0x0] =	vst.idx.msk $0xffff, v20;
	v20 =	vadd.s32 v14, v28  }
0x24b: {  	s18 =	simm.s32 $0xD;
	v24 =	vmov s19;
	s19 =	simm.s32 $0xE;
	v32 =	vmov s20;
	v31 =	vadd.f32 v31, v18  }
0x24c: {  	s13 =	simm.s32 $0x10;
	[tilespmem:v62+s26+$0x0] =	vst.idx.msk $0xffff, v63;
	v26 =	vmov s18;
	v28 =	vmov s19;
	v30 =	vadd.f32 v38, v17  }
.LBB2_9:
0x24d: {  	p0 =	slt.u32 s13, $0x78;
	v21 =	vshll.u32 v21, v1;
	v32 =	vshrl.u32 v32, $0x3;
	[tilespmem:v25+s26+$0x0] =	vst.idx.msk $0xffff, v31;
	v25 =	vadd.f32 v29, v18  }
0x24e: {  	v19 =	vshrl.u32 v19, $0x3;
	v23 =	vshrl.u32 v23, $0x3;
	s12 =	sadd.s32 $0x100, s12;
	v29 =	vshll.u32 v32, v1;
	[tilespmem:v22+s26+$0x0] =	vst.idx.msk $0xffff, v30  }
0x24f: {  	v22 =	vshrl.u32 v24, $0x3;
	v24 =	vshrl.u32 v27, $0x3;
	v27 =	vld [tilespmem:s12+$0x60];
	v29 =	vbroadcast v29, $0x0;
	[tilespmem:v20+s26+$0x0] =	vst.idx.msk $0xffff, v25  }
0x250: {  	v20 =	vbroadcast v21, $0x0;
	v21 =	vshrl.u32 v26, $0x3;
	v25 =	vshrl.u32 v28, $0x3;
	v26 =	vld [tilespmem:s12+$0x70]  }
0x251: {  	v19 =	vshll.u32 v19, v1;
	v23 =	vshll.u32 v23, v1;
	v28 =	vld [tilespmem:s12+$0xFFFFFF80];
	v30 =	vadd.s32 v15, v29  }
0x252: {  	v22 =	vshll.u32 v22, v1;
	v24 =	vshll.u32 v24, v1;
	v29 =	vadd.s32 v16, v29;
	v31 =	vld [tilespmem:s12+$0xFFFFFF90]  }
0x253: {  	v19 =	vbroadcast v19, $0x0;
	v21 =	vshll.u32 v21, v1;
	v32 =	vadd.s32 v0, v20;
	v33 =	vld [tilespmem:s12+$0xFFFFFFA0]  }
0x254: {  	v25 =	vshll.u32 v25, v1;
	v20 =	vadd.s32 v2, v20;
	v34 =	vld [tilespmem:s12+$0xFFFFFFB0];
	v27 =	vadd.f32 v27, v17  }
0x255: {  	v23 =	vbroadcast v23, $0x0;
	v35 =	vadd.s32 v3, v19;
	v36 =	vld [tilespmem:s12+$0xFFFFFFC0];
	v26 =	vadd.f32 v26, v18  }
0x256: {  	v19 =	vadd.s32 v4, v19;
	v28 =	vadd.f32 v28, v17;
	v37 =	vld [tilespmem:s12+$0xFFFFFFD0];
	[tilespmem:v30+s26+$0x0] =	vst.idx.msk $0xffff, v27  }
0x257: {  	v22 =	vbroadcast v22, $0x0;
	v30 =	vadd.s32 v5, v23;
	v27 =	vadd.f32 v31, v18;
	v31 =	vld [tilespmem:s12+$0xFFFFFFE0];
	[tilespmem:v29+s26+$0x0] =	vst.idx.msk $0xffff, v26  }
0x258: {  	v23 =	vadd.s32 v6, v23;
	[tilespmem:v32+s26+$0x0] =	vst.idx.msk $0xffff, v28;
	v26 =	vadd.f32 v33, v17;
	v28 =	vld [tilespmem:s12+$0xFFFFFFF0]  }
0x259: {  	v24 =	vbroadcast v24, $0x0;
	[tilespmem:v20+s26+$0x0] =	vst.idx.msk $0xffff, v27;
	v20 =	vadd.f32 v34, v18;
	v27 =	vadd.s32 v7, v22;
	v29 =	vld [tilespmem:s12+$0x0]  }
0x25a: {  	v32 =	vmov s13;
	v22 =	vadd.s32 v8, v22;
	[tilespmem:v35+s26+$0x0] =	vst.idx.msk $0xffff, v26;
	v26 =	vadd.f32 v36, v17;
	v33 =	vld [tilespmem:s12+$0x10]  }
0x25b: {  	v35 =	vbroadcast v21, $0x0;
	[tilespmem:v19+s26+$0x0] =	vst.idx.msk $0xffff, v20;
	v19 =	vadd.f32 v37, v18;
	v20 =	vadd.s32 v9, v24;
	v34 =	vld [tilespmem:s12+$0x20]  }
0x25c: {  	v21 =	vshrl.u32 v32, $0x3;
	[tilespmem:v30+s26+$0x0] =	vst.idx.msk $0xffff, v26;
	v26 =	vadd.f32 v31, v17;
	v30 =	vadd.s32 v10, v24;
	v31 =	vld [tilespmem:s12+$0x30]  }
0x25d: {  	s18 =	sadd.s32 $0x1, s13;
	v36 =	vadd.s32 v11, v35;
	[tilespmem:v23+s26+$0x0] =	vst.idx.msk $0xffff, v19;
	v24 =	vadd.f32 v28, v18;
	v37 =	vld [tilespmem:s12+$0x40];
	v28 =	vbroadcast v25, $0x0  }
.Ltmp5:
0x25e: {  	v19 =	vmov s18;
	s18 =	sadd.s32 $0x2, s13;
	v25 =	vadd.s32 v12, v35;
	[tilespmem:v27+s26+$0x0] =	vst.idx.msk $0xffff, v26;
	v26 =	vadd.f32 v29, v17;
	v29 =	vld [tilespmem:s12+$0x50];
	(pc) =	sbr.rel @p0 .LBB2_9-.Ltmp5, $4  }
0x25f: {  	v23 =	vmov s18;
	s18 =	sadd.s32 $0x3, s13;
	[tilespmem:v22+s26+$0x0] =	vst.idx.msk $0xffff, v24;
	v32 =	vadd.f32 v33, v18;
	v22 =	vadd.s32 v13, v28  }
0x260: {  	s19 =	sadd.s32 $0x5, s13;
	v24 =	vmov s18;
	s18 =	sadd.s32 $0x4, s13;
	[tilespmem:v20+s26+$0x0] =	vst.idx.msk $0xffff, v26;
	v33 =	vadd.f32 v34, v17;
	v20 =	vadd.s32 v14, v28  }
0x261: {  	v27 =	vmov s18;
	v26 =	vmov s19;
	s18 =	sadd.s32 $0x6, s13;
	s19 =	sadd.s32 $0x7, s13;
	[tilespmem:v30+s26+$0x0] =	vst.idx.msk $0xffff, v32;
	v31 =	vadd.f32 v31, v18  }
0x262: {  	s13 =	sadd.s32 $0x8, s13;
	v28 =	vmov s18;
	v32 =	vmov s19;
	[tilespmem:v36+s26+$0x0] =	vst.idx.msk $0xffff, v33;
	v30 =	vadd.f32 v37, v17  }
0x263: {  	v21 =	vshll.u32 v21, v1;
	v32 =	vshrl.u32 v32, $0x3  }
0x264: {  	v29 =	vadd.f32 v29, v18;
	v19 =	vshrl.u32 v19, $0x3;
	v23 =	vshrl.u32 v23, $0x3;
	s12 =	sadd.s32 $0x100, s12  }
0x265: {  	v24 =	vshrl.u32 v24, $0x3;
	v27 =	vshrl.u32 v27, $0x3;
	v58 =	vshrl.u32 v26, $0x3;
	v33 =	vld [tilespmem:s12+$0x60]  }
0x266: {  	v59 =	vshrl.u32 v28, $0x3;
	v32 =	vshll.u32 v32, v1;
	v21 =	vbroadcast v21, $0x0;
	v61 =	vld [tilespmem:s12+$0xFFFFFF80]  }
0x267: {  	v60 =	vld [tilespmem:s12+$0x70];
	v19 =	vshll.u32 v19, v1;
	v23 =	vshll.u32 v23, v1;
	v32 =	vbroadcast v32, $0x0  }
0x268: {  	v35 =	vld [tilespmem:s12+$0xFFFFFF90];
	v24 =	vshll.u32 v24, v1;
	v27 =	vshll.u32 v27, v1;
	v62 =	vadd.s32 v0, v21  }
0x269: {  	[tilespmem:v25+s26+$0x0] =	vst.idx.msk $0xffff, v31;
	v63 =	vld [tilespmem:s12+$0xFFFFFFA0];
	v25 =	vshll.u32 v58, v1;
	v19 =	vbroadcast v19, $0x0;
	v34 =	vadd.s32 v15, v32  }
0x26a: {  	v26 =	vshll.u32 v59, v1;
	v41 =	vld [tilespmem:s12+$0xFFFFFFC0];
	v23 =	vbroadcast v23, $0x0;
	v21 =	vadd.s32 v2, v21  }
0x26b: {  	[tilespmem:v22+s26+$0x0] =	vst.idx.msk $0xffff, v30;
	v44 =	vld [tilespmem:s12+$0xFFFFFFE0];
	v24 =	vbroadcast v24, $0x0;
	v40 =	vadd.s32 v3, v19;
	v31 =	vadd.f32 v61, v17  }
0x26c: {  	v36 =	vld [tilespmem:s12+$0xFFFFFFB0];
	[tilespmem:v20+s26+$0x0] =	vst.idx.msk $0xffff, v29;
	v43 =	vadd.s32 v5, v23;
	v33 =	vadd.f32 v33, v17  }
0x26d: {  	v49 =	vld [tilespmem:s12+$0x0];
	v27 =	vbroadcast v27, $0x0;
	v48 =	vadd.s32 v7, v24;
	v42 =	vadd.f32 v35, v18;
	[tilespmem:v62+s26+$0x0] =	vst.idx.msk $0xffff, v31  }
0x26e: {  	v37 =	vld [tilespmem:s12+$0xFFFFFFD0];
	v19 =	vadd.s32 v4, v19;
	v45 =	vadd.f32 v63, v17;
	[tilespmem:v34+s26+$0x0] =	vst.idx.msk $0xffff, v33  }
0x26f: {  	v53 =	vadd.s32 v9, v27;
	v50 =	vadd.f32 v41, v17;
	[tilespmem:v21+s26+$0x0] =	vst.idx.msk $0xffff, v42  }
0x270: {  	v46 =	vld [tilespmem:s12+$0xFFFFFFF0];
	v23 =	vadd.s32 v6, v23;
	v55 =	vadd.f32 v44, v17;
	[tilespmem:v40+s26+$0x0] =	vst.idx.msk $0xffff, v45  }
0x271: {  	v54 =	vld [tilespmem:s12+$0x20];
	v25 =	vbroadcast v25, $0x0;
	v32 =	vadd.s32 v16, v32;
	v47 =	vadd.f32 v36, v18;
	[tilespmem:v43+s26+$0x0] =	vst.idx.msk $0xffff, v50  }
0x272: {  	v52 =	vld [tilespmem:s12+$0x10];
	v51 =	vadd.s32 v8, v24;
	v59 =	vadd.f32 v49, v17;
	[tilespmem:v48+s26+$0x0] =	vst.idx.msk $0xffff, v55  }
0x273: {  	v58 =	vld [tilespmem:s12+$0x40];
	v26 =	vbroadcast v26, $0x0;
	v57 =	vadd.s32 v11, v25;
	[tilespmem:v19+s26+$0x0] =	vst.idx.msk $0xffff, v47;
	v19 =	vadd.f32 v37, v18  }
0x274: {  	v56 =	vld [tilespmem:s12+$0x30];
	v27 =	vadd.s32 v10, v27;
	v28 =	vadd.f32 v60, v18;
	[tilespmem:v53+s26+$0x0] =	vst.idx.msk $0xffff, v59  }
0x275: {  	v60 =	vld [tilespmem:s12+$0x50];
	v61 =	vadd.s32 v13, v26;
	[tilespmem:v23+s26+$0x0] =	vst.idx.msk $0xffff, v19;
	v19 =	vadd.f32 v46, v18  }
0x276: {  	v25 =	vadd.s32 v12, v25;
	v62 =	vadd.f32 v54, v17;
	[tilespmem:v32+s26+$0x0] =	vst.idx.msk $0xffff, v28  }
0x277: {  	v63 =	vadd.s32 v14, v26;
	[tilespmem:v51+s26+$0x0] =	vst.idx.msk $0xffff, v19;
	v19 =	vadd.f32 v52, v18  }
0x278: {  	v17 =	vadd.f32 v58, v17;
	[tilespmem:v57+s26+$0x0] =	vst.idx.msk $0xffff, v62  }
0x279: {  	s2 =	sshll.u32 s2, $0x11;
	[tilespmem:v27+s26+$0x0] =	vst.idx.msk $0xffff, v19;
	v19 =	vadd.f32 v56, v18  }
0x27a: {  	s2 =	sor.u32 s5, s2;
	[tilespmem:v61+s26+$0x0] =	vst.idx.msk $0xffff, v17;
	v18 =	vadd.f32 v60, v18  }
0x27b: {  	s2 =	sshrl.u32 s2, $0x3;
	[tilespmem:v25+s26+$0x0] =	vst.idx.msk $0xffff, v19  }
0x27c: {  	s12 =	sadd.s32 s1, s2;
	[tilespmem:v63+s26+$0x0] =	vst.idx.msk $0xffff, v18  }
0x27d: {  	[hbm4b:s12+s3] =	stream.linear.scatter [tilespmem:s26], [sflag:$0x8], $0x80, $0x38;
	[tilespmem:$0x10100] =	vst v63  }
0x27e: {  	s18 =	simm.s32 $0xF088;
	s13 =	sadd.s32 $0x10, s12  }
0x27f: {  	[hbm4b:s13+s3] =	stream.linear.scatter [tilespmem:s18], [sflag:$0x8], $0x80, $0x38;
	[tilespmem:$0x10100] =	vst v63  }
0x280: {  	s20 =	simm.s32 $0xF110;
	s19 =	sadd.s32 $0x20, s12  }
0x281: {  	[hbm4b:s19+s3] =	stream.linear.scatter [tilespmem:s20], [sflag:$0x8], $0x80, $0x38;
	[tilespmem:$0x10100] =	vst v63  }
0x282: {  	s19 =	sadd.s32 $0x30, s12;
	s20 =	simm.s32 $0xF198  }
0x283: {  	[hbm4b:s19+s3] =	stream.linear.scatter [tilespmem:s20], [sflag:$0x8], $0x80, $0x38;
	[tilespmem:$0x10100] =	vst v63  }
0x284: {  	s19 =	sadd.s32 $0x40, s12;
	s20 =	simm.s32 $0xF220  }
0x285: {  	[hbm4b:s19+s3] =	stream.linear.scatter [tilespmem:s20], [sflag:$0x8], $0x80, $0x38;
	[tilespmem:$0x10100] =	vst v63  }
0x286: {  	s19 =	sadd.s32 $0x50, s12;
	s20 =	simm.s32 $0xF2A8  }
0x287: {  	[hbm4b:s19+s3] =	stream.linear.scatter [tilespmem:s20], [sflag:$0x8], $0x80, $0x38;
	[tilespmem:$0x10100] =	vst v63  }
0x288: {  	s18 =	sadd.s32 $0x60, s12;
	s19 =	simm.s32 $0xF330  }
0x289: {  	[hbm4b:s18+s3] =	stream.linear.scatter [tilespmem:s19], [sflag:$0x8], $0x80, $0x38;
	[tilespmem:$0x10100] =	vst v63  }
0x28a: {  	s12 =	sadd.s32 $0x70, s12;
	s20 =	simm.s32 $0xF3B8  }
0x28b: {  	[hbm4b:s12+s3] =	stream.linear.scatter [tilespmem:s20], [sflag:$0x8], $0x80, $0x38;
	[tilespmem:$0x10100] =	vst v63  }
0x28c: {  	s18 =	simm.s32 $0xF440;
	s12 =	sadd.s32 s2, s8  }
0x28d: {  	[hbm4b:s12+s3] =	stream.linear.scatter [tilespmem:s18], [sflag:$0x8], $0x80, $0x38;
	[tilespmem:$0x10100] =	vst v63  }
0x28e: {  	s20 =	simm.s32 $0xF4C8;
	s19 =	sadd.s32 $0x10, s12  }
0x28f: {  	[hbm4b:s19+s3] =	stream.linear.scatter [tilespmem:s20], [sflag:$0x8], $0x80, $0x38;
	[tilespmem:$0x10100] =	vst v63  }
0x290: {  	s19 =	sadd.s32 $0x20, s12;
	s20 =	simm.s32 $0xF550  }
0x291: {  	[hbm4b:s19+s3] =	stream.linear.scatter [tilespmem:s20], [sflag:$0x8], $0x80, $0x38;
	[tilespmem:$0x10100] =	vst v63  }
0x292: {  	s19 =	sadd.s32 $0x30, s12;
	s20 =	simm.s32 $0xF5D8  }
0x293: {  	[hbm4b:s19+s3] =	stream.linear.scatter [tilespmem:s20], [sflag:$0x8], $0x80, $0x38;
	[tilespmem:$0x10100] =	vst v63  }
0x294: {  	s19 =	sadd.s32 $0x40, s12;
	s20 =	simm.s32 $0xF660  }
0x295: {  	[hbm4b:s19+s3] =	stream.linear.scatter [tilespmem:s20], [sflag:$0x8], $0x80, $0x38;
	[tilespmem:$0x10100] =	vst v63  }
0x296: {  	s19 =	sadd.s32 $0x50, s12;
	s20 =	simm.s32 $0xF6E8  }
0x297: {  	[hbm4b:s19+s3] =	stream.linear.scatter [tilespmem:s20], [sflag:$0x8], $0x80, $0x38;
	[tilespmem:$0x10100] =	vst v63  }
0x298: {  	s18 =	sadd.s32 $0x60, s12;
	s19 =	simm.s32 $0xF770  }
0x299: {  	[hbm4b:s18+s3] =	stream.linear.scatter [tilespmem:s19], [sflag:$0x8], $0x80, $0x38;
	[tilespmem:$0x10100] =	vst v63  }
0x29a: {  	s12 =	sadd.s32 $0x70, s12;
	s20 =	simm.s32 $0xF7F8  }
0x29b: {  	[hbm4b:s12+s3] =	stream.linear.scatter [tilespmem:s20], [sflag:$0x8], $0x80, $0x38;
	[tilespmem:$0x10100] =	vst v63  }
0x29c: {  	s18 =	simm.s32 $0xF880;
	s12 =	sadd.s32 s2, s9  }
0x29d: {  	[hbm4b:s12+s3] =	stream.linear.scatter [tilespmem:s18], [sflag:$0x8], $0x80, $0x38;
	[tilespmem:$0x10100] =	vst v63  }
0x29e: {  	s20 =	simm.s32 $0xF908;
	s19 =	sadd.s32 $0x10, s12  }
0x29f: {  	[hbm4b:s19+s3] =	stream.linear.scatter [tilespmem:s20], [sflag:$0x8], $0x80, $0x38;
	[tilespmem:$0x10100] =	vst v63  }
0x2a0: {  	s19 =	sadd.s32 $0x20, s12;
	s20 =	simm.s32 $0xF990  }
0x2a1: {  	[hbm4b:s19+s3] =	stream.linear.scatter [tilespmem:s20], [sflag:$0x8], $0x80, $0x38;
	[tilespmem:$0x10100] =	vst v63  }
0x2a2: {  	s19 =	sadd.s32 $0x30, s12;
	s20 =	simm.s32 $0xFA18  }
0x2a3: {  	[hbm4b:s19+s3] =	stream.linear.scatter [tilespmem:s20], [sflag:$0x8], $0x80, $0x38;
	[tilespmem:$0x10100] =	vst v63  }
0x2a4: {  	s19 =	sadd.s32 $0x40, s12;
	s20 =	simm.s32 $0xFAA0  }
0x2a5: {  	[hbm4b:s19+s3] =	stream.linear.scatter [tilespmem:s20], [sflag:$0x8], $0x80, $0x38;
	[tilespmem:$0x10100] =	vst v63  }
0x2a6: {  	s19 =	sadd.s32 $0x50, s12;
	s20 =	simm.s32 $0xFB28  }
0x2a7: {  	[hbm4b:s19+s3] =	stream.linear.scatter [tilespmem:s20], [sflag:$0x8], $0x80, $0x38;
	[tilespmem:$0x10100] =	vst v63  }
0x2a8: {  	s18 =	sadd.s32 $0x60, s12;
	s19 =	simm.s32 $0xFBB0  }
0x2a9: {  	[hbm4b:s18+s3] =	stream.linear.scatter [tilespmem:s19], [sflag:$0x8], $0x80, $0x38;
	[tilespmem:$0x10100] =	vst v63  }
0x2aa: {  	s12 =	sadd.s32 $0x70, s12;
	s20 =	simm.s32 $0xFC38  }
0x2ab: {  	[hbm4b:s12+s3] =	stream.linear.scatter [tilespmem:s20], [sflag:$0x8], $0x80, $0x38;
	[tilespmem:$0x10100] =	vst v63  }
0x2ac: {  	s2 =	sadd.s32 s2, s10;
	s18 =	simm.s32 $0xFCC0  }
0x2ad: {  	[hbm4b:s2+s3] =	stream.linear.scatter [tilespmem:s18], [sflag:$0x8], $0x80, $0x38;
	[tilespmem:$0x10100] =	vst v63  }
0x2ae: {  	s19 =	sadd.s32 $0x10, s2  }
0x2af: {  	[hbm4b:s19+s3] =	stream.linear.scatter [tilespmem:s21], [sflag:$0x8], $0x80, $0x38;
	[tilespmem:$0x10100] =	vst v63  }
0x2b0: {  	s20 =	sadd.s32 $0x20, s2  }
0x2b1: {  	[hbm4b:s20+s3] =	stream.linear.scatter [tilespmem:s6], [sflag:$0x8], $0x80, $0x38;
	[tilespmem:$0x10100] =	vst v63  }
0x2b2: {  	s13 =	sadd.s32 $0x30, s2  }
0x2b3: {  	[hbm4b:s13+s3] =	stream.linear.scatter [tilespmem:s7], [sflag:$0x8], $0x80, $0x38;
	[tilespmem:$0x10100] =	vst v63  }
0x2b4: {  	s18 =	sadd.s32 $0x40, s2  }
0x2b5: {  	[hbm4b:s18+s3] =	stream.linear.scatter [tilespmem:s11], [sflag:$0x8], $0x80, $0x38;
	[tilespmem:$0x10100] =	vst v63  }
0x2b6: {  	s19 =	sadd.s32 $0x50, s2  }
0x2b7: {  	[hbm4b:s19+s3] =	stream.linear.scatter [tilespmem:s14], [sflag:$0x8], $0x80, $0x38;
	[tilespmem:$0x10100] =	vst v63  }
.Ltmp6:
0x2b8: {  	_ = 	snop;
	(pc) =	sbr.rel @p1 .LBB2_12-.Ltmp6, $4  }
0x2b9: {  	s20 =	sadd.s32 $0x60, s2  }
0x2ba: {  	[hbm4b:s20+s3] =	stream.linear.scatter [tilespmem:s22], [sflag:$0x8], $0x80, $0x38;
	[tilespmem:$0x10100] =	vst v63  }
0x2bb: {  	s2 =	sadd.s32 $0x70, s2  }
0x2bc: {  	[hbm4b:s2+s3] =	stream.linear.scatter [tilespmem:s28], [sflag:$0x8], $0x80, $0x38;
	[tilespmem:$0x10100] =	vst v63  }
.Ltmp7:
0x2bd: {  	(pc) =	sbr.rel .LBB2_2-.Ltmp7, $4  }
0x2be: {  	s0 =	sshll.u32 s0, $0x7  }
0x2bf: {  	s0 =	sadd.s32 $0x380, s0  }
0x2c0: {  	s2 =	simm.s32 $0xAD00;
	s31 =	sadd.s32 $0x1, s31;
	s0 =	sand.u32 $0xFF80, s0  }
0x2c1: {  	[tilespmem:s2], [sflag:$0x4] =	stream.indirect.gather [hbm4b:s4+s16], $0x20, s0, s16, $0xb8;
	[tilespmem:$0x10100] =	vst v63  }
.LBB2_13:
0x2c2: {  	_ =	sfence.sel $0x180000  }
0x2c3: {  	[bflag:$0x0] =	sbarrier.arrive $0xFFFF  }
0x2c4: {  	_ =	strace $0x90000047  }
0x2c5: {  	s0 =	stileid.u32;
	[bflag:$0x2] =	sbarrier.arrive $0xFFFF  }
0x2c6: {  	p0 =	sne.s32 s0, $0x0;
	s0 =	rddreg [dreg:$0x3]  }
0x2c7: {  	s0 =	sadd.s32 @!p0 $0x100000, s0  }
0x2c8: {  	[sflag:s0] =	ssyncadd.tile.s32 @!p0 $0x1;
	_ =	shalt  }
.Lfunc_end2:
_tile_overlayer_lowered:
.L_overlay_start_2:
0x2c9: {  	(tag) =	ssettag $0x2  }
0x2ca: {  	s0 =	rddreg [dreg:$0x0];
	s2 =	stileid.u32  }
0x2cb: {  	s1 =	rddreg [dreg:$0x1];
	p0 =	sne.s32 s2, $0x0  }
0x2cc: {  	s3 =	rddreg [dreg:$0x2];
	[bflag:$0x3] =	sbarrier.arrive $0xFFFF;
	s2 =	simm.s32 @!p0 $0x1C09  }
0x2cd: {  	[timem:s3], [sflag:s2] =	dma.local @!p0 [hbm:s0], s1  }
0x2ce: {  	s0 =	simm.s32 @!p0 $0x9  }
0x2cf: {  	_ =	swait.ge @!p0 [sflag:s0], s1  }
0x2d0: {  	s1 =	ssub.s32 @!p0 $0x0, s1;
	[sflag:s0] =	ssyncset.done @!p0 $0x0  }
0x2d1: {  	[sflag:s0] =	ssyncadd.s32 @!p0 s1  }
0x2d2: {  	[bflag:$0x3] =	sbarrier.arrive $0xFFFF  }
0x2d3: {  	_ =	shalt  }

</sc_bundles>
